<compile_context>
chip_gen: v7x
topology: tpu7x:2x2x1
jax: 0.10.2.dev20260603
libtpu: 0.0.44.dev20260713+nightly
codegen_flags: <defaults>
</compile_context>

<pallas_src>
import functools

import jax
import jax.numpy as jnp
from jax import lax
from jax.experimental import pallas as pl
from jax.experimental.pallas import tpu as pltpu
from jax.experimental.pallas import tpu_sc as plsc

NC = 2
NS = 16
CHUNK = 128


U = 2
UD = 8
PAD_U = 8


def _n_pad(n_nodes):
    return -(-n_nodes // (NS * CHUNK)) * NS * CHUNK


def _pad_edges(edge_index, n_nodes, n_pad):
    n_edges = edge_index.shape[1]
    per = NC * NS * PAD_U * CHUNK
    e_pad = -(-n_edges // per) * per
    extra = e_pad - n_edges
    if extra:
        spare = n_pad - n_nodes
        dst_fill = n_nodes + jnp.arange(extra, dtype=jnp.int32) % spare
        fill = jnp.concatenate([
            jnp.zeros((1, extra), jnp.int32),
            dst_fill[None, :],
        ])
        edge_index = jnp.concatenate([edge_index, fill], axis=1)
    return edge_index



def _sc_agg_body(n_pad, nchunk, dim,
                 tab, ei3, zrows, acc_out,
                 acc_sh, src_v, dst_v, rows_v, sem):
    c = lax.axis_index("c")
    s = lax.axis_index("s")
    slab = n_pad // NS
    nstage = slab // CHUNK
    start = s * slab

    pltpu.sync_copy(zrows, rows_v)
    for j in range(nstage):
        pltpu.sync_copy(rows_v, acc_sh.at[pl.ds(start + j * CHUNK, CHUNK)])
    plsc.subcore_barrier()

    half = nchunk // NC
    nk = half // NS

    def body(k, carry):
        off = (c * half + s + NS * k) * CHUNK
        pltpu.sync_copy(ei3.at[0, pl.ds(off, CHUNK)], src_v)
        pltpu.sync_copy(ei3.at[1, pl.ds(off, CHUNK)], dst_v.at[0])
        pltpu.async_copy(tab.at[src_v], rows_v, sem).wait()
        pltpu.sync_copy(rows_v, acc_sh.at[dst_v.at[0]], add=True)
        return carry

    lax.fori_loop(0, nk, body, 0)
    plsc.subcore_barrier()

    for j in range(nstage):
        pltpu.sync_copy(acc_sh.at[pl.ds(start + j * CHUNK, CHUNK)], rows_v)
        pltpu.sync_copy(rows_v, acc_out.at[c, pl.ds(start + j * CHUNK, CHUNK)])


def _sc_segment_sum(table, ei3, n_pad):
    n_nodes, dim = table.shape
    nchunk = ei3.shape[1] // CHUNK
    mesh = plsc.VectorSubcoreMesh(core_axis_name="c", subcore_axis_name="s",
                                  num_cores=NC, num_subcores=NS)
    fn = pl.kernel(
        functools.partial(_sc_agg_body, n_pad, nchunk, dim),
        out_type=jax.ShapeDtypeStruct((NC, n_pad, dim), jnp.float32),
        mesh=mesh,
        scratch_types=[
            pltpu.VMEM_SHARED((n_pad, dim), jnp.float32),
            pltpu.VMEM((CHUNK,), jnp.int32),
            pltpu.VMEM((1, CHUNK), jnp.int32),
            pltpu.VMEM((CHUNK, dim), jnp.float32),
            pltpu.SemaphoreType.DMA,
        ],
        name=f"sc_segsum_d{dim}")
    return fn(table, ei3, jnp.zeros((CHUNK, dim), jnp.float32))



def _sc_deg_body(n_pad, nchunk,
                 ei3, zrows, ones_h, cnt_out,
                 cnt_sh, dst_v, rows_v, sem):
    c = lax.axis_index("c")
    s = lax.axis_index("s")
    slab = n_pad // NS
    nstage = slab // CHUNK
    start = s * slab

    pltpu.sync_copy(zrows, rows_v)
    for j in range(nstage):
        pltpu.sync_copy(rows_v, cnt_sh.at[pl.ds(start + j * CHUNK, CHUNK)])
    pltpu.sync_copy(ones_h, rows_v)
    plsc.subcore_barrier()

    half = nchunk // NC
    nk = half // NS

    def body(k, carry):
        off = (c * half + s + NS * k) * CHUNK
        pltpu.sync_copy(ei3.at[1, pl.ds(off, CHUNK)], dst_v.at[0])
        pltpu.sync_copy(rows_v, cnt_sh.at[dst_v.at[0]], add=True)
        return carry

    lax.fori_loop(0, nk, body, 0)
    plsc.subcore_barrier()

    for j in range(nstage):
        pltpu.sync_copy(cnt_sh.at[pl.ds(start + j * CHUNK, CHUNK)], rows_v)
        pltpu.sync_copy(rows_v, cnt_out.at[c, pl.ds(start + j * CHUNK, CHUNK)])


def _sc_degree(ei3, n_pad):
    nchunk = ei3.shape[1] // CHUNK
    dim = 128
    mesh = plsc.VectorSubcoreMesh(core_axis_name="c", subcore_axis_name="s",
                                  num_cores=NC, num_subcores=NS)
    fn = pl.kernel(
        functools.partial(_sc_deg_body, n_pad, nchunk),
        out_type=jax.ShapeDtypeStruct((NC, n_pad, dim), jnp.float32),
        mesh=mesh,
        scratch_types=[
            pltpu.VMEM_SHARED((n_pad, dim), jnp.float32),
            pltpu.VMEM((1, CHUNK), jnp.int32),
            pltpu.VMEM((CHUNK, dim), jnp.float32),
            pltpu.SemaphoreType.DMA,
        ],
        name="sc_degree")
    return fn(ei3, jnp.zeros((CHUNK, dim), jnp.float32),
              jnp.ones((CHUNK, dim), jnp.float32))



def _mm(a, w):
    return lax.dot_general(a, w, (((1,), (1,)), ((), ())),
                           preferred_element_type=jnp.float32)


def _dense_body(acc_ref, cnt_ref, x_ref, wl_ref, ml_ref, wr_ref, mr_ref,
                b_ref, z_ref, st_ref):
    i = pl.program_id(0)
    summed = acc_ref[0] + acc_ref[1]
    cnt = cnt_ref[0, :, 0:1] + cnt_ref[1, :, 0:1]
    mean = summed / jnp.maximum(cnt, 1.0)
    wl = wl_ref[...] * ml_ref[...]
    wr = wr_ref[...] * mr_ref[...]
    z = _mm(mean, wl) + _mm(x_ref[...], wr) + b_ref[...]
    z_ref[...] = z

    @pl.when(i == 0)
    def _():
        st_ref[...] = jnp.zeros_like(st_ref)

    st_ref[0:1, :] += jnp.sum(z, axis=0, keepdims=True)
    st_ref[1:2, :] += jnp.sum(z * z, axis=0, keepdims=True)


def _dense_layer(acc, cnt, x, wl, ml, wr, mr, b, blk=1000):
    n, d = x.shape
    h = wl.shape[0]
    grid = (n // blk,)
    z, st = pl.pallas_call(
        _dense_body,
        grid=grid,
        in_specs=[
            pl.BlockSpec((NC, blk, acc.shape[2]), lambda i: (0, i, 0)),
            pl.BlockSpec((NC, blk, cnt.shape[2]), lambda i: (0, i, 0)),
            pl.BlockSpec((blk, d), lambda i: (i, 0)),
            pl.BlockSpec((h, d), lambda i: (0, 0)),
            pl.BlockSpec((h, d), lambda i: (0, 0)),
            pl.BlockSpec((h, d), lambda i: (0, 0)),
            pl.BlockSpec((h, d), lambda i: (0, 0)),
            pl.BlockSpec((1, h), lambda i: (0, 0)),
        ],
        out_specs=[
            pl.BlockSpec((blk, h), lambda i: (i, 0)),
            pl.BlockSpec((2, h), lambda i: (0, 0)),
        ],
        out_shape=[
            jax.ShapeDtypeStruct((n, h), jnp.float32),
            jax.ShapeDtypeStruct((2, h), jnp.float32),
        ],
    )(acc, cnt, x, wl, ml, wr, mr, b)
    return z, st


def _bn_coeffs(st, g, be, n, eps=1e-5):
    mu = st[0] / n
    var = st[1] / n - mu * mu
    a = g * lax.rsqrt(var + eps)
    c = be - mu * a
    return a.reshape(1, -1), c.reshape(1, -1)


def _affine_relu_body(z_ref, a_ref, c_ref, h_ref):
    h_ref[...] = jnp.maximum(z_ref[...] * a_ref[...] + c_ref[...], 0.0)


def _affine_relu(z, a, c, blk=1000):
    n, h = z.shape
    return pl.pallas_call(
        _affine_relu_body,
        grid=(n // blk,),
        in_specs=[
            pl.BlockSpec((blk, h), lambda i: (i, 0)),
            pl.BlockSpec((1, h), lambda i: (0, 0)),
            pl.BlockSpec((1, h), lambda i: (0, 0)),
        ],
        out_specs=pl.BlockSpec((blk, h), lambda i: (i, 0)),
        out_shape=jax.ShapeDtypeStruct((n, h), jnp.float32),
    )(z, a, c)


def _affine_relu_mm_body(z_ref, a_ref, c_ref, wl_ref, ml_ref, wr_ref, mr_ref,
                         b_ref, y_ref, r_ref):
    hid = jnp.maximum(z_ref[...] * a_ref[...] + c_ref[...], 0.0)
    y_ref[...] = _mm(hid, wl_ref[...] * ml_ref[...])
    r_ref[...] = _mm(hid, wr_ref[...] * mr_ref[...]) + b_ref[...]


def _affine_relu_mm(z, a, c, wl_pad, ml_pad, wr, mr, b, blk=1000):
    n, h = z.shape
    cp = wl_pad.shape[0]
    co = wr.shape[0]
    return pl.pallas_call(
        _affine_relu_mm_body,
        grid=(n // blk,),
        in_specs=[
            pl.BlockSpec((blk, h), lambda i: (i, 0)),
            pl.BlockSpec((1, h), lambda i: (0, 0)),
            pl.BlockSpec((1, h), lambda i: (0, 0)),
            pl.BlockSpec((cp, h), lambda i: (0, 0)),
            pl.BlockSpec((cp, h), lambda i: (0, 0)),
            pl.BlockSpec((co, h), lambda i: (0, 0)),
            pl.BlockSpec((co, h), lambda i: (0, 0)),
            pl.BlockSpec((1, co), lambda i: (0, 0)),
        ],
        out_specs=[
            pl.BlockSpec((blk, cp), lambda i: (i, 0)),
            pl.BlockSpec((blk, co), lambda i: (i, 0)),
        ],
        out_shape=[
            jax.ShapeDtypeStruct((n, cp), jnp.float32),
            jax.ShapeDtypeStruct((n, co), jnp.float32),
        ],
    )(z, a, c, wl_pad, ml_pad, wr, mr, b)


def _final_body(co, aggy_ref, cnt_ref, r_ref, o_ref):
    cnt = cnt_ref[0, :, 0:1] + cnt_ref[1, :, 0:1]
    my = (aggy_ref[0] + aggy_ref[1])[:, :co] / jnp.maximum(cnt, 1.0)
    logits = my + r_ref[...]
    m = jnp.max(logits, axis=1, keepdims=True)
    lse = jnp.log(jnp.sum(jnp.exp(logits - m), axis=1, keepdims=True)) + m
    o_ref[...] = logits - lse


def _final(aggy, cnt, r, blk=1000):
    n, co = r.shape
    cp = aggy.shape[2]
    return pl.pallas_call(
        functools.partial(_final_body, co),
        grid=(n // blk,),
        in_specs=[
            pl.BlockSpec((NC, blk, cp), lambda i: (0, i, 0)),
            pl.BlockSpec((NC, blk, cnt.shape[2]), lambda i: (0, i, 0)),
            pl.BlockSpec((blk, co), lambda i: (i, 0)),
        ],
        out_specs=pl.BlockSpec((blk, co), lambda i: (i, 0)),
        out_shape=jax.ShapeDtypeStruct((n, co), jnp.float32),
    )(aggy, cnt, r)



def kernel(x, edge_index, W0l, W0r, b0, g0, be0, W1l, W1r, b1, g1, be1,
           W2l, W2r, b2, m0l, m0r, m1l, m1r, m2l, m2r):
    n, d = x.shape
    h = W0l.shape[0]
    co = W2l.shape[0]
    cp = 128

    f32 = jnp.float32
    m0l, m0r = m0l.astype(f32), m0r.astype(f32)
    m1l, m1r = m1l.astype(f32), m1r.astype(f32)
    m2l, m2r = m2l.astype(f32), m2r.astype(f32)
    W2l_pad = jnp.zeros((cp, h), f32).at[:co].set(W2l)
    m2l_pad = jnp.zeros((cp, h), f32).at[:co].set(m2l)

    n_pad = _n_pad(n)
    ei3 = _pad_edges(edge_index, n, n_pad)

    cnt = _sc_degree(ei3, n_pad)

    acc0 = _sc_segment_sum(x, ei3, n_pad)
    z0, st0 = _dense_layer(acc0, cnt, x, W0l, m0l, W0r, m0r,
                           b0.reshape(1, -1))
    a0, c0 = _bn_coeffs(st0, g0, be0, n)
    h0 = _affine_relu(z0, a0, c0)

    acc1 = _sc_segment_sum(h0, ei3, n_pad)
    z1, st1 = _dense_layer(acc1, cnt, h0, W1l, m1l, W1r, m1r,
                           b1.reshape(1, -1))
    a1, c1 = _bn_coeffs(st1, g1, be1, n)

    y, r = _affine_relu_mm(z1, a1, c1, W2l_pad, m2l_pad, W2r, m2r,
                           b2.reshape(1, -1))
    aggy = _sc_segment_sum(y, ei3, n_pad)
    return _final(aggy, cnt, r)

# --- scband reference (transcript-rebuilt; emitter-appended) ---
"""Pipeline reference for scband-expander-sage-7773890805925 (READ-ONLY COPY).

The authoritative reference and input builder live on the scoring server;
editing this copy changes nothing except your own understanding.
"""

import jax, jax.numpy as jnp
import numpy as np

N = 10000
E = 320000
D = 128
H = 128
C = 40
DENSITY = 0.1


def _glorot(key, shape):
    fan_in, fan_out = shape[1], shape[0]
    scale = jnp.sqrt(2.0 / (fan_in + fan_out))
    return jax.random.normal(key, shape, jnp.float32) * scale


def setup_inputs(seed: int = 0) -> dict:
    key = jax.random.key(seed)
    ks = jax.random.split(key, 16)
    x = jax.random.normal(ks[0], (N, D), jnp.float32)
    edge_index = jax.random.randint(ks[1], (2, E), 0, N, dtype=jnp.int32)
    rng = np.random.default_rng(42)
    def mask(shape):
        return jnp.asarray(rng.random(shape) < DENSITY)
    inp = {
        'x': x,
        'edge_index': edge_index,
        # layer 0: indim -> hiddim (expander-masked SAGE: lin_l on aggregated, lin_r on root)
        'W0l': _glorot(ks[2], (H, D)), 'W0r': _glorot(ks[3], (H, D)), 'b0': jnp.zeros((H,), jnp.float32),
        'g0': jnp.ones((H,), jnp.float32), 'be0': jnp.zeros((H,), jnp.float32),
        # layer 1: hiddim -> hiddim
        'W1l': _glorot(ks[4], (H, H)), 'W1r': _glorot(ks[5], (H, H)), 'b1': jnp.zeros((H,), jnp.float32),
        'g1': jnp.ones((H,), jnp.float32), 'be1': jnp.zeros((H,), jnp.float32),
        # layer 2: hiddim -> outdim
        'W2l': _glorot(ks[6], (C, H)), 'W2r': _glorot(ks[7], (C, H)), 'b2': jnp.zeros((C,), jnp.float32),
        # expander sparsity masks (constant, sampled once at init like sampler())
        'm0l': mask((H, D)), 'm0r': mask((H, D)),
        'm1l': mask((H, H)), 'm1r': mask((H, H)),
        'm2l': mask((C, H)), 'm2r': mask((C, H)),
    }
    return inp


def _sage_conv(x, edge_index, Wl, ml, Wr, mr, b):
    src = edge_index[0]
    dst = edge_index[1]
    msg = jnp.take(x, src, axis=0)
    summed = jax.ops.segment_sum(msg, dst, num_segments=N)
    cnt = jax.ops.segment_sum(jnp.ones((edge_index.shape[1],), x.dtype), dst, num_segments=N)
    mean = summed / jnp.clip(cnt, 1.0)[:, None]
    out = mean @ (Wl * ml.astype(Wl.dtype)).T + b
    out = out + x @ (Wr * mr.astype(Wr.dtype)).T
    return out


def _batchnorm(h, g, b, eps=1e-5):
    mu = h.mean(axis=0)
    var = h.var(axis=0)
    return (h - mu) / jnp.sqrt(var + eps) * g + b


def reference(x, edge_index, W0l, W0r, b0, g0, be0, W1l, W1r, b1, g1, be1, W2l, W2r, b2, m0l, m0r, m1l, m1r, m2l, m2r):
    h = _sage_conv(x, edge_index, W0l, m0l, W0r, m0r, b0)
    h = _batchnorm(h, g0, be0)
    h = jax.nn.relu(h)
    # dropout is identity in eval mode
    h = _sage_conv(h, edge_index, W1l, m1l, W1r, m1r, b1)
    h = _batchnorm(h, g1, be1)
    h = jax.nn.relu(h)
    h = _sage_conv(h, edge_index, W2l, m2l, W2r, m2r, b2)
    return jax.nn.log_softmax(h, axis=-1)

if __name__ == "__main__":
    import jax
    _d = setup_inputs()
    print(jax.jit(kernel)(*tuple(_d.values())))

</pallas_src>

<mosaic_0001>
#map = affine_map<(d0, d1) -> (0, 0)>
#map1 = affine_map<(d0, d1) -> (0, 0, 0)>
module attributes {stable_mosaic.version = 14 : i64} {
  func.func @sc_segsum_d128(%arg0: i32, %arg1: i32, %arg2: memref<10000x128xf32, #tpu.memory_space<hbm>>, %arg3: memref<2x327680xi32, #tpu.memory_space<hbm>>, %arg4: memref<128x128xf32, #tpu.memory_space<hbm>>, %arg5: memref<2x10240x128xf32, #tpu.memory_space<hbm>>, %arg6: memref<10240x128xf32, #tpu.memory_space<vmem_shared>>, %arg7: memref<128xi32, #tpu.memory_space<vmem>>, %arg8: memref<1x128xi32, #tpu.memory_space<vmem>>, %arg9: memref<128x128xf32, #tpu.memory_space<vmem>>, %arg10: memref<!tpu.dma_semaphore, #tpu.memory_space<semaphore_mem>>) attributes {dimension_semantics = [#tpu.dimension_semantics<core_parallel>, #tpu.dimension_semantics<subcore_parallel>], iteration_bounds = array<i64: 2, 16>, scalar_prefetch = 0 : i64, scratch_operands = 5 : i64, tpu.core_type = #tpu.core_type<sc_vector_subcore>, window_params = [{transform_indices = #map}, {transform_indices = #map}, {transform_indices = #map}, {transform_indices = #map1}]} {
    %mul3A = arith.constant 640 : i32
    %mul3A_0 = arith.muli %arg1, %mul3A : i32
    "tpu.region"() ({
      %run_scoped3A = tpu.sem_alloc : memref<!tpu.dma_semaphore, #tpu.memory_space<semaphore_mem>>
      tpu.enqueue_dma source(%arg4 : memref<128x128xf32, #tpu.memory_space<hbm>>) target(%arg9 : memref<128x128xf32, #tpu.memory_space<vmem>>) target_semaphore(%run_scoped3A : memref<!tpu.dma_semaphore, #tpu.memory_space<semaphore_mem>>)
      tpu.wait_dma2 semaphore(%run_scoped3A : memref<!tpu.dma_semaphore, #tpu.memory_space<semaphore_mem>>) src(%arg4 : memref<128x128xf32, #tpu.memory_space<hbm>>) dst(%arg9 : memref<128x128xf32, #tpu.memory_space<vmem>>)
      tpu.yield
    }) : () -> ()
    %add3A = arith.constant 0 : i32
    %add3A_1 = arith.addi %mul3A_0, %add3A : i32
    "tpu.region"() ({
      %run_scoped3A = tpu.sem_alloc : memref<!tpu.dma_semaphore, #tpu.memory_space<semaphore_mem>>
      %dma_start3A = arith.constant 0 : i32
      %dma_start3A_36 = tpu.memref_slice %arg6[%add3A_1, %dma_start3A] : memref<10240x128xf32, #tpu.memory_space<vmem_shared>> -> memref<128x128xf32, #tpu.memory_space<vmem_shared>>
      %dma_start3A_37 = arith.constant 0 : i32
      %dma_start3A_38 = tpu.memref_slice %arg6[%add3A_1, %dma_start3A_37] : memref<10240x128xf32, #tpu.memory_space<vmem_shared>> -> memref<128x128xf32, #tpu.memory_space<vmem_shared>>
      tpu.enqueue_dma source(%arg9 : memref<128x128xf32, #tpu.memory_space<vmem>>) target(%dma_start3A_38 : memref<128x128xf32, #tpu.memory_space<vmem_shared>>) target_semaphore(%run_scoped3A : memref<!tpu.dma_semaphore, #tpu.memory_space<semaphore_mem>>)
      %dma_wait3A = arith.constant 0 : i32
      %dma_wait3A_39 = tpu.memref_slice %arg6[%add3A_1, %dma_wait3A] : memref<10240x128xf32, #tpu.memory_space<vmem_shared>> -> memref<128x128xf32, #tpu.memory_space<vmem_shared>>
      %dma_wait3A_40 = arith.constant 0 : i32
      %dma_wait3A_41 = tpu.memref_slice %arg6[%add3A_1, %dma_wait3A_40] : memref<10240x128xf32, #tpu.memory_space<vmem_shared>> -> memref<128x128xf32, #tpu.memory_space<vmem_shared>>
      tpu.wait_dma2 semaphore(%run_scoped3A : memref<!tpu.dma_semaphore, #tpu.memory_space<semaphore_mem>>) src(%arg9 : memref<128x128xf32, #tpu.memory_space<vmem>>) dst(%dma_wait3A_41 : memref<128x128xf32, #tpu.memory_space<vmem_shared>>)
      tpu.yield
    }) : () -> ()
    %add3A_2 = arith.constant 128 : i32
    %add3A_3 = arith.addi %mul3A_0, %add3A_2 : i32
    "tpu.region"() ({
      %run_scoped3A = tpu.sem_alloc : memref<!tpu.dma_semaphore, #tpu.memory_space<semaphore_mem>>
      %dma_start3A = arith.constant 0 : i32
      %dma_start3A_36 = tpu.memref_slice %arg6[%add3A_3, %dma_start3A] : memref<10240x128xf32, #tpu.memory_space<vmem_shared>> -> memref<128x128xf32, #tpu.memory_space<vmem_shared>>
      %dma_start3A_37 = arith.constant 0 : i32
      %dma_start3A_38 = tpu.memref_slice %arg6[%add3A_3, %dma_start3A_37] : memref<10240x128xf32, #tpu.memory_space<vmem_shared>> -> memref<128x128xf32, #tpu.memory_space<vmem_shared>>
      tpu.enqueue_dma source(%arg9 : memref<128x128xf32, #tpu.memory_space<vmem>>) target(%dma_start3A_38 : memref<128x128xf32, #tpu.memory_space<vmem_shared>>) target_semaphore(%run_scoped3A : memref<!tpu.dma_semaphore, #tpu.memory_space<semaphore_mem>>)
      %dma_wait3A = arith.constant 0 : i32
      %dma_wait3A_39 = tpu.memref_slice %arg6[%add3A_3, %dma_wait3A] : memref<10240x128xf32, #tpu.memory_space<vmem_shared>> -> memref<128x128xf32, #tpu.memory_space<vmem_shared>>
      %dma_wait3A_40 = arith.constant 0 : i32
      %dma_wait3A_41 = tpu.memref_slice %arg6[%add3A_3, %dma_wait3A_40] : memref<10240x128xf32, #tpu.memory_space<vmem_shared>> -> memref<128x128xf32, #tpu.memory_space<vmem_shared>>
      tpu.wait_dma2 semaphore(%run_scoped3A : memref<!tpu.dma_semaphore, #tpu.memory_space<semaphore_mem>>) src(%arg9 : memref<128x128xf32, #tpu.memory_space<vmem>>) dst(%dma_wait3A_41 : memref<128x128xf32, #tpu.memory_space<vmem_shared>>)
      tpu.yield
    }) : () -> ()
    %add3A_4 = arith.constant 256 : i32
    %add3A_5 = arith.addi %mul3A_0, %add3A_4 : i32
    "tpu.region"() ({
      %run_scoped3A = tpu.sem_alloc : memref<!tpu.dma_semaphore, #tpu.memory_space<semaphore_mem>>
      %dma_start3A = arith.constant 0 : i32
      %dma_start3A_36 = tpu.memref_slice %arg6[%add3A_5, %dma_start3A] : memref<10240x128xf32, #tpu.memory_space<vmem_shared>> -> memref<128x128xf32, #tpu.memory_space<vmem_shared>>
      %dma_start3A_37 = arith.constant 0 : i32
      %dma_start3A_38 = tpu.memref_slice %arg6[%add3A_5, %dma_start3A_37] : memref<10240x128xf32, #tpu.memory_space<vmem_shared>> -> memref<128x128xf32, #tpu.memory_space<vmem_shared>>
      tpu.enqueue_dma source(%arg9 : memref<128x128xf32, #tpu.memory_space<vmem>>) target(%dma_start3A_38 : memref<128x128xf32, #tpu.memory_space<vmem_shared>>) target_semaphore(%run_scoped3A : memref<!tpu.dma_semaphore, #tpu.memory_space<semaphore_mem>>)
      %dma_wait3A = arith.constant 0 : i32
      %dma_wait3A_39 = tpu.memref_slice %arg6[%add3A_5, %dma_wait3A] : memref<10240x128xf32, #tpu.memory_space<vmem_shared>> -> memref<128x128xf32, #tpu.memory_space<vmem_shared>>
      %dma_wait3A_40 = arith.constant 0 : i32
      %dma_wait3A_41 = tpu.memref_slice %arg6[%add3A_5, %dma_wait3A_40] : memref<10240x128xf32, #tpu.memory_space<vmem_shared>> -> memref<128x128xf32, #tpu.memory_space<vmem_shared>>
      tpu.wait_dma2 semaphore(%run_scoped3A : memref<!tpu.dma_semaphore, #tpu.memory_space<semaphore_mem>>) src(%arg9 : memref<128x128xf32, #tpu.memory_space<vmem>>) dst(%dma_wait3A_41 : memref<128x128xf32, #tpu.memory_space<vmem_shared>>)
      tpu.yield
    }) : () -> ()
    %add3A_6 = arith.constant 384 : i32
    %add3A_7 = arith.addi %mul3A_0, %add3A_6 : i32
    "tpu.region"() ({
      %run_scoped3A = tpu.sem_alloc : memref<!tpu.dma_semaphore, #tpu.memory_space<semaphore_mem>>
      %dma_start3A = arith.constant 0 : i32
      %dma_start3A_36 = tpu.memref_slice %arg6[%add3A_7, %dma_start3A] : memref<10240x128xf32, #tpu.memory_space<vmem_shared>> -> memref<128x128xf32, #tpu.memory_space<vmem_shared>>
      %dma_start3A_37 = arith.constant 0 : i32
      %dma_start3A_38 = tpu.memref_slice %arg6[%add3A_7, %dma_start3A_37] : memref<10240x128xf32, #tpu.memory_space<vmem_shared>> -> memref<128x128xf32, #tpu.memory_space<vmem_shared>>
      tpu.enqueue_dma source(%arg9 : memref<128x128xf32, #tpu.memory_space<vmem>>) target(%dma_start3A_38 : memref<128x128xf32, #tpu.memory_space<vmem_shared>>) target_semaphore(%run_scoped3A : memref<!tpu.dma_semaphore, #tpu.memory_space<semaphore_mem>>)
      %dma_wait3A = arith.constant 0 : i32
      %dma_wait3A_39 = tpu.memref_slice %arg6[%add3A_7, %dma_wait3A] : memref<10240x128xf32, #tpu.memory_space<vmem_shared>> -> memref<128x128xf32, #tpu.memory_space<vmem_shared>>
      %dma_wait3A_40 = arith.constant 0 : i32
      %dma_wait3A_41 = tpu.memref_slice %arg6[%add3A_7, %dma_wait3A_40] : memref<10240x128xf32, #tpu.memory_space<vmem_shared>> -> memref<128x128xf32, #tpu.memory_space<vmem_shared>>
      tpu.wait_dma2 semaphore(%run_scoped3A : memref<!tpu.dma_semaphore, #tpu.memory_space<semaphore_mem>>) src(%arg9 : memref<128x128xf32, #tpu.memory_space<vmem>>) dst(%dma_wait3A_41 : memref<128x128xf32, #tpu.memory_space<vmem_shared>>)
      tpu.yield
    }) : () -> ()
    %add3A_8 = arith.constant 512 : i32
    %add3A_9 = arith.addi %mul3A_0, %add3A_8 : i32
    "tpu.region"() ({
      %run_scoped3A = tpu.sem_alloc : memref<!tpu.dma_semaphore, #tpu.memory_space<semaphore_mem>>
      %dma_start3A = arith.constant 0 : i32
      %dma_start3A_36 = tpu.memref_slice %arg6[%add3A_9, %dma_start3A] : memref<10240x128xf32, #tpu.memory_space<vmem_shared>> -> memref<128x128xf32, #tpu.memory_space<vmem_shared>>
      %dma_start3A_37 = arith.constant 0 : i32
      %dma_start3A_38 = tpu.memref_slice %arg6[%add3A_9, %dma_start3A_37] : memref<10240x128xf32, #tpu.memory_space<vmem_shared>> -> memref<128x128xf32, #tpu.memory_space<vmem_shared>>
      tpu.enqueue_dma source(%arg9 : memref<128x128xf32, #tpu.memory_space<vmem>>) target(%dma_start3A_38 : memref<128x128xf32, #tpu.memory_space<vmem_shared>>) target_semaphore(%run_scoped3A : memref<!tpu.dma_semaphore, #tpu.memory_space<semaphore_mem>>)
      %dma_wait3A = arith.constant 0 : i32
      %dma_wait3A_39 = tpu.memref_slice %arg6[%add3A_9, %dma_wait3A] : memref<10240x128xf32, #tpu.memory_space<vmem_shared>> -> memref<128x128xf32, #tpu.memory_space<vmem_shared>>
      %dma_wait3A_40 = arith.constant 0 : i32
      %dma_wait3A_41 = tpu.memref_slice %arg6[%add3A_9, %dma_wait3A_40] : memref<10240x128xf32, #tpu.memory_space<vmem_shared>> -> memref<128x128xf32, #tpu.memory_space<vmem_shared>>
      tpu.wait_dma2 semaphore(%run_scoped3A : memref<!tpu.dma_semaphore, #tpu.memory_space<semaphore_mem>>) src(%arg9 : memref<128x128xf32, #tpu.memory_space<vmem>>) dst(%dma_wait3A_41 : memref<128x128xf32, #tpu.memory_space<vmem_shared>>)
      tpu.yield
    }) : () -> ()
    %barrier3A = arith.constant 0 : index
    tpu.barrier barrier_id(%barrier3A)
    %scan3A = arith.constant 0 : i32
    %scan3A_10 = arith.constant 0 : i32
    %scan3A_11 = arith.constant 80 : i32
    %scan3A_12 = arith.addi %scan3A_10, %scan3A_11 : i32
    %scan3A_13 = arith.constant 1 : i32
    scf.for %scan3A_36 = %scan3A_10 to %scan3A_12 step %scan3A_13  : i32 {
      %mul3A_37 = arith.constant 1280 : i32
      %mul3A_38 = arith.muli %arg0, %mul3A_37 : i32
      %add3A_39 = arith.addi %mul3A_38, %arg1 : i32
      %mul3A_40 = arith.constant 16 : i32
      %mul3A_41 = arith.muli %mul3A_40, %scan3A_36 : i32
      %add3A_42 = arith.addi %add3A_39, %mul3A_41 : i32
      %mul3A_43 = arith.constant 128 : i32
      %mul3A_44 = arith.muli %add3A_42, %mul3A_43 : i32
      %run_scoped3A = arith.constant 0 : i32
      "tpu.region"() ({
        %run_scoped3A_52 = tpu.sem_alloc : memref<!tpu.dma_semaphore, #tpu.memory_space<semaphore_mem>>
        %dma_start3A_53 = tpu.memref_slice %arg3[%run_scoped3A, %mul3A_44] : memref<2x327680xi32, #tpu.memory_space<hbm>> -> memref<1x128xi32, #tpu.memory_space<hbm>>
        %dma_start3A_54 = tpu.memref_squeeze %dma_start3A_53 : memref<1x128xi32, #tpu.memory_space<hbm>> -> memref<128xi32, #tpu.memory_space<hbm>>
        %dma_start3A_55 = tpu.memref_slice %arg3[%run_scoped3A, %mul3A_44] : memref<2x327680xi32, #tpu.memory_space<hbm>> -> memref<1x128xi32, #tpu.memory_space<hbm>>
        %dma_start3A_56 = tpu.memref_squeeze %dma_start3A_55 : memref<1x128xi32, #tpu.memory_space<hbm>> -> memref<128xi32, #tpu.memory_space<hbm>>
        tpu.enqueue_dma source(%dma_start3A_56 : memref<128xi32, #tpu.memory_space<hbm>>) target(%arg7 : memref<128xi32, #tpu.memory_space<vmem>>) target_semaphore(%run_scoped3A_52 : memref<!tpu.dma_semaphore, #tpu.memory_space<semaphore_mem>>)
        %dma_wait3A_57 = tpu.memref_slice %arg3[%run_scoped3A, %mul3A_44] : memref<2x327680xi32, #tpu.memory_space<hbm>> -> memref<1x128xi32, #tpu.memory_space<hbm>>
        %dma_wait3A_58 = tpu.memref_squeeze %dma_wait3A_57 : memref<1x128xi32, #tpu.memory_space<hbm>> -> memref<128xi32, #tpu.memory_space<hbm>>
        %dma_wait3A_59 = tpu.memref_slice %arg3[%run_scoped3A, %mul3A_44] : memref<2x327680xi32, #tpu.memory_space<hbm>> -> memref<1x128xi32, #tpu.memory_space<hbm>>
        %dma_wait3A_60 = tpu.memref_squeeze %dma_wait3A_59 : memref<1x128xi32, #tpu.memory_space<hbm>> -> memref<128xi32, #tpu.memory_space<hbm>>
        tpu.wait_dma2 semaphore(%run_scoped3A_52 : memref<!tpu.dma_semaphore, #tpu.memory_space<semaphore_mem>>) src(%dma_wait3A_60 : memref<128xi32, #tpu.memory_space<hbm>>) dst(%arg7 : memref<128xi32, #tpu.memory_space<vmem>>)
        tpu.yield
      }) : () -> ()
      %run_scoped3A_45 = arith.constant 1 : i32
      %run_scoped3A_46 = arith.constant 0 : i32
      "tpu.region"() ({
        %run_scoped3A_52 = tpu.sem_alloc : memref<!tpu.dma_semaphore, #tpu.memory_space<semaphore_mem>>
        %dma_start3A_53 = arith.constant 0 : i32
        %dma_start3A_54 = tpu.memref_slice %arg8[%run_scoped3A_46, %dma_start3A_53] : memref<1x128xi32, #tpu.memory_space<vmem>> -> memref<1x128xi32, #tpu.memory_space<vmem>>
        %dma_start3A_55 = tpu.memref_squeeze %dma_start3A_54 : memref<1x128xi32, #tpu.memory_space<vmem>> -> memref<128xi32, #tpu.memory_space<vmem>>
        %dma_start3A_56 = tpu.memref_slice %arg3[%run_scoped3A_45, %mul3A_44] : memref<2x327680xi32, #tpu.memory_space<hbm>> -> memref<1x128xi32, #tpu.memory_space<hbm>>
        %dma_start3A_57 = tpu.memref_squeeze %dma_start3A_56 : memref<1x128xi32, #tpu.memory_space<hbm>> -> memref<128xi32, #tpu.memory_space<hbm>>
        %dma_start3A_58 = arith.constant 0 : i32
        %dma_start3A_59 = tpu.memref_slice %arg8[%run_scoped3A_46, %dma_start3A_58] : memref<1x128xi32, #tpu.memory_space<vmem>> -> memref<1x128xi32, #tpu.memory_space<vmem>>
        %dma_start3A_60 = tpu.memref_squeeze %dma_start3A_59 : memref<1x128xi32, #tpu.memory_space<vmem>> -> memref<128xi32, #tpu.memory_space<vmem>>
        %dma_start3A_61 = tpu.memref_slice %arg3[%run_scoped3A_45, %mul3A_44] : memref<2x327680xi32, #tpu.memory_space<hbm>> -> memref<1x128xi32, #tpu.memory_space<hbm>>
        %dma_start3A_62 = tpu.memref_squeeze %dma_start3A_61 : memref<1x128xi32, #tpu.memory_space<hbm>> -> memref<128xi32, #tpu.memory_space<hbm>>
        tpu.enqueue_dma source(%dma_start3A_62 : memref<128xi32, #tpu.memory_space<hbm>>) target(%dma_start3A_60 : memref<128xi32, #tpu.memory_space<vmem>>) target_semaphore(%run_scoped3A_52 : memref<!tpu.dma_semaphore, #tpu.memory_space<semaphore_mem>>)
        %dma_wait3A_63 = arith.constant 0 : i32
        %dma_wait3A_64 = tpu.memref_slice %arg8[%run_scoped3A_46, %dma_wait3A_63] : memref<1x128xi32, #tpu.memory_space<vmem>> -> memref<1x128xi32, #tpu.memory_space<vmem>>
        %dma_wait3A_65 = tpu.memref_squeeze %dma_wait3A_64 : memref<1x128xi32, #tpu.memory_space<vmem>> -> memref<128xi32, #tpu.memory_space<vmem>>
        %dma_wait3A_66 = tpu.memref_slice %arg3[%run_scoped3A_45, %mul3A_44] : memref<2x327680xi32, #tpu.memory_space<hbm>> -> memref<1x128xi32, #tpu.memory_space<hbm>>
        %dma_wait3A_67 = tpu.memref_squeeze %dma_wait3A_66 : memref<1x128xi32, #tpu.memory_space<hbm>> -> memref<128xi32, #tpu.memory_space<hbm>>
        %dma_wait3A_68 = arith.constant 0 : i32
        %dma_wait3A_69 = tpu.memref_slice %arg8[%run_scoped3A_46, %dma_wait3A_68] : memref<1x128xi32, #tpu.memory_space<vmem>> -> memref<1x128xi32, #tpu.memory_space<vmem>>
        %dma_wait3A_70 = tpu.memref_squeeze %dma_wait3A_69 : memref<1x128xi32, #tpu.memory_space<vmem>> -> memref<128xi32, #tpu.memory_space<vmem>>
        %dma_wait3A_71 = tpu.memref_slice %arg3[%run_scoped3A_45, %mul3A_44] : memref<2x327680xi32, #tpu.memory_space<hbm>> -> memref<1x128xi32, #tpu.memory_space<hbm>>
        %dma_wait3A_72 = tpu.memref_squeeze %dma_wait3A_71 : memref<1x128xi32, #tpu.memory_space<hbm>> -> memref<128xi32, #tpu.memory_space<hbm>>
        tpu.wait_dma2 semaphore(%run_scoped3A_52 : memref<!tpu.dma_semaphore, #tpu.memory_space<semaphore_mem>>) src(%dma_wait3A_72 : memref<128xi32, #tpu.memory_space<hbm>>) dst(%dma_wait3A_70 : memref<128xi32, #tpu.memory_space<vmem>>)
        tpu.yield
      }) : () -> ()
      %dma_start3A = arith.constant 0 : i32
      %dma_start3A_47 = arith.constant 0 : i32
      %dma_start3A_48 = tpu.memref_slice %arg2[%dma_start3A, %dma_start3A_47] : memref<10000x128xf32, #tpu.memory_space<hbm>> -> memref<10000x128xf32, #tpu.memory_space<hbm>>
      tpu.enqueue_indirect_dma source(%dma_start3A_48 : memref<10000x128xf32, #tpu.memory_space<hbm>>) target(%arg9 : memref<128x128xf32, #tpu.memory_space<vmem>>) offsets(%arg7 : memref<128xi32, #tpu.memory_space<vmem>>) semaphore(%arg10 : memref<!tpu.dma_semaphore, #tpu.memory_space<semaphore_mem>>)
      %dma_wait3A = arith.constant 0 : i32
      %dma_wait3A_49 = arith.constant 0 : i32
      %dma_wait3A_50 = tpu.memref_slice %arg2[%dma_wait3A, %dma_wait3A_49] : memref<10000x128xf32, #tpu.memory_space<hbm>> -> memref<10000x128xf32, #tpu.memory_space<hbm>>
      tpu.wait_indirect_dma semaphore(%arg10 : memref<!tpu.dma_semaphore, #tpu.memory_space<semaphore_mem>>) src(%dma_wait3A_50 : memref<10000x128xf32, #tpu.memory_space<hbm>>) dst(%arg9 : memref<128x128xf32, #tpu.memory_space<vmem>>)
      %run_scoped3A_51 = arith.constant 0 : i32
      "tpu.region"() ({
        %run_scoped3A_52 = tpu.sem_alloc : memref<!tpu.dma_semaphore, #tpu.memory_space<semaphore_mem>>
        %dma_start3A_53 = arith.constant 0 : i32
        %dma_start3A_54 = tpu.memref_slice %arg8[%run_scoped3A_51, %dma_start3A_53] : memref<1x128xi32, #tpu.memory_space<vmem>> -> memref<1x128xi32, #tpu.memory_space<vmem>>
        %dma_start3A_55 = tpu.memref_squeeze %dma_start3A_54 : memref<1x128xi32, #tpu.memory_space<vmem>> -> memref<128xi32, #tpu.memory_space<vmem>>
        %dma_start3A_56 = arith.constant 0 : i32
        %dma_start3A_57 = arith.constant 0 : i32
        %dma_start3A_58 = tpu.memref_slice %arg6[%dma_start3A_56, %dma_start3A_57] : memref<10240x128xf32, #tpu.memory_space<vmem_shared>> -> memref<10240x128xf32, #tpu.memory_space<vmem_shared>>
        tpu.enqueue_indirect_dma source(%arg9 : memref<128x128xf32, #tpu.memory_space<vmem>>) target(%dma_start3A_58 : memref<10240x128xf32, #tpu.memory_space<vmem_shared>>) offsets(%dma_start3A_55 : memref<128xi32, #tpu.memory_space<vmem>>) semaphore(%run_scoped3A_52 : memref<!tpu.dma_semaphore, #tpu.memory_space<semaphore_mem>>) {add = true}
        %dma_wait3A_59 = arith.constant 0 : i32
        %dma_wait3A_60 = tpu.memref_slice %arg8[%run_scoped3A_51, %dma_wait3A_59] : memref<1x128xi32, #tpu.memory_space<vmem>> -> memref<1x128xi32, #tpu.memory_space<vmem>>
        %dma_wait3A_61 = tpu.memref_squeeze %dma_wait3A_60 : memref<1x128xi32, #tpu.memory_space<vmem>> -> memref<128xi32, #tpu.memory_space<vmem>>
        %dma_wait3A_62 = arith.constant 0 : i32
        %dma_wait3A_63 = arith.constant 0 : i32
        %dma_wait3A_64 = tpu.memref_slice %arg6[%dma_wait3A_62, %dma_wait3A_63] : memref<10240x128xf32, #tpu.memory_space<vmem_shared>> -> memref<10240x128xf32, #tpu.memory_space<vmem_shared>>
        tpu.wait_indirect_dma semaphore(%run_scoped3A_52 : memref<!tpu.dma_semaphore, #tpu.memory_space<semaphore_mem>>) src(%arg9 : memref<128x128xf32, #tpu.memory_space<vmem>>) dst(%dma_wait3A_64 : memref<10240x128xf32, #tpu.memory_space<vmem_shared>>)
        tpu.yield
      }) : () -> ()
    }
    %scan3A_14 = arith.constant 80 : i32
    %barrier3A_15 = arith.constant 0 : index
    tpu.barrier barrier_id(%barrier3A_15)
    %add3A_16 = arith.constant 0 : i32
    %add3A_17 = arith.addi %mul3A_0, %add3A_16 : i32
    "tpu.region"() ({
      %run_scoped3A = tpu.sem_alloc : memref<!tpu.dma_semaphore, #tpu.memory_space<semaphore_mem>>
      %dma_start3A = arith.constant 0 : i32
      %dma_start3A_36 = tpu.memref_slice %arg6[%add3A_17, %dma_start3A] : memref<10240x128xf32, #tpu.memory_space<vmem_shared>> -> memref<128x128xf32, #tpu.memory_space<vmem_shared>>
      %dma_start3A_37 = arith.constant 0 : i32
      %dma_start3A_38 = tpu.memref_slice %arg6[%add3A_17, %dma_start3A_37] : memref<10240x128xf32, #tpu.memory_space<vmem_shared>> -> memref<128x128xf32, #tpu.memory_space<vmem_shared>>
      tpu.enqueue_dma source(%dma_start3A_38 : memref<128x128xf32, #tpu.memory_space<vmem_shared>>) target(%arg9 : memref<128x128xf32, #tpu.memory_space<vmem>>) target_semaphore(%run_scoped3A : memref<!tpu.dma_semaphore, #tpu.memory_space<semaphore_mem>>)
      %dma_wait3A = arith.constant 0 : i32
      %dma_wait3A_39 = tpu.memref_slice %arg6[%add3A_17, %dma_wait3A] : memref<10240x128xf32, #tpu.memory_space<vmem_shared>> -> memref<128x128xf32, #tpu.memory_space<vmem_shared>>
      %dma_wait3A_40 = arith.constant 0 : i32
      %dma_wait3A_41 = tpu.memref_slice %arg6[%add3A_17, %dma_wait3A_40] : memref<10240x128xf32, #tpu.memory_space<vmem_shared>> -> memref<128x128xf32, #tpu.memory_space<vmem_shared>>
      tpu.wait_dma2 semaphore(%run_scoped3A : memref<!tpu.dma_semaphore, #tpu.memory_space<semaphore_mem>>) src(%dma_wait3A_41 : memref<128x128xf32, #tpu.memory_space<vmem_shared>>) dst(%arg9 : memref<128x128xf32, #tpu.memory_space<vmem>>)
      tpu.yield
    }) : () -> ()
    %add3A_18 = arith.constant 0 : i32
    %add3A_19 = arith.addi %mul3A_0, %add3A_18 : i32
    "tpu.region"() ({
      %run_scoped3A = tpu.sem_alloc : memref<!tpu.dma_semaphore, #tpu.memory_space<semaphore_mem>>
      %dma_start3A = arith.constant 0 : i32
      %dma_start3A_36 = tpu.memref_slice %arg5[%arg0, %add3A_19, %dma_start3A] : memref<2x10240x128xf32, #tpu.memory_space<hbm>> -> memref<1x128x128xf32, #tpu.memory_space<hbm>>
      %dma_start3A_37 = tpu.memref_squeeze %dma_start3A_36 : memref<1x128x128xf32, #tpu.memory_space<hbm>> -> memref<128x128xf32, #tpu.memory_space<hbm>>
      %dma_start3A_38 = arith.constant 0 : i32
      %dma_start3A_39 = tpu.memref_slice %arg5[%arg0, %add3A_19, %dma_start3A_38] : memref<2x10240x128xf32, #tpu.memory_space<hbm>> -> memref<1x128x128xf32, #tpu.memory_space<hbm>>
      %dma_start3A_40 = tpu.memref_squeeze %dma_start3A_39 : memref<1x128x128xf32, #tpu.memory_space<hbm>> -> memref<128x128xf32, #tpu.memory_space<hbm>>
      tpu.enqueue_dma source(%arg9 : memref<128x128xf32, #tpu.memory_space<vmem>>) target(%dma_start3A_40 : memref<128x128xf32, #tpu.memory_space<hbm>>) target_semaphore(%run_scoped3A : memref<!tpu.dma_semaphore, #tpu.memory_space<semaphore_mem>>)
      %dma_wait3A = arith.constant 0 : i32
      %dma_wait3A_41 = tpu.memref_slice %arg5[%arg0, %add3A_19, %dma_wait3A] : memref<2x10240x128xf32, #tpu.memory_space<hbm>> -> memref<1x128x128xf32, #tpu.memory_space<hbm>>
      %dma_wait3A_42 = tpu.memref_squeeze %dma_wait3A_41 : memref<1x128x128xf32, #tpu.memory_space<hbm>> -> memref<128x128xf32, #tpu.memory_space<hbm>>
      %dma_wait3A_43 = arith.constant 0 : i32
      %dma_wait3A_44 = tpu.memref_slice %arg5[%arg0, %add3A_19, %dma_wait3A_43] : memref<2x10240x128xf32, #tpu.memory_space<hbm>> -> memref<1x128x128xf32, #tpu.memory_space<hbm>>
      %dma_wait3A_45 = tpu.memref_squeeze %dma_wait3A_44 : memref<1x128x128xf32, #tpu.memory_space<hbm>> -> memref<128x128xf32, #tpu.memory_space<hbm>>
      tpu.wait_dma2 semaphore(%run_scoped3A : memref<!tpu.dma_semaphore, #tpu.memory_space<semaphore_mem>>) src(%arg9 : memref<128x128xf32, #tpu.memory_space<vmem>>) dst(%dma_wait3A_45 : memref<128x128xf32, #tpu.memory_space<hbm>>)
      tpu.yield
    }) : () -> ()
    %add3A_20 = arith.constant 128 : i32
    %add3A_21 = arith.addi %mul3A_0, %add3A_20 : i32
    "tpu.region"() ({
      %run_scoped3A = tpu.sem_alloc : memref<!tpu.dma_semaphore, #tpu.memory_space<semaphore_mem>>
      %dma_start3A = arith.constant 0 : i32
      %dma_start3A_36 = tpu.memref_slice %arg6[%add3A_21, %dma_start3A] : memref<10240x128xf32, #tpu.memory_space<vmem_shared>> -> memref<128x128xf32, #tpu.memory_space<vmem_shared>>
      %dma_start3A_37 = arith.constant 0 : i32
      %dma_start3A_38 = tpu.memref_slice %arg6[%add3A_21, %dma_start3A_37] : memref<10240x128xf32, #tpu.memory_space<vmem_shared>> -> memref<128x128xf32, #tpu.memory_space<vmem_shared>>
      tpu.enqueue_dma source(%dma_start3A_38 : memref<128x128xf32, #tpu.memory_space<vmem_shared>>) target(%arg9 : memref<128x128xf32, #tpu.memory_space<vmem>>) target_semaphore(%run_scoped3A : memref<!tpu.dma_semaphore, #tpu.memory_space<semaphore_mem>>)
      %dma_wait3A = arith.constant 0 : i32
      %dma_wait3A_39 = tpu.memref_slice %arg6[%add3A_21, %dma_wait3A] : memref<10240x128xf32, #tpu.memory_space<vmem_shared>> -> memref<128x128xf32, #tpu.memory_space<vmem_shared>>
      %dma_wait3A_40 = arith.constant 0 : i32
      %dma_wait3A_41 = tpu.memref_slice %arg6[%add3A_21, %dma_wait3A_40] : memref<10240x128xf32, #tpu.memory_space<vmem_shared>> -> memref<128x128xf32, #tpu.memory_space<vmem_shared>>
      tpu.wait_dma2 semaphore(%run_scoped3A : memref<!tpu.dma_semaphore, #tpu.memory_space<semaphore_mem>>) src(%dma_wait3A_41 : memref<128x128xf32, #tpu.memory_space<vmem_shared>>) dst(%arg9 : memref<128x128xf32, #tpu.memory_space<vmem>>)
      tpu.yield
    }) : () -> ()
    %add3A_22 = arith.constant 128 : i32
    %add3A_23 = arith.addi %mul3A_0, %add3A_22 : i32
    "tpu.region"() ({
      %run_scoped3A = tpu.sem_alloc : memref<!tpu.dma_semaphore, #tpu.memory_space<semaphore_mem>>
      %dma_start3A = arith.constant 0 : i32
      %dma_start3A_36 = tpu.memref_slice %arg5[%arg0, %add3A_23, %dma_start3A] : memref<2x10240x128xf32, #tpu.memory_space<hbm>> -> memref<1x128x128xf32, #tpu.memory_space<hbm>>
      %dma_start3A_37 = tpu.memref_squeeze %dma_start3A_36 : memref<1x128x128xf32, #tpu.memory_space<hbm>> -> memref<128x128xf32, #tpu.memory_space<hbm>>
      %dma_start3A_38 = arith.constant 0 : i32
      %dma_start3A_39 = tpu.memref_slice %arg5[%arg0, %add3A_23, %dma_start3A_38] : memref<2x10240x128xf32, #tpu.memory_space<hbm>> -> memref<1x128x128xf32, #tpu.memory_space<hbm>>
      %dma_start3A_40 = tpu.memref_squeeze %dma_start3A_39 : memref<1x128x128xf32, #tpu.memory_space<hbm>> -> memref<128x128xf32, #tpu.memory_space<hbm>>
      tpu.enqueue_dma source(%arg9 : memref<128x128xf32, #tpu.memory_space<vmem>>) target(%dma_start3A_40 : memref<128x128xf32, #tpu.memory_space<hbm>>) target_semaphore(%run_scoped3A : memref<!tpu.dma_semaphore, #tpu.memory_space<semaphore_mem>>)
      %dma_wait3A = arith.constant 0 : i32
      %dma_wait3A_41 = tpu.memref_slice %arg5[%arg0, %add3A_23, %dma_wait3A] : memref<2x10240x128xf32, #tpu.memory_space<hbm>> -> memref<1x128x128xf32, #tpu.memory_space<hbm>>
      %dma_wait3A_42 = tpu.memref_squeeze %dma_wait3A_41 : memref<1x128x128xf32, #tpu.memory_space<hbm>> -> memref<128x128xf32, #tpu.memory_space<hbm>>
      %dma_wait3A_43 = arith.constant 0 : i32
      %dma_wait3A_44 = tpu.memref_slice %arg5[%arg0, %add3A_23, %dma_wait3A_43] : memref<2x10240x128xf32, #tpu.memory_space<hbm>> -> memref<1x128x128xf32, #tpu.memory_space<hbm>>
      %dma_wait3A_45 = tpu.memref_squeeze %dma_wait3A_44 : memref<1x128x128xf32, #tpu.memory_space<hbm>> -> memref<128x128xf32, #tpu.memory_space<hbm>>
      tpu.wait_dma2 semaphore(%run_scoped3A : memref<!tpu.dma_semaphore, #tpu.memory_space<semaphore_mem>>) src(%arg9 : memref<128x128xf32, #tpu.memory_space<vmem>>) dst(%dma_wait3A_45 : memref<128x128xf32, #tpu.memory_space<hbm>>)
      tpu.yield
    }) : () -> ()
    %add3A_24 = arith.constant 256 : i32
    %add3A_25 = arith.addi %mul3A_0, %add3A_24 : i32
    "tpu.region"() ({
      %run_scoped3A = tpu.sem_alloc : memref<!tpu.dma_semaphore, #tpu.memory_space<semaphore_mem>>
      %dma_start3A = arith.constant 0 : i32
      %dma_start3A_36 = tpu.memref_slice %arg6[%add3A_25, %dma_start3A] : memref<10240x128xf32, #tpu.memory_space<vmem_shared>> -> memref<128x128xf32, #tpu.memory_space<vmem_shared>>
      %dma_start3A_37 = arith.constant 0 : i32
      %dma_start3A_38 = tpu.memref_slice %arg6[%add3A_25, %dma_start3A_37] : memref<10240x128xf32, #tpu.memory_space<vmem_shared>> -> memref<128x128xf32, #tpu.memory_space<vmem_shared>>
      tpu.enqueue_dma source(%dma_start3A_38 : memref<128x128xf32, #tpu.memory_space<vmem_shared>>) target(%arg9 : memref<128x128xf32, #tpu.memory_space<vmem>>) target_semaphore(%run_scoped3A : memref<!tpu.dma_semaphore, #tpu.memory_space<semaphore_mem>>)
      %dma_wait3A = arith.constant 0 : i32
      %dma_wait3A_39 = tpu.memref_slice %arg6[%add3A_25, %dma_wait3A] : memref<10240x128xf32, #tpu.memory_space<vmem_shared>> -> memref<128x128xf32, #tpu.memory_space<vmem_shared>>
      %dma_wait3A_40 = arith.constant 0 : i32
      %dma_wait3A_41 = tpu.memref_slice %arg6[%add3A_25, %dma_wait3A_40] : memref<10240x128xf32, #tpu.memory_space<vmem_shared>> -> memref<128x128xf32, #tpu.memory_space<vmem_shared>>
      tpu.wait_dma2 semaphore(%run_scoped3A : memref<!tpu.dma_semaphore, #tpu.memory_space<semaphore_mem>>) src(%dma_wait3A_41 : memref<128x128xf32, #tpu.memory_space<vmem_shared>>) dst(%arg9 : memref<128x128xf32, #tpu.memory_space<vmem>>)
      tpu.yield
    }) : () -> ()
    %add3A_26 = arith.constant 256 : i32
    %add3A_27 = arith.addi %mul3A_0, %add3A_26 : i32
    "tpu.region"() ({
      %run_scoped3A = tpu.sem_alloc : memref<!tpu.dma_semaphore, #tpu.memory_space<semaphore_mem>>
      %dma_start3A = arith.constant 0 : i32
      %dma_start3A_36 = tpu.memref_slice %arg5[%arg0, %add3A_27, %dma_start3A] : memref<2x10240x128xf32, #tpu.memory_space<hbm>> -> memref<1x128x128xf32, #tpu.memory_space<hbm>>
      %dma_start3A_37 = tpu.memref_squeeze %dma_start3A_36 : memref<1x128x128xf32, #tpu.memory_space<hbm>> -> memref<128x128xf32, #tpu.memory_space<hbm>>
      %dma_start3A_38 = arith.constant 0 : i32
      %dma_start3A_39 = tpu.memref_slice %arg5[%arg0, %add3A_27, %dma_start3A_38] : memref<2x10240x128xf32, #tpu.memory_space<hbm>> -> memref<1x128x128xf32, #tpu.memory_space<hbm>>
      %dma_start3A_40 = tpu.memref_squeeze %dma_start3A_39 : memref<1x128x128xf32, #tpu.memory_space<hbm>> -> memref<128x128xf32, #tpu.memory_space<hbm>>
      tpu.enqueue_dma source(%arg9 : memref<128x128xf32, #tpu.memory_space<vmem>>) target(%dma_start3A_40 : memref<128x128xf32, #tpu.memory_space<hbm>>) target_semaphore(%run_scoped3A : memref<!tpu.dma_semaphore, #tpu.memory_space<semaphore_mem>>)
      %dma_wait3A = arith.constant 0 : i32
      %dma_wait3A_41 = tpu.memref_slice %arg5[%arg0, %add3A_27, %dma_wait3A] : memref<2x10240x128xf32, #tpu.memory_space<hbm>> -> memref<1x128x128xf32, #tpu.memory_space<hbm>>
      %dma_wait3A_42 = tpu.memref_squeeze %dma_wait3A_41 : memref<1x128x128xf32, #tpu.memory_space<hbm>> -> memref<128x128xf32, #tpu.memory_space<hbm>>
      %dma_wait3A_43 = arith.constant 0 : i32
      %dma_wait3A_44 = tpu.memref_slice %arg5[%arg0, %add3A_27, %dma_wait3A_43] : memref<2x10240x128xf32, #tpu.memory_space<hbm>> -> memref<1x128x128xf32, #tpu.memory_space<hbm>>
      %dma_wait3A_45 = tpu.memref_squeeze %dma_wait3A_44 : memref<1x128x128xf32, #tpu.memory_space<hbm>> -> memref<128x128xf32, #tpu.memory_space<hbm>>
      tpu.wait_dma2 semaphore(%run_scoped3A : memref<!tpu.dma_semaphore, #tpu.memory_space<semaphore_mem>>) src(%arg9 : memref<128x128xf32, #tpu.memory_space<vmem>>) dst(%dma_wait3A_45 : memref<128x128xf32, #tpu.memory_space<hbm>>)
      tpu.yield
    }) : () -> ()
    %add3A_28 = arith.constant 384 : i32
    %add3A_29 = arith.addi %mul3A_0, %add3A_28 : i32
    "tpu.region"() ({
      %run_scoped3A = tpu.sem_alloc : memref<!tpu.dma_semaphore, #tpu.memory_space<semaphore_mem>>
      %dma_start3A = arith.constant 0 : i32
      %dma_start3A_36 = tpu.memref_slice %arg6[%add3A_29, %dma_start3A] : memref<10240x128xf32, #tpu.memory_space<vmem_shared>> -> memref<128x128xf32, #tpu.memory_space<vmem_shared>>
      %dma_start3A_37 = arith.constant 0 : i32
      %dma_start3A_38 = tpu.memref_slice %arg6[%add3A_29, %dma_start3A_37] : memref<10240x128xf32, #tpu.memory_space<vmem_shared>> -> memref<128x128xf32, #tpu.memory_space<vmem_shared>>
      tpu.enqueue_dma source(%dma_start3A_38 : memref<128x128xf32, #tpu.memory_space<vmem_shared>>) target(%arg9 : memref<128x128xf32, #tpu.memory_space<vmem>>) target_semaphore(%run_scoped3A : memref<!tpu.dma_semaphore, #tpu.memory_space<semaphore_mem>>)
      %dma_wait3A = arith.constant 0 : i32
      %dma_wait3A_39 = tpu.memref_slice %arg6[%add3A_29, %dma_wait3A] : memref<10240x128xf32, #tpu.memory_space<vmem_shared>> -> memref<128x128xf32, #tpu.memory_space<vmem_shared>>
      %dma_wait3A_40 = arith.constant 0 : i32
      %dma_wait3A_41 = tpu.memref_slice %arg6[%add3A_29, %dma_wait3A_40] : memref<10240x128xf32, #tpu.memory_space<vmem_shared>> -> memref<128x128xf32, #tpu.memory_space<vmem_shared>>
      tpu.wait_dma2 semaphore(%run_scoped3A : memref<!tpu.dma_semaphore, #tpu.memory_space<semaphore_mem>>) src(%dma_wait3A_41 : memref<128x128xf32, #tpu.memory_space<vmem_shared>>) dst(%arg9 : memref<128x128xf32, #tpu.memory_space<vmem>>)
      tpu.yield
    }) : () -> ()
    %add3A_30 = arith.constant 384 : i32
    %add3A_31 = arith.addi %mul3A_0, %add3A_30 : i32
    "tpu.region"() ({
      %run_scoped3A = tpu.sem_alloc : memref<!tpu.dma_semaphore, #tpu.memory_space<semaphore_mem>>
      %dma_start3A = arith.constant 0 : i32
      %dma_start3A_36 = tpu.memref_slice %arg5[%arg0, %add3A_31, %dma_start3A] : memref<2x10240x128xf32, #tpu.memory_space<hbm>> -> memref<1x128x128xf32, #tpu.memory_space<hbm>>
      %dma_start3A_37 = tpu.memref_squeeze %dma_start3A_36 : memref<1x128x128xf32, #tpu.memory_space<hbm>> -> memref<128x128xf32, #tpu.memory_space<hbm>>
      %dma_start3A_38 = arith.constant 0 : i32
      %dma_start3A_39 = tpu.memref_slice %arg5[%arg0, %add3A_31, %dma_start3A_38] : memref<2x10240x128xf32, #tpu.memory_space<hbm>> -> memref<1x128x128xf32, #tpu.memory_space<hbm>>
      %dma_start3A_40 = tpu.memref_squeeze %dma_start3A_39 : memref<1x128x128xf32, #tpu.memory_space<hbm>> -> memref<128x128xf32, #tpu.memory_space<hbm>>
      tpu.enqueue_dma source(%arg9 : memref<128x128xf32, #tpu.memory_space<vmem>>) target(%dma_start3A_40 : memref<128x128xf32, #tpu.memory_space<hbm>>) target_semaphore(%run_scoped3A : memref<!tpu.dma_semaphore, #tpu.memory_space<semaphore_mem>>)
      %dma_wait3A = arith.constant 0 : i32
      %dma_wait3A_41 = tpu.memref_slice %arg5[%arg0, %add3A_31, %dma_wait3A] : memref<2x10240x128xf32, #tpu.memory_space<hbm>> -> memref<1x128x128xf32, #tpu.memory_space<hbm>>
      %dma_wait3A_42 = tpu.memref_squeeze %dma_wait3A_41 : memref<1x128x128xf32, #tpu.memory_space<hbm>> -> memref<128x128xf32, #tpu.memory_space<hbm>>
      %dma_wait3A_43 = arith.constant 0 : i32
      %dma_wait3A_44 = tpu.memref_slice %arg5[%arg0, %add3A_31, %dma_wait3A_43] : memref<2x10240x128xf32, #tpu.memory_space<hbm>> -> memref<1x128x128xf32, #tpu.memory_space<hbm>>
      %dma_wait3A_45 = tpu.memref_squeeze %dma_wait3A_44 : memref<1x128x128xf32, #tpu.memory_space<hbm>> -> memref<128x128xf32, #tpu.memory_space<hbm>>
      tpu.wait_dma2 semaphore(%run_scoped3A : memref<!tpu.dma_semaphore, #tpu.memory_space<semaphore_mem>>) src(%arg9 : memref<128x128xf32, #tpu.memory_space<vmem>>) dst(%dma_wait3A_45 : memref<128x128xf32, #tpu.memory_space<hbm>>)
      tpu.yield
    }) : () -> ()
    %add3A_32 = arith.constant 512 : i32
    %add3A_33 = arith.addi %mul3A_0, %add3A_32 : i32
    "tpu.region"() ({
      %run_scoped3A = tpu.sem_alloc : memref<!tpu.dma_semaphore, #tpu.memory_space<semaphore_mem>>
      %dma_start3A = arith.constant 0 : i32
      %dma_start3A_36 = tpu.memref_slice %arg6[%add3A_33, %dma_start3A] : memref<10240x128xf32, #tpu.memory_space<vmem_shared>> -> memref<128x128xf32, #tpu.memory_space<vmem_shared>>
      %dma_start3A_37 = arith.constant 0 : i32
      %dma_start3A_38 = tpu.memref_slice %arg6[%add3A_33, %dma_start3A_37] : memref<10240x128xf32, #tpu.memory_space<vmem_shared>> -> memref<128x128xf32, #tpu.memory_space<vmem_shared>>
      tpu.enqueue_dma source(%dma_start3A_38 : memref<128x128xf32, #tpu.memory_space<vmem_shared>>) target(%arg9 : memref<128x128xf32, #tpu.memory_space<vmem>>) target_semaphore(%run_scoped3A : memref<!tpu.dma_semaphore, #tpu.memory_space<semaphore_mem>>)
      %dma_wait3A = arith.constant 0 : i32
      %dma_wait3A_39 = tpu.memref_slice %arg6[%add3A_33, %dma_wait3A] : memref<10240x128xf32, #tpu.memory_space<vmem_shared>> -> memref<128x128xf32, #tpu.memory_space<vmem_shared>>
      %dma_wait3A_40 = arith.constant 0 : i32
      %dma_wait3A_41 = tpu.memref_slice %arg6[%add3A_33, %dma_wait3A_40] : memref<10240x128xf32, #tpu.memory_space<vmem_shared>> -> memref<128x128xf32, #tpu.memory_space<vmem_shared>>
      tpu.wait_dma2 semaphore(%run_scoped3A : memref<!tpu.dma_semaphore, #tpu.memory_space<semaphore_mem>>) src(%dma_wait3A_41 : memref<128x128xf32, #tpu.memory_space<vmem_shared>>) dst(%arg9 : memref<128x128xf32, #tpu.memory_space<vmem>>)
      tpu.yield
    }) : () -> ()
    %add3A_34 = arith.constant 512 : i32
    %add3A_35 = arith.addi %mul3A_0, %add3A_34 : i32
    "tpu.region"() ({
      %run_scoped3A = tpu.sem_alloc : memref<!tpu.dma_semaphore, #tpu.memory_space<semaphore_mem>>
      %dma_start3A = arith.constant 0 : i32
      %dma_start3A_36 = tpu.memref_slice %arg5[%arg0, %add3A_35, %dma_start3A] : memref<2x10240x128xf32, #tpu.memory_space<hbm>> -> memref<1x128x128xf32, #tpu.memory_space<hbm>>
      %dma_start3A_37 = tpu.memref_squeeze %dma_start3A_36 : memref<1x128x128xf32, #tpu.memory_space<hbm>> -> memref<128x128xf32, #tpu.memory_space<hbm>>
      %dma_start3A_38 = arith.constant 0 : i32
      %dma_start3A_39 = tpu.memref_slice %arg5[%arg0, %add3A_35, %dma_start3A_38] : memref<2x10240x128xf32, #tpu.memory_space<hbm>> -> memref<1x128x128xf32, #tpu.memory_space<hbm>>
      %dma_start3A_40 = tpu.memref_squeeze %dma_start3A_39 : memref<1x128x128xf32, #tpu.memory_space<hbm>> -> memref<128x128xf32, #tpu.memory_space<hbm>>
      tpu.enqueue_dma source(%arg9 : memref<128x128xf32, #tpu.memory_space<vmem>>) target(%dma_start3A_40 : memref<128x128xf32, #tpu.memory_space<hbm>>) target_semaphore(%run_scoped3A : memref<!tpu.dma_semaphore, #tpu.memory_space<semaphore_mem>>)
      %dma_wait3A = arith.constant 0 : i32
      %dma_wait3A_41 = tpu.memref_slice %arg5[%arg0, %add3A_35, %dma_wait3A] : memref<2x10240x128xf32, #tpu.memory_space<hbm>> -> memref<1x128x128xf32, #tpu.memory_space<hbm>>
      %dma_wait3A_42 = tpu.memref_squeeze %dma_wait3A_41 : memref<1x128x128xf32, #tpu.memory_space<hbm>> -> memref<128x128xf32, #tpu.memory_space<hbm>>
      %dma_wait3A_43 = arith.constant 0 : i32
      %dma_wait3A_44 = tpu.memref_slice %arg5[%arg0, %add3A_35, %dma_wait3A_43] : memref<2x10240x128xf32, #tpu.memory_space<hbm>> -> memref<1x128x128xf32, #tpu.memory_space<hbm>>
      %dma_wait3A_45 = tpu.memref_squeeze %dma_wait3A_44 : memref<1x128x128xf32, #tpu.memory_space<hbm>> -> memref<128x128xf32, #tpu.memory_space<hbm>>
      tpu.wait_dma2 semaphore(%run_scoped3A : memref<!tpu.dma_semaphore, #tpu.memory_space<semaphore_mem>>) src(%arg9 : memref<128x128xf32, #tpu.memory_space<vmem>>) dst(%dma_wait3A_45 : memref<128x128xf32, #tpu.memory_space<hbm>>)
      tpu.yield
    }) : () -> ()
    return
  }
}

#map = affine_map<(d0, d1) -> (0, 0)>
#map1 = affine_map<(d0, d1) -> (0, 0, 0)>
module attributes {stable_mosaic.version = 14 : i64} {
  func.func @sc_segsum_d128(%arg0: i32, %arg1: i32, %arg2: memref<10000x128xf32, #tpu.memory_space<hbm>>, %arg3: memref<2x327680xi32, #tpu.memory_space<hbm>>, %arg4: memref<128x128xf32, #tpu.memory_space<hbm>>, %arg5: memref<2x10240x128xf32, #tpu.memory_space<hbm>>, %arg6: memref<10240x128xf32, #tpu.memory_space<vmem_shared>>, %arg7: memref<128xi32, #tpu.memory_space<vmem>>, %arg8: memref<1x128xi32, #tpu.memory_space<vmem>>, %arg9: memref<128x128xf32, #tpu.memory_space<vmem>>, %arg10: memref<!tpu.dma_semaphore, #tpu.memory_space<semaphore_mem>>) attributes {dimension_semantics = [#tpu.dimension_semantics<core_parallel>, #tpu.dimension_semantics<subcore_parallel>], iteration_bounds = array<i64: 2, 16>, scalar_prefetch = 0 : i64, scratch_operands = 5 : i64, tpu.core_type = #tpu.core_type<sc_vector_subcore>, window_params = [{transform_indices = #map}, {transform_indices = #map}, {transform_indices = #map}, {transform_indices = #map1}]} {
    %mul3A = arith.constant 640 : i32
    %mul3A_0 = arith.muli %arg1, %mul3A : i32
    "tpu.region"() ({
      %run_scoped3A = tpu.sem_alloc : memref<!tpu.dma_semaphore, #tpu.memory_space<semaphore_mem>>
      tpu.enqueue_dma source(%arg4 : memref<128x128xf32, #tpu.memory_space<hbm>>) target(%arg9 : memref<128x128xf32, #tpu.memory_space<vmem>>) target_semaphore(%run_scoped3A : memref<!tpu.dma_semaphore, #tpu.memory_space<semaphore_mem>>)
      tpu.wait_dma2 semaphore(%run_scoped3A : memref<!tpu.dma_semaphore, #tpu.memory_space<semaphore_mem>>) src(%arg4 : memref<128x128xf32, #tpu.memory_space<hbm>>) dst(%arg9 : memref<128x128xf32, #tpu.memory_space<vmem>>)
      tpu.yield
    }) : () -> ()
    %add3A = arith.constant 0 : i32
    %add3A_1 = arith.addi %mul3A_0, %add3A : i32
    "tpu.region"() ({
      %run_scoped3A = tpu.sem_alloc : memref<!tpu.dma_semaphore, #tpu.memory_space<semaphore_mem>>
      %dma_start3A = arith.constant 0 : i32
      %dma_start3A_36 = tpu.memref_slice %arg6[%add3A_1, %dma_start3A] : memref<10240x128xf32, #tpu.memory_space<vmem_shared>> -> memref<128x128xf32, #tpu.memory_space<vmem_shared>>
      %dma_start3A_37 = arith.constant 0 : i32
      %dma_start3A_38 = tpu.memref_slice %arg6[%add3A_1, %dma_start3A_37] : memref<10240x128xf32, #tpu.memory_space<vmem_shared>> -> memref<128x128xf32, #tpu.memory_space<vmem_shared>>
      tpu.enqueue_dma source(%arg9 : memref<128x128xf32, #tpu.memory_space<vmem>>) target(%dma_start3A_38 : memref<128x128xf32, #tpu.memory_space<vmem_shared>>) target_semaphore(%run_scoped3A : memref<!tpu.dma_semaphore, #tpu.memory_space<semaphore_mem>>)
      %dma_wait3A = arith.constant 0 : i32
      %dma_wait3A_39 = tpu.memref_slice %arg6[%add3A_1, %dma_wait3A] : memref<10240x128xf32, #tpu.memory_space<vmem_shared>> -> memref<128x128xf32, #tpu.memory_space<vmem_shared>>
      %dma_wait3A_40 = arith.constant 0 : i32
      %dma_wait3A_41 = tpu.memref_slice %arg6[%add3A_1, %dma_wait3A_40] : memref<10240x128xf32, #tpu.memory_space<vmem_shared>> -> memref<128x128xf32, #tpu.memory_space<vmem_shared>>
      tpu.wait_dma2 semaphore(%run_scoped3A : memref<!tpu.dma_semaphore, #tpu.memory_space<semaphore_mem>>) src(%arg9 : memref<128x128xf32, #tpu.memory_space<vmem>>) dst(%dma_wait3A_41 : memref<128x128xf32, #tpu.memory_space<vmem_shared>>)
      tpu.yield
    }) : () -> ()
    %add3A_2 = arith.constant 128 : i32
    %add3A_3 = arith.addi %mul3A_0, %add3A_2 : i32
    "tpu.region"() ({
      %run_scoped3A = tpu.sem_alloc : memref<!tpu.dma_semaphore, #tpu.memory_space<semaphore_mem>>
      %dma_start3A = arith.constant 0 : i32
      %dma_start3A_36 = tpu.memref_slice %arg6[%add3A_3, %dma_start3A] : memref<10240x128xf32, #tpu.memory_space<vmem_shared>> -> memref<128x128xf32, #tpu.memory_space<vmem_shared>>
      %dma_start3A_37 = arith.constant 0 : i32
      %dma_start3A_38 = tpu.memref_slice %arg6[%add3A_3, %dma_start3A_37] : memref<10240x128xf32, #tpu.memory_space<vmem_shared>> -> memref<128x128xf32, #tpu.memory_space<vmem_shared>>
      tpu.enqueue_dma source(%arg9 : memref<128x128xf32, #tpu.memory_space<vmem>>) target(%dma_start3A_38 : memref<128x128xf32, #tpu.memory_space<vmem_shared>>) target_semaphore(%run_scoped3A : memref<!tpu.dma_semaphore, #tpu.memory_space<semaphore_mem>>)
      %dma_wait3A = arith.constant 0 : i32
      %dma_wait3A_39 = tpu.memref_slice %arg6[%add3A_3, %dma_wait3A] : memref<10240x128xf32, #tpu.memory_space<vmem_shared>> -> memref<128x128xf32, #tpu.memory_space<vmem_shared>>
      %dma_wait3A_40 = arith.constant 0 : i32
      %dma_wait3A_41 = tpu.memref_slice %arg6[%add3A_3, %dma_wait3A_40] : memref<10240x128xf32, #tpu.memory_space<vmem_shared>> -> memref<128x128xf32, #tpu.memory_space<vmem_shared>>
      tpu.wait_dma2 semaphore(%run_scoped3A : memref<!tpu.dma_semaphore, #tpu.memory_space<semaphore_mem>>) src(%arg9 : memref<128x128xf32, #tpu.memory_space<vmem>>) dst(%dma_wait3A_41 : memref<128x128xf32, #tpu.memory_space<vmem_shared>>)
      tpu.yield
    }) : () -> ()
    %add3A_4 = arith.constant 256 : i32
    %add3A_5 = arith.addi %mul3A_0, %add3A_4 : i32
    "tpu.region"() ({
      %run_scoped3A = tpu.sem_alloc : memref<!tpu.dma_semaphore, #tpu.memory_space<semaphore_mem>>
      %dma_start3A = arith.constant 0 : i32
      %dma_start3A_36 = tpu.memref_slice %arg6[%add3A_5, %dma_start3A] : memref<10240x128xf32, #tpu.memory_space<vmem_shared>> -> memref<128x128xf32, #tpu.memory_space<vmem_shared>>
      %dma_start3A_37 = arith.constant 0 : i32
      %dma_start3A_38 = tpu.memref_slice %arg6[%add3A_5, %dma_start3A_37] : memref<10240x128xf32, #tpu.memory_space<vmem_shared>> -> memref<128x128xf32, #tpu.memory_space<vmem_shared>>
      tpu.enqueue_dma source(%arg9 : memref<128x128xf32, #tpu.memory_space<vmem>>) target(%dma_start3A_38 : memref<128x128xf32, #tpu.memory_space<vmem_shared>>) target_semaphore(%run_scoped3A : memref<!tpu.dma_semaphore, #tpu.memory_space<semaphore_mem>>)
      %dma_wait3A = arith.constant 0 : i32
      %dma_wait3A_39 = tpu.memref_slice %arg6[%add3A_5, %dma_wait3A] : memref<10240x128xf32, #tpu.memory_space<vmem_shared>> -> memref<128x128xf32, #tpu.memory_space<vmem_shared>>
      %dma_wait3A_40 = arith.constant 0 : i32
      %dma_wait3A_41 = tpu.memref_slice %arg6[%add3A_5, %dma_wait3A_40] : memref<10240x128xf32, #tpu.memory_space<vmem_shared>> -> memref<128x128xf32, #tpu.memory_space<vmem_shared>>
      tpu.wait_dma2 semaphore(%run_scoped3A : memref<!tpu.dma_semaphore, #tpu.memory_space<semaphore_mem>>) src(%arg9 : memref<128x128xf32, #tpu.memory_space<vmem>>) dst(%dma_wait3A_41 : memref<128x128xf32, #tpu.memory_space<vmem_shared>>)
      tpu.yield
    }) : () -> ()
    %add3A_6 = arith.constant 384 : i32
    %add3A_7 = arith.addi %mul3A_0, %add3A_6 : i32
    "tpu.region"() ({
      %run_scoped3A = tpu.sem_alloc : memref<!tpu.dma_semaphore, #tpu.memory_space<semaphore_mem>>
      %dma_start3A = arith.constant 0 : i32
      %dma_start3A_36 = tpu.memref_slice %arg6[%add3A_7, %dma_start3A] : memref<10240x128xf32, #tpu.memory_space<vmem_shared>> -> memref<128x128xf32, #tpu.memory_space<vmem_shared>>
      %dma_start3A_37 = arith.constant 0 : i32
      %dma_start3A_38 = tpu.memref_slice %arg6[%add3A_7, %dma_start3A_37] : memref<10240x128xf32, #tpu.memory_space<vmem_shared>> -> memref<128x128xf32, #tpu.memory_space<vmem_shared>>
      tpu.enqueue_dma source(%arg9 : memref<128x128xf32, #tpu.memory_space<vmem>>) target(%dma_start3A_38 : memref<128x128xf32, #tpu.memory_space<vmem_shared>>) target_semaphore(%run_scoped3A : memref<!tpu.dma_semaphore, #tpu.memory_space<semaphore_mem>>)
      %dma_wait3A = arith.constant 0 : i32
      %dma_wait3A_39 = tpu.memref_slice %arg6[%add3A_7, %dma_wait3A] : memref<10240x128xf32, #tpu.memory_space<vmem_shared>> -> memref<128x128xf32, #tpu.memory_space<vmem_shared>>
      %dma_wait3A_40 = arith.constant 0 : i32
      %dma_wait3A_41 = tpu.memref_slice %arg6[%add3A_7, %dma_wait3A_40] : memref<10240x128xf32, #tpu.memory_space<vmem_shared>> -> memref<128x128xf32, #tpu.memory_space<vmem_shared>>
      tpu.wait_dma2 semaphore(%run_scoped3A : memref<!tpu.dma_semaphore, #tpu.memory_space<semaphore_mem>>) src(%arg9 : memref<128x128xf32, #tpu.memory_space<vmem>>) dst(%dma_wait3A_41 : memref<128x128xf32, #tpu.memory_space<vmem_shared>>)
      tpu.yield
    }) : () -> ()
    %add3A_8 = arith.constant 512 : i32
    %add3A_9 = arith.addi %mul3A_0, %add3A_8 : i32
    "tpu.region"() ({
      %run_scoped3A = tpu.sem_alloc : memref<!tpu.dma_semaphore, #tpu.memory_space<semaphore_mem>>
      %dma_start3A = arith.constant 0 : i32
      %dma_start3A_36 = tpu.memref_slice %arg6[%add3A_9, %dma_start3A] : memref<10240x128xf32, #tpu.memory_space<vmem_shared>> -> memref<128x128xf32, #tpu.memory_space<vmem_shared>>
      %dma_start3A_37 = arith.constant 0 : i32
      %dma_start3A_38 = tpu.memref_slice %arg6[%add3A_9, %dma_start3A_37] : memref<10240x128xf32, #tpu.memory_space<vmem_shared>> -> memref<128x128xf32, #tpu.memory_space<vmem_shared>>
      tpu.enqueue_dma source(%arg9 : memref<128x128xf32, #tpu.memory_space<vmem>>) target(%dma_start3A_38 : memref<128x128xf32, #tpu.memory_space<vmem_shared>>) target_semaphore(%run_scoped3A : memref<!tpu.dma_semaphore, #tpu.memory_space<semaphore_mem>>)
      %dma_wait3A = arith.constant 0 : i32
      %dma_wait3A_39 = tpu.memref_slice %arg6[%add3A_9, %dma_wait3A] : memref<10240x128xf32, #tpu.memory_space<vmem_shared>> -> memref<128x128xf32, #tpu.memory_space<vmem_shared>>
      %dma_wait3A_40 = arith.constant 0 : i32
      %dma_wait3A_41 = tpu.memref_slice %arg6[%add3A_9, %dma_wait3A_40] : memref<10240x128xf32, #tpu.memory_space<vmem_shared>> -> memref<128x128xf32, #tpu.memory_space<vmem_shared>>
      tpu.wait_dma2 semaphore(%run_scoped3A : memref<!tpu.dma_semaphore, #tpu.memory_space<semaphore_mem>>) src(%arg9 : memref<128x128xf32, #tpu.memory_space<vmem>>) dst(%dma_wait3A_41 : memref<128x128xf32, #tpu.memory_space<vmem_shared>>)
      tpu.yield
    }) : () -> ()
    %barrier3A = arith.constant 0 : index
    tpu.barrier barrier_id(%barrier3A)
    %scan3A = arith.constant 0 : i32
    %scan3A_10 = arith.constant 0 : i32
    %scan3A_11 = arith.constant 80 : i32
    %scan3A_12 = arith.addi %scan3A_10, %scan3A_11 : i32
    %scan3A_13 = arith.constant 1 : i32
    scf.for %scan3A_36 = %scan3A_10 to %scan3A_12 step %scan3A_13  : i32 {
      %mul3A_37 = arith.constant 1280 : i32
      %mul3A_38 = arith.muli %arg0, %mul3A_37 : i32
      %add3A_39 = arith.addi %mul3A_38, %arg1 : i32
      %mul3A_40 = arith.constant 16 : i32
      %mul3A_41 = arith.muli %mul3A_40, %scan3A_36 : i32
      %add3A_42 = arith.addi %add3A_39, %mul3A_41 : i32
      %mul3A_43 = arith.constant 128 : i32
      %mul3A_44 = arith.muli %add3A_42, %mul3A_43 : i32
      %run_scoped3A = arith.constant 0 : i32
      "tpu.region"() ({
        %run_scoped3A_52 = tpu.sem_alloc : memref<!tpu.dma_semaphore, #tpu.memory_space<semaphore_mem>>
        %dma_start3A_53 = tpu.memref_slice %arg3[%run_scoped3A, %mul3A_44] : memref<2x327680xi32, #tpu.memory_space<hbm>> -> memref<1x128xi32, #tpu.memory_space<hbm>>
        %dma_start3A_54 = tpu.memref_squeeze %dma_start3A_53 : memref<1x128xi32, #tpu.memory_space<hbm>> -> memref<128xi32, #tpu.memory_space<hbm>>
        %dma_start3A_55 = tpu.memref_slice %arg3[%run_scoped3A, %mul3A_44] : memref<2x327680xi32, #tpu.memory_space<hbm>> -> memref<1x128xi32, #tpu.memory_space<hbm>>
        %dma_start3A_56 = tpu.memref_squeeze %dma_start3A_55 : memref<1x128xi32, #tpu.memory_space<hbm>> -> memref<128xi32, #tpu.memory_space<hbm>>
        tpu.enqueue_dma source(%dma_start3A_56 : memref<128xi32, #tpu.memory_space<hbm>>) target(%arg7 : memref<128xi32, #tpu.memory_space<vmem>>) target_semaphore(%run_scoped3A_52 : memref<!tpu.dma_semaphore, #tpu.memory_space<semaphore_mem>>)
        %dma_wait3A_57 = tpu.memref_slice %arg3[%run_scoped3A, %mul3A_44] : memref<2x327680xi32, #tpu.memory_space<hbm>> -> memref<1x128xi32, #tpu.memory_space<hbm>>
        %dma_wait3A_58 = tpu.memref_squeeze %dma_wait3A_57 : memref<1x128xi32, #tpu.memory_space<hbm>> -> memref<128xi32, #tpu.memory_space<hbm>>
        %dma_wait3A_59 = tpu.memref_slice %arg3[%run_scoped3A, %mul3A_44] : memref<2x327680xi32, #tpu.memory_space<hbm>> -> memref<1x128xi32, #tpu.memory_space<hbm>>
        %dma_wait3A_60 = tpu.memref_squeeze %dma_wait3A_59 : memref<1x128xi32, #tpu.memory_space<hbm>> -> memref<128xi32, #tpu.memory_space<hbm>>
        tpu.wait_dma2 semaphore(%run_scoped3A_52 : memref<!tpu.dma_semaphore, #tpu.memory_space<semaphore_mem>>) src(%dma_wait3A_60 : memref<128xi32, #tpu.memory_space<hbm>>) dst(%arg7 : memref<128xi32, #tpu.memory_space<vmem>>)
        tpu.yield
      }) : () -> ()
      %run_scoped3A_45 = arith.constant 1 : i32
      %run_scoped3A_46 = arith.constant 0 : i32
      "tpu.region"() ({
        %run_scoped3A_52 = tpu.sem_alloc : memref<!tpu.dma_semaphore, #tpu.memory_space<semaphore_mem>>
        %dma_start3A_53 = arith.constant 0 : i32
        %dma_start3A_54 = tpu.memref_slice %arg8[%run_scoped3A_46, %dma_start3A_53] : memref<1x128xi32, #tpu.memory_space<vmem>> -> memref<1x128xi32, #tpu.memory_space<vmem>>
        %dma_start3A_55 = tpu.memref_squeeze %dma_start3A_54 : memref<1x128xi32, #tpu.memory_space<vmem>> -> memref<128xi32, #tpu.memory_space<vmem>>
        %dma_start3A_56 = tpu.memref_slice %arg3[%run_scoped3A_45, %mul3A_44] : memref<2x327680xi32, #tpu.memory_space<hbm>> -> memref<1x128xi32, #tpu.memory_space<hbm>>
        %dma_start3A_57 = tpu.memref_squeeze %dma_start3A_56 : memref<1x128xi32, #tpu.memory_space<hbm>> -> memref<128xi32, #tpu.memory_space<hbm>>
        %dma_start3A_58 = arith.constant 0 : i32
        %dma_start3A_59 = tpu.memref_slice %arg8[%run_scoped3A_46, %dma_start3A_58] : memref<1x128xi32, #tpu.memory_space<vmem>> -> memref<1x128xi32, #tpu.memory_space<vmem>>
        %dma_start3A_60 = tpu.memref_squeeze %dma_start3A_59 : memref<1x128xi32, #tpu.memory_space<vmem>> -> memref<128xi32, #tpu.memory_space<vmem>>
        %dma_start3A_61 = tpu.memref_slice %arg3[%run_scoped3A_45, %mul3A_44] : memref<2x327680xi32, #tpu.memory_space<hbm>> -> memref<1x128xi32, #tpu.memory_space<hbm>>
        %dma_start3A_62 = tpu.memref_squeeze %dma_start3A_61 : memref<1x128xi32, #tpu.memory_space<hbm>> -> memref<128xi32, #tpu.memory_space<hbm>>
        tpu.enqueue_dma source(%dma_start3A_62 : memref<128xi32, #tpu.memory_space<hbm>>) target(%dma_start3A_60 : memref<128xi32, #tpu.memory_space<vmem>>) target_semaphore(%run_scoped3A_52 : memref<!tpu.dma_semaphore, #tpu.memory_space<semaphore_mem>>)
        %dma_wait3A_63 = arith.constant 0 : i32
        %dma_wait3A_64 = tpu.memref_slice %arg8[%run_scoped3A_46, %dma_wait3A_63] : memref<1x128xi32, #tpu.memory_space<vmem>> -> memref<1x128xi32, #tpu.memory_space<vmem>>
        %dma_wait3A_65 = tpu.memref_squeeze %dma_wait3A_64 : memref<1x128xi32, #tpu.memory_space<vmem>> -> memref<128xi32, #tpu.memory_space<vmem>>
        %dma_wait3A_66 = tpu.memref_slice %arg3[%run_scoped3A_45, %mul3A_44] : memref<2x327680xi32, #tpu.memory_space<hbm>> -> memref<1x128xi32, #tpu.memory_space<hbm>>
        %dma_wait3A_67 = tpu.memref_squeeze %dma_wait3A_66 : memref<1x128xi32, #tpu.memory_space<hbm>> -> memref<128xi32, #tpu.memory_space<hbm>>
        %dma_wait3A_68 = arith.constant 0 : i32
        %dma_wait3A_69 = tpu.memref_slice %arg8[%run_scoped3A_46, %dma_wait3A_68] : memref<1x128xi32, #tpu.memory_space<vmem>> -> memref<1x128xi32, #tpu.memory_space<vmem>>
        %dma_wait3A_70 = tpu.memref_squeeze %dma_wait3A_69 : memref<1x128xi32, #tpu.memory_space<vmem>> -> memref<128xi32, #tpu.memory_space<vmem>>
        %dma_wait3A_71 = tpu.memref_slice %arg3[%run_scoped3A_45, %mul3A_44] : memref<2x327680xi32, #tpu.memory_space<hbm>> -> memref<1x128xi32, #tpu.memory_space<hbm>>
        %dma_wait3A_72 = tpu.memref_squeeze %dma_wait3A_71 : memref<1x128xi32, #tpu.memory_space<hbm>> -> memref<128xi32, #tpu.memory_space<hbm>>
        tpu.wait_dma2 semaphore(%run_scoped3A_52 : memref<!tpu.dma_semaphore, #tpu.memory_space<semaphore_mem>>) src(%dma_wait3A_72 : memref<128xi32, #tpu.memory_space<hbm>>) dst(%dma_wait3A_70 : memref<128xi32, #tpu.memory_space<vmem>>)
        tpu.yield
      }) : () -> ()
      %dma_start3A = arith.constant 0 : i32
      %dma_start3A_47 = arith.constant 0 : i32
      %dma_start3A_48 = tpu.memref_slice %arg2[%dma_start3A, %dma_start3A_47] : memref<10000x128xf32, #tpu.memory_space<hbm>> -> memref<10000x128xf32, #tpu.memory_space<hbm>>
      tpu.enqueue_indirect_dma source(%dma_start3A_48 : memref<10000x128xf32, #tpu.memory_space<hbm>>) target(%arg9 : memref<128x128xf32, #tpu.memory_space<vmem>>) offsets(%arg7 : memref<128xi32, #tpu.memory_space<vmem>>) semaphore(%arg10 : memref<!tpu.dma_semaphore, #tpu.memory_space<semaphore_mem>>)
      %dma_wait3A = arith.constant 0 : i32
      %dma_wait3A_49 = arith.constant 0 : i32
      %dma_wait3A_50 = tpu.memref_slice %arg2[%dma_wait3A, %dma_wait3A_49] : memref<10000x128xf32, #tpu.memory_space<hbm>> -> memref<10000x128xf32, #tpu.memory_space<hbm>>
      tpu.wait_indirect_dma semaphore(%arg10 : memref<!tpu.dma_semaphore, #tpu.memory_space<semaphore_mem>>) src(%dma_wait3A_50 : memref<10000x128xf32, #tpu.memory_space<hbm>>) dst(%arg9 : memref<128x128xf32, #tpu.memory_space<vmem>>)
      %run_scoped3A_51 = arith.constant 0 : i32
      "tpu.region"() ({
        %run_scoped3A_52 = tpu.sem_alloc : memref<!tpu.dma_semaphore, #tpu.memory_space<semaphore_mem>>
        %dma_start3A_53 = arith.constant 0 : i32
        %dma_start3A_54 = tpu.memref_slice %arg8[%run_scoped3A_51, %dma_start3A_53] : memref<1x128xi32, #tpu.memory_space<vmem>> -> memref<1x128xi32, #tpu.memory_space<vmem>>
        %dma_start3A_55 = tpu.memref_squeeze %dma_start3A_54 : memref<1x128xi32, #tpu.memory_space<vmem>> -> memref<128xi32, #tpu.memory_space<vmem>>
        %dma_start3A_56 = arith.constant 0 : i32
        %dma_start3A_57 = arith.constant 0 : i32
        %dma_start3A_58 = tpu.memref_slice %arg6[%dma_start3A_56, %dma_start3A_57] : memref<10240x128xf32, #tpu.memory_space<vmem_shared>> -> memref<10240x128xf32, #tpu.memory_space<vmem_shared>>
        tpu.enqueue_indirect_dma source(%arg9 : memref<128x128xf32, #tpu.memory_space<vmem>>) target(%dma_start3A_58 : memref<10240x128xf32, #tpu.memory_space<vmem_shared>>) offsets(%dma_start3A_55 : memref<128xi32, #tpu.memory_space<vmem>>) semaphore(%run_scoped3A_52 : memref<!tpu.dma_semaphore, #tpu.memory_space<semaphore_mem>>) {add = true}
        %dma_wait3A_59 = arith.constant 0 : i32
        %dma_wait3A_60 = tpu.memref_slice %arg8[%run_scoped3A_51, %dma_wait3A_59] : memref<1x128xi32, #tpu.memory_space<vmem>> -> memref<1x128xi32, #tpu.memory_space<vmem>>
        %dma_wait3A_61 = tpu.memref_squeeze %dma_wait3A_60 : memref<1x128xi32, #tpu.memory_space<vmem>> -> memref<128xi32, #tpu.memory_space<vmem>>
        %dma_wait3A_62 = arith.constant 0 : i32
        %dma_wait3A_63 = arith.constant 0 : i32
        %dma_wait3A_64 = tpu.memref_slice %arg6[%dma_wait3A_62, %dma_wait3A_63] : memref<10240x128xf32, #tpu.memory_space<vmem_shared>> -> memref<10240x128xf32, #tpu.memory_space<vmem_shared>>
        tpu.wait_indirect_dma semaphore(%run_scoped3A_52 : memref<!tpu.dma_semaphore, #tpu.memory_space<semaphore_mem>>) src(%arg9 : memref<128x128xf32, #tpu.memory_space<vmem>>) dst(%dma_wait3A_64 : memref<10240x128xf32, #tpu.memory_space<vmem_shared>>)
        tpu.yield
      }) : () -> ()
    }
    %scan3A_14 = arith.constant 80 : i32
    %barrier3A_15 = arith.constant 0 : index
    tpu.barrier barrier_id(%barrier3A_15)
    %add3A_16 = arith.constant 0 : i32
    %add3A_17 = arith.addi %mul3A_0, %add3A_16 : i32
    "tpu.region"() ({
      %run_scoped3A = tpu.sem_alloc : memref<!tpu.dma_semaphore, #tpu.memory_space<semaphore_mem>>
      %dma_start3A = arith.constant 0 : i32
      %dma_start3A_36 = tpu.memref_slice %arg6[%add3A_17, %dma_start3A] : memref<10240x128xf32, #tpu.memory_space<vmem_shared>> -> memref<128x128xf32, #tpu.memory_space<vmem_shared>>
      %dma_start3A_37 = arith.constant 0 : i32
      %dma_start3A_38 = tpu.memref_slice %arg6[%add3A_17, %dma_start3A_37] : memref<10240x128xf32, #tpu.memory_space<vmem_shared>> -> memref<128x128xf32, #tpu.memory_space<vmem_shared>>
      tpu.enqueue_dma source(%dma_start3A_38 : memref<128x128xf32, #tpu.memory_space<vmem_shared>>) target(%arg9 : memref<128x128xf32, #tpu.memory_space<vmem>>) target_semaphore(%run_scoped3A : memref<!tpu.dma_semaphore, #tpu.memory_space<semaphore_mem>>)
      %dma_wait3A = arith.constant 0 : i32
      %dma_wait3A_39 = tpu.memref_slice %arg6[%add3A_17, %dma_wait3A] : memref<10240x128xf32, #tpu.memory_space<vmem_shared>> -> memref<128x128xf32, #tpu.memory_space<vmem_shared>>
      %dma_wait3A_40 = arith.constant 0 : i32
      %dma_wait3A_41 = tpu.memref_slice %arg6[%add3A_17, %dma_wait3A_40] : memref<10240x128xf32, #tpu.memory_space<vmem_shared>> -> memref<128x128xf32, #tpu.memory_space<vmem_shared>>
      tpu.wait_dma2 semaphore(%run_scoped3A : memref<!tpu.dma_semaphore, #tpu.memory_space<semaphore_mem>>) src(%dma_wait3A_41 : memref<128x128xf32, #tpu.memory_space<vmem_shared>>) dst(%arg9 : memref<128x128xf32, #tpu.memory_space<vmem>>)
      tpu.yield
    }) : () -> ()
    %add3A_18 = arith.constant 0 : i32
    %add3A_19 = arith.addi %mul3A_0, %add3A_18 : i32
    "tpu.region"() ({
      %run_scoped3A = tpu.sem_alloc : memref<!tpu.dma_semaphore, #tpu.memory_space<semaphore_mem>>
      %dma_start3A = arith.constant 0 : i32
      %dma_start3A_36 = tpu.memref_slice %arg5[%arg0, %add3A_19, %dma_start3A] : memref<2x10240x128xf32, #tpu.memory_space<hbm>> -> memref<1x128x128xf32, #tpu.memory_space<hbm>>
      %dma_start3A_37 = tpu.memref_squeeze %dma_start3A_36 : memref<1x128x128xf32, #tpu.memory_space<hbm>> -> memref<128x128xf32, #tpu.memory_space<hbm>>
      %dma_start3A_38 = arith.constant 0 : i32
      %dma_start3A_39 = tpu.memref_slice %arg5[%arg0, %add3A_19, %dma_start3A_38] : memref<2x10240x128xf32, #tpu.memory_space<hbm>> -> memref<1x128x128xf32, #tpu.memory_space<hbm>>
      %dma_start3A_40 = tpu.memref_squeeze %dma_start3A_39 : memref<1x128x128xf32, #tpu.memory_space<hbm>> -> memref<128x128xf32, #tpu.memory_space<hbm>>
      tpu.enqueue_dma source(%arg9 : memref<128x128xf32, #tpu.memory_space<vmem>>) target(%dma_start3A_40 : memref<128x128xf32, #tpu.memory_space<hbm>>) target_semaphore(%run_scoped3A : memref<!tpu.dma_semaphore, #tpu.memory_space<semaphore_mem>>)
      %dma_wait3A = arith.constant 0 : i32
      %dma_wait3A_41 = tpu.memref_slice %arg5[%arg0, %add3A_19, %dma_wait3A] : memref<2x10240x128xf32, #tpu.memory_space<hbm>> -> memref<1x128x128xf32, #tpu.memory_space<hbm>>
      %dma_wait3A_42 = tpu.memref_squeeze %dma_wait3A_41 : memref<1x128x128xf32, #tpu.memory_space<hbm>> -> memref<128x128xf32, #tpu.memory_space<hbm>>
      %dma_wait3A_43 = arith.constant 0 : i32
      %dma_wait3A_44 = tpu.memref_slice %arg5[%arg0, %add3A_19, %dma_wait3A_43] : memref<2x10240x128xf32, #tpu.memory_space<hbm>> -> memref<1x128x128xf32, #tpu.memory_space<hbm>>
      %dma_wait3A_45 = tpu.memref_squeeze %dma_wait3A_44 : memref<1x128x128xf32, #tpu.memory_space<hbm>> -> memref<128x128xf32, #tpu.memory_space<hbm>>
      tpu.wait_dma2 semaphore(%run_scoped3A : memref<!tpu.dma_semaphore, #tpu.memory_space<semaphore_mem>>) src(%arg9 : memref<128x128xf32, #tpu.memory_space<vmem>>) dst(%dma_wait3A_45 : memref<128x128xf32, #tpu.memory_space<hbm>>)
      tpu.yield
    }) : () -> ()
    %add3A_20 = arith.constant 128 : i32
    %add3A_21 = arith.addi %mul3A_0, %add3A_20 : i32
    "tpu.region"() ({
      %run_scoped3A = tpu.sem_alloc : memref<!tpu.dma_semaphore, #tpu.memory_space<semaphore_mem>>
      %dma_start3A = arith.constant 0 : i32
      %dma_start3A_36 = tpu.memref_slice %arg6[%add3A_21, %dma_start3A] : memref<10240x128xf32, #tpu.memory_space<vmem_shared>> -> memref<128x128xf32, #tpu.memory_space<vmem_shared>>
      %dma_start3A_37 = arith.constant 0 : i32
      %dma_start3A_38 = tpu.memref_slice %arg6[%add3A_21, %dma_start3A_37] : memref<10240x128xf32, #tpu.memory_space<vmem_shared>> -> memref<128x128xf32, #tpu.memory_space<vmem_shared>>
      tpu.enqueue_dma source(%dma_start3A_38 : memref<128x128xf32, #tpu.memory_space<vmem_shared>>) target(%arg9 : memref<128x128xf32, #tpu.memory_space<vmem>>) target_semaphore(%run_scoped3A : memref<!tpu.dma_semaphore, #tpu.memory_space<semaphore_mem>>)
      %dma_wait3A = arith.constant 0 : i32
      %dma_wait3A_39 = tpu.memref_slice %arg6[%add3A_21, %dma_wait3A] : memref<10240x128xf32, #tpu.memory_space<vmem_shared>> -> memref<128x128xf32, #tpu.memory_space<vmem_shared>>
      %dma_wait3A_40 = arith.constant 0 : i32
      %dma_wait3A_41 = tpu.memref_slice %arg6[%add3A_21, %dma_wait3A_40] : memref<10240x128xf32, #tpu.memory_space<vmem_shared>> -> memref<128x128xf32, #tpu.memory_space<vmem_shared>>
      tpu.wait_dma2 semaphore(%run_scoped3A : memref<!tpu.dma_semaphore, #tpu.memory_space<semaphore_mem>>) src(%dma_wait3A_41 : memref<128x128xf32, #tpu.memory_space<vmem_shared>>) dst(%arg9 : memref<128x128xf32, #tpu.memory_space<vmem>>)
      tpu.yield
    }) : () -> ()
    %add3A_22 = arith.constant 128 : i32
    %add3A_23 = arith.addi %mul3A_0, %add3A_22 : i32
    "tpu.region"() ({
      %run_scoped3A = tpu.sem_alloc : memref<!tpu.dma_semaphore, #tpu.memory_space<semaphore_mem>>
      %dma_start3A = arith.constant 0 : i32
      %dma_start3A_36 = tpu.memref_slice %arg5[%arg0, %add3A_23, %dma_start3A] : memref<2x10240x128xf32, #tpu.memory_space<hbm>> -> memref<1x128x128xf32, #tpu.memory_space<hbm>>
      %dma_start3A_37 = tpu.memref_squeeze %dma_start3A_36 : memref<1x128x128xf32, #tpu.memory_space<hbm>> -> memref<128x128xf32, #tpu.memory_space<hbm>>
      %dma_start3A_38 = arith.constant 0 : i32
      %dma_start3A_39 = tpu.memref_slice %arg5[%arg0, %add3A_23, %dma_start3A_38] : memref<2x10240x128xf32, #tpu.memory_space<hbm>> -> memref<1x128x128xf32, #tpu.memory_space<hbm>>
      %dma_start3A_40 = tpu.memref_squeeze %dma_start3A_39 : memref<1x128x128xf32, #tpu.memory_space<hbm>> -> memref<128x128xf32, #tpu.memory_space<hbm>>
      tpu.enqueue_dma source(%arg9 : memref<128x128xf32, #tpu.memory_space<vmem>>) target(%dma_start3A_40 : memref<128x128xf32, #tpu.memory_space<hbm>>) target_semaphore(%run_scoped3A : memref<!tpu.dma_semaphore, #tpu.memory_space<semaphore_mem>>)
      %dma_wait3A = arith.constant 0 : i32
      %dma_wait3A_41 = tpu.memref_slice %arg5[%arg0, %add3A_23, %dma_wait3A] : memref<2x10240x128xf32, #tpu.memory_space<hbm>> -> memref<1x128x128xf32, #tpu.memory_space<hbm>>
      %dma_wait3A_42 = tpu.memref_squeeze %dma_wait3A_41 : memref<1x128x128xf32, #tpu.memory_space<hbm>> -> memref<128x128xf32, #tpu.memory_space<hbm>>
      %dma_wait3A_43 = arith.constant 0 : i32
      %dma_wait3A_44 = tpu.memref_slice %arg5[%arg0, %add3A_23, %dma_wait3A_43] : memref<2x10240x128xf32, #tpu.memory_space<hbm>> -> memref<1x128x128xf32, #tpu.memory_space<hbm>>
      %dma_wait3A_45 = tpu.memref_squeeze %dma_wait3A_44 : memref<1x128x128xf32, #tpu.memory_space<hbm>> -> memref<128x128xf32, #tpu.memory_space<hbm>>
      tpu.wait_dma2 semaphore(%run_scoped3A : memref<!tpu.dma_semaphore, #tpu.memory_space<semaphore_mem>>) src(%arg9 : memref<128x128xf32, #tpu.memory_space<vmem>>) dst(%dma_wait3A_45 : memref<128x128xf32, #tpu.memory_space<hbm>>)
      tpu.yield
    }) : () -> ()
    %add3A_24 = arith.constant 256 : i32
    %add3A_25 = arith.addi %mul3A_0, %add3A_24 : i32
    "tpu.region"() ({
      %run_scoped3A = tpu.sem_alloc : memref<!tpu.dma_semaphore, #tpu.memory_space<semaphore_mem>>
      %dma_start3A = arith.constant 0 : i32
      %dma_start3A_36 = tpu.memref_slice %arg6[%add3A_25, %dma_start3A] : memref<10240x128xf32, #tpu.memory_space<vmem_shared>> -> memref<128x128xf32, #tpu.memory_space<vmem_shared>>
      %dma_start3A_37 = arith.constant 0 : i32
      %dma_start3A_38 = tpu.memref_slice %arg6[%add3A_25, %dma_start3A_37] : memref<10240x128xf32, #tpu.memory_space<vmem_shared>> -> memref<128x128xf32, #tpu.memory_space<vmem_shared>>
      tpu.enqueue_dma source(%dma_start3A_38 : memref<128x128xf32, #tpu.memory_space<vmem_shared>>) target(%arg9 : memref<128x128xf32, #tpu.memory_space<vmem>>) target_semaphore(%run_scoped3A : memref<!tpu.dma_semaphore, #tpu.memory_space<semaphore_mem>>)
      %dma_wait3A = arith.constant 0 : i32
      %dma_wait3A_39 = tpu.memref_slice %arg6[%add3A_25, %dma_wait3A] : memref<10240x128xf32, #tpu.memory_space<vmem_shared>> -> memref<128x128xf32, #tpu.memory_space<vmem_shared>>
      %dma_wait3A_40 = arith.constant 0 : i32
      %dma_wait3A_41 = tpu.memref_slice %arg6[%add3A_25, %dma_wait3A_40] : memref<10240x128xf32, #tpu.memory_space<vmem_shared>> -> memref<128x128xf32, #tpu.memory_space<vmem_shared>>
      tpu.wait_dma2 semaphore(%run_scoped3A : memref<!tpu.dma_semaphore, #tpu.memory_space<semaphore_mem>>) src(%dma_wait3A_41 : memref<128x128xf32, #tpu.memory_space<vmem_shared>>) dst(%arg9 : memref<128x128xf32, #tpu.memory_space<vmem>>)
      tpu.yield
    }) : () -> ()
    %add3A_26 = arith.constant 256 : i32
    %add3A_27 = arith.addi %mul3A_0, %add3A_26 : i32
    "tpu.region"() ({
      %run_scoped3A = tpu.sem_alloc : memref<!tpu.dma_semaphore, #tpu.memory_space<semaphore_mem>>
      %dma_start3A = arith.constant 0 : i32
      %dma_start3A_36 = tpu.memref_slice %arg5[%arg0, %add3A_27, %dma_start3A] : memref<2x10240x128xf32, #tpu.memory_space<hbm>> -> memref<1x128x128xf32, #tpu.memory_space<hbm>>
      %dma_start3A_37 = tpu.memref_squeeze %dma_start3A_36 : memref<1x128x128xf32, #tpu.memory_space<hbm>> -> memref<128x128xf32, #tpu.memory_space<hbm>>
      %dma_start3A_38 = arith.constant 0 : i32
      %dma_start3A_39 = tpu.memref_slice %arg5[%arg0, %add3A_27, %dma_start3A_38] : memref<2x10240x128xf32, #tpu.memory_space<hbm>> -> memref<1x128x128xf32, #tpu.memory_space<hbm>>
      %dma_start3A_40 = tpu.memref_squeeze %dma_start3A_39 : memref<1x128x128xf32, #tpu.memory_space<hbm>> -> memref<128x128xf32, #tpu.memory_space<hbm>>
      tpu.enqueue_dma source(%arg9 : memref<128x128xf32, #tpu.memory_space<vmem>>) target(%dma_start3A_40 : memref<128x128xf32, #tpu.memory_space<hbm>>) target_semaphore(%run_scoped3A : memref<!tpu.dma_semaphore, #tpu.memory_space<semaphore_mem>>)
      %dma_wait3A = arith.constant 0 : i32
      %dma_wait3A_41 = tpu.memref_slice %arg5[%arg0, %add3A_27, %dma_wait3A] : memref<2x10240x128xf32, #tpu.memory_space<hbm>> -> memref<1x128x128xf32, #tpu.memory_space<hbm>>
      %dma_wait3A_42 = tpu.memref_squeeze %dma_wait3A_41 : memref<1x128x128xf32, #tpu.memory_space<hbm>> -> memref<128x128xf32, #tpu.memory_space<hbm>>
      %dma_wait3A_43 = arith.constant 0 : i32
      %dma_wait3A_44 = tpu.memref_slice %arg5[%arg0, %add3A_27, %dma_wait3A_43] : memref<2x10240x128xf32, #tpu.memory_space<hbm>> -> memref<1x128x128xf32, #tpu.memory_space<hbm>>
      %dma_wait3A_45 = tpu.memref_squeeze %dma_wait3A_44 : memref<1x128x128xf32, #tpu.memory_space<hbm>> -> memref<128x128xf32, #tpu.memory_space<hbm>>
      tpu.wait_dma2 semaphore(%run_scoped3A : memref<!tpu.dma_semaphore, #tpu.memory_space<semaphore_mem>>) src(%arg9 : memref<128x128xf32, #tpu.memory_space<vmem>>) dst(%dma_wait3A_45 : memref<128x128xf32, #tpu.memory_space<hbm>>)
      tpu.yield
    }) : () -> ()
    %add3A_28 = arith.constant 384 : i32
    %add3A_29 = arith.addi %mul3A_0, %add3A_28 : i32
    "tpu.region"() ({
      %run_scoped3A = tpu.sem_alloc : memref<!tpu.dma_semaphore, #tpu.memory_space<semaphore_mem>>
      %dma_start3A = arith.constant 0 : i32
      %dma_start3A_36 = tpu.memref_slice %arg6[%add3A_29, %dma_start3A] : memref<10240x128xf32, #tpu.memory_space<vmem_shared>> -> memref<128x128xf32, #tpu.memory_space<vmem_shared>>
      %dma_start3A_37 = arith.constant 0 : i32
      %dma_start3A_38 = tpu.memref_slice %arg6[%add3A_29, %dma_start3A_37] : memref<10240x128xf32, #tpu.memory_space<vmem_shared>> -> memref<128x128xf32, #tpu.memory_space<vmem_shared>>
      tpu.enqueue_dma source(%dma_start3A_38 : memref<128x128xf32, #tpu.memory_space<vmem_shared>>) target(%arg9 : memref<128x128xf32, #tpu.memory_space<vmem>>) target_semaphore(%run_scoped3A : memref<!tpu.dma_semaphore, #tpu.memory_space<semaphore_mem>>)
      %dma_wait3A = arith.constant 0 : i32
      %dma_wait3A_39 = tpu.memref_slice %arg6[%add3A_29, %dma_wait3A] : memref<10240x128xf32, #tpu.memory_space<vmem_shared>> -> memref<128x128xf32, #tpu.memory_space<vmem_shared>>
      %dma_wait3A_40 = arith.constant 0 : i32
      %dma_wait3A_41 = tpu.memref_slice %arg6[%add3A_29, %dma_wait3A_40] : memref<10240x128xf32, #tpu.memory_space<vmem_shared>> -> memref<128x128xf32, #tpu.memory_space<vmem_shared>>
      tpu.wait_dma2 semaphore(%run_scoped3A : memref<!tpu.dma_semaphore, #tpu.memory_space<semaphore_mem>>) src(%dma_wait3A_41 : memref<128x128xf32, #tpu.memory_space<vmem_shared>>) dst(%arg9 : memref<128x128xf32, #tpu.memory_space<vmem>>)
      tpu.yield
    }) : () -> ()
    %add3A_30 = arith.constant 384 : i32
    %add3A_31 = arith.addi %mul3A_0, %add3A_30 : i32
    "tpu.region"() ({
      %run_scoped3A = tpu.sem_alloc : memref<!tpu.dma_semaphore, #tpu.memory_space<semaphore_mem>>
      %dma_start3A = arith.constant 0 : i32
      %dma_start3A_36 = tpu.memref_slice %arg5[%arg0, %add3A_31, %dma_start3A] : memref<2x10240x128xf32, #tpu.memory_space<hbm>> -> memref<1x128x128xf32, #tpu.memory_space<hbm>>
      %dma_start3A_37 = tpu.memref_squeeze %dma_start3A_36 : memref<1x128x128xf32, #tpu.memory_space<hbm>> -> memref<128x128xf32, #tpu.memory_space<hbm>>
      %dma_start3A_38 = arith.constant 0 : i32
      %dma_start3A_39 = tpu.memref_slice %arg5[%arg0, %add3A_31, %dma_start3A_38] : memref<2x10240x128xf32, #tpu.memory_space<hbm>> -> memref<1x128x128xf32, #tpu.memory_space<hbm>>
      %dma_start3A_40 = tpu.memref_squeeze %dma_start3A_39 : memref<1x128x128xf32, #tpu.memory_space<hbm>> -> memref<128x128xf32, #tpu.memory_space<hbm>>
      tpu.enqueue_dma source(%arg9 : memref<128x128xf32, #tpu.memory_space<vmem>>) target(%dma_start3A_40 : memref<128x128xf32, #tpu.memory_space<hbm>>) target_semaphore(%run_scoped3A : memref<!tpu.dma_semaphore, #tpu.memory_space<semaphore_mem>>)
      %dma_wait3A = arith.constant 0 : i32
      %dma_wait3A_41 = tpu.memref_slice %arg5[%arg0, %add3A_31, %dma_wait3A] : memref<2x10240x128xf32, #tpu.memory_space<hbm>> -> memref<1x128x128xf32, #tpu.memory_space<hbm>>
      %dma_wait3A_42 = tpu.memref_squeeze %dma_wait3A_41 : memref<1x128x128xf32, #tpu.memory_space<hbm>> -> memref<128x128xf32, #tpu.memory_space<hbm>>
      %dma_wait3A_43 = arith.constant 0 : i32
      %dma_wait3A_44 = tpu.memref_slice %arg5[%arg0, %add3A_31, %dma_wait3A_43] : memref<2x10240x128xf32, #tpu.memory_space<hbm>> -> memref<1x128x128xf32, #tpu.memory_space<hbm>>
      %dma_wait3A_45 = tpu.memref_squeeze %dma_wait3A_44 : memref<1x128x128xf32, #tpu.memory_space<hbm>> -> memref<128x128xf32, #tpu.memory_space<hbm>>
      tpu.wait_dma2 semaphore(%run_scoped3A : memref<!tpu.dma_semaphore, #tpu.memory_space<semaphore_mem>>) src(%arg9 : memref<128x128xf32, #tpu.memory_space<vmem>>) dst(%dma_wait3A_45 : memref<128x128xf32, #tpu.memory_space<hbm>>)
      tpu.yield
    }) : () -> ()
    %add3A_32 = arith.constant 512 : i32
    %add3A_33 = arith.addi %mul3A_0, %add3A_32 : i32
    "tpu.region"() ({
      %run_scoped3A = tpu.sem_alloc : memref<!tpu.dma_semaphore, #tpu.memory_space<semaphore_mem>>
      %dma_start3A = arith.constant 0 : i32
      %dma_start3A_36 = tpu.memref_slice %arg6[%add3A_33, %dma_start3A] : memref<10240x128xf32, #tpu.memory_space<vmem_shared>> -> memref<128x128xf32, #tpu.memory_space<vmem_shared>>
      %dma_start3A_37 = arith.constant 0 : i32
      %dma_start3A_38 = tpu.memref_slice %arg6[%add3A_33, %dma_start3A_37] : memref<10240x128xf32, #tpu.memory_space<vmem_shared>> -> memref<128x128xf32, #tpu.memory_space<vmem_shared>>
      tpu.enqueue_dma source(%dma_start3A_38 : memref<128x128xf32, #tpu.memory_space<vmem_shared>>) target(%arg9 : memref<128x128xf32, #tpu.memory_space<vmem>>) target_semaphore(%run_scoped3A : memref<!tpu.dma_semaphore, #tpu.memory_space<semaphore_mem>>)
      %dma_wait3A = arith.constant 0 : i32
      %dma_wait3A_39 = tpu.memref_slice %arg6[%add3A_33, %dma_wait3A] : memref<10240x128xf32, #tpu.memory_space<vmem_shared>> -> memref<128x128xf32, #tpu.memory_space<vmem_shared>>
      %dma_wait3A_40 = arith.constant 0 : i32
      %dma_wait3A_41 = tpu.memref_slice %arg6[%add3A_33, %dma_wait3A_40] : memref<10240x128xf32, #tpu.memory_space<vmem_shared>> -> memref<128x128xf32, #tpu.memory_space<vmem_shared>>
      tpu.wait_dma2 semaphore(%run_scoped3A : memref<!tpu.dma_semaphore, #tpu.memory_space<semaphore_mem>>) src(%dma_wait3A_41 : memref<128x128xf32, #tpu.memory_space<vmem_shared>>) dst(%arg9 : memref<128x128xf32, #tpu.memory_space<vmem>>)
      tpu.yield
    }) : () -> ()
    %add3A_34 = arith.constant 512 : i32
    %add3A_35 = arith.addi %mul3A_0, %add3A_34 : i32
    "tpu.region"() ({
      %run_scoped3A = tpu.sem_alloc : memref<!tpu.dma_semaphore, #tpu.memory_space<semaphore_mem>>
      %dma_start3A = arith.constant 0 : i32
      %dma_start3A_36 = tpu.memref_slice %arg5[%arg0, %add3A_35, %dma_start3A] : memref<2x10240x128xf32, #tpu.memory_space<hbm>> -> memref<1x128x128xf32, #tpu.memory_space<hbm>>
      %dma_start3A_37 = tpu.memref_squeeze %dma_start3A_36 : memref<1x128x128xf32, #tpu.memory_space<hbm>> -> memref<128x128xf32, #tpu.memory_space<hbm>>
      %dma_start3A_38 = arith.constant 0 : i32
      %dma_start3A_39 = tpu.memref_slice %arg5[%arg0, %add3A_35, %dma_start3A_38] : memref<2x10240x128xf32, #tpu.memory_space<hbm>> -> memref<1x128x128xf32, #tpu.memory_space<hbm>>
      %dma_start3A_40 = tpu.memref_squeeze %dma_start3A_39 : memref<1x128x128xf32, #tpu.memory_space<hbm>> -> memref<128x128xf32, #tpu.memory_space<hbm>>
      tpu.enqueue_dma source(%arg9 : memref<128x128xf32, #tpu.memory_space<vmem>>) target(%dma_start3A_40 : memref<128x128xf32, #tpu.memory_space<hbm>>) target_semaphore(%run_scoped3A : memref<!tpu.dma_semaphore, #tpu.memory_space<semaphore_mem>>)
      %dma_wait3A = arith.constant 0 : i32
      %dma_wait3A_41 = tpu.memref_slice %arg5[%arg0, %add3A_35, %dma_wait3A] : memref<2x10240x128xf32, #tpu.memory_space<hbm>> -> memref<1x128x128xf32, #tpu.memory_space<hbm>>
      %dma_wait3A_42 = tpu.memref_squeeze %dma_wait3A_41 : memref<1x128x128xf32, #tpu.memory_space<hbm>> -> memref<128x128xf32, #tpu.memory_space<hbm>>
      %dma_wait3A_43 = arith.constant 0 : i32
      %dma_wait3A_44 = tpu.memref_slice %arg5[%arg0, %add3A_35, %dma_wait3A_43] : memref<2x10240x128xf32, #tpu.memory_space<hbm>> -> memref<1x128x128xf32, #tpu.memory_space<hbm>>
      %dma_wait3A_45 = tpu.memref_squeeze %dma_wait3A_44 : memref<1x128x128xf32, #tpu.memory_space<hbm>> -> memref<128x128xf32, #tpu.memory_space<hbm>>
      tpu.wait_dma2 semaphore(%run_scoped3A : memref<!tpu.dma_semaphore, #tpu.memory_space<semaphore_mem>>) src(%arg9 : memref<128x128xf32, #tpu.memory_space<vmem>>) dst(%dma_wait3A_45 : memref<128x128xf32, #tpu.memory_space<hbm>>)
      tpu.yield
    }) : () -> ()
    return
  }
}

#map = affine_map<(d0, d1) -> (0, 0)>
#map1 = affine_map<(d0, d1) -> (0, 0, 0)>
module attributes {stable_mosaic.version = 14 : i64} {
  func.func @sc_degree(%arg0: i32, %arg1: i32, %arg2: memref<2x327680xi32, #tpu.memory_space<hbm>>, %arg3: memref<128x128xf32, #tpu.memory_space<hbm>>, %arg4: memref<128x128xf32, #tpu.memory_space<hbm>>, %arg5: memref<2x10240x128xf32, #tpu.memory_space<hbm>>, %arg6: memref<10240x128xf32, #tpu.memory_space<vmem_shared>>, %arg7: memref<1x128xi32, #tpu.memory_space<vmem>>, %arg8: memref<128x128xf32, #tpu.memory_space<vmem>>, %arg9: memref<!tpu.dma_semaphore, #tpu.memory_space<semaphore_mem>>) attributes {dimension_semantics = [#tpu.dimension_semantics<core_parallel>, #tpu.dimension_semantics<subcore_parallel>], iteration_bounds = array<i64: 2, 16>, scalar_prefetch = 0 : i64, scratch_operands = 4 : i64, tpu.core_type = #tpu.core_type<sc_vector_subcore>, window_params = [{transform_indices = #map}, {transform_indices = #map}, {transform_indices = #map}, {transform_indices = #map1}]} {
    %mul3A = arith.constant 640 : i32
    %mul3A_0 = arith.muli %arg1, %mul3A : i32
    "tpu.region"() ({
      %run_scoped3A = tpu.sem_alloc : memref<!tpu.dma_semaphore, #tpu.memory_space<semaphore_mem>>
      tpu.enqueue_dma source(%arg3 : memref<128x128xf32, #tpu.memory_space<hbm>>) target(%arg8 : memref<128x128xf32, #tpu.memory_space<vmem>>) target_semaphore(%run_scoped3A : memref<!tpu.dma_semaphore, #tpu.memory_space<semaphore_mem>>)
      tpu.wait_dma2 semaphore(%run_scoped3A : memref<!tpu.dma_semaphore, #tpu.memory_space<semaphore_mem>>) src(%arg3 : memref<128x128xf32, #tpu.memory_space<hbm>>) dst(%arg8 : memref<128x128xf32, #tpu.memory_space<vmem>>)
      tpu.yield
    }) : () -> ()
    %add3A = arith.constant 0 : i32
    %add3A_1 = arith.addi %mul3A_0, %add3A : i32
    "tpu.region"() ({
      %run_scoped3A = tpu.sem_alloc : memref<!tpu.dma_semaphore, #tpu.memory_space<semaphore_mem>>
      %dma_start3A = arith.constant 0 : i32
      %dma_start3A_36 = tpu.memref_slice %arg6[%add3A_1, %dma_start3A] : memref<10240x128xf32, #tpu.memory_space<vmem_shared>> -> memref<128x128xf32, #tpu.memory_space<vmem_shared>>
      %dma_start3A_37 = arith.constant 0 : i32
      %dma_start3A_38 = tpu.memref_slice %arg6[%add3A_1, %dma_start3A_37] : memref<10240x128xf32, #tpu.memory_space<vmem_shared>> -> memref<128x128xf32, #tpu.memory_space<vmem_shared>>
      tpu.enqueue_dma source(%arg8 : memref<128x128xf32, #tpu.memory_space<vmem>>) target(%dma_start3A_38 : memref<128x128xf32, #tpu.memory_space<vmem_shared>>) target_semaphore(%run_scoped3A : memref<!tpu.dma_semaphore, #tpu.memory_space<semaphore_mem>>)
      %dma_wait3A = arith.constant 0 : i32
      %dma_wait3A_39 = tpu.memref_slice %arg6[%add3A_1, %dma_wait3A] : memref<10240x128xf32, #tpu.memory_space<vmem_shared>> -> memref<128x128xf32, #tpu.memory_space<vmem_shared>>
      %dma_wait3A_40 = arith.constant 0 : i32
      %dma_wait3A_41 = tpu.memref_slice %arg6[%add3A_1, %dma_wait3A_40] : memref<10240x128xf32, #tpu.memory_space<vmem_shared>> -> memref<128x128xf32, #tpu.memory_space<vmem_shared>>
      tpu.wait_dma2 semaphore(%run_scoped3A : memref<!tpu.dma_semaphore, #tpu.memory_space<semaphore_mem>>) src(%arg8 : memref<128x128xf32, #tpu.memory_space<vmem>>) dst(%dma_wait3A_41 : memref<128x128xf32, #tpu.memory_space<vmem_shared>>)
      tpu.yield
    }) : () -> ()
    %add3A_2 = arith.constant 128 : i32
    %add3A_3 = arith.addi %mul3A_0, %add3A_2 : i32
    "tpu.region"() ({
      %run_scoped3A = tpu.sem_alloc : memref<!tpu.dma_semaphore, #tpu.memory_space<semaphore_mem>>
      %dma_start3A = arith.constant 0 : i32
      %dma_start3A_36 = tpu.memref_slice %arg6[%add3A_3, %dma_start3A] : memref<10240x128xf32, #tpu.memory_space<vmem_shared>> -> memref<128x128xf32, #tpu.memory_space<vmem_shared>>
      %dma_start3A_37 = arith.constant 0 : i32
      %dma_start3A_38 = tpu.memref_slice %arg6[%add3A_3, %dma_start3A_37] : memref<10240x128xf32, #tpu.memory_space<vmem_shared>> -> memref<128x128xf32, #tpu.memory_space<vmem_shared>>
      tpu.enqueue_dma source(%arg8 : memref<128x128xf32, #tpu.memory_space<vmem>>) target(%dma_start3A_38 : memref<128x128xf32, #tpu.memory_space<vmem_shared>>) target_semaphore(%run_scoped3A : memref<!tpu.dma_semaphore, #tpu.memory_space<semaphore_mem>>)
      %dma_wait3A = arith.constant 0 : i32
      %dma_wait3A_39 = tpu.memref_slice %arg6[%add3A_3, %dma_wait3A] : memref<10240x128xf32, #tpu.memory_space<vmem_shared>> -> memref<128x128xf32, #tpu.memory_space<vmem_shared>>
      %dma_wait3A_40 = arith.constant 0 : i32
      %dma_wait3A_41 = tpu.memref_slice %arg6[%add3A_3, %dma_wait3A_40] : memref<10240x128xf32, #tpu.memory_space<vmem_shared>> -> memref<128x128xf32, #tpu.memory_space<vmem_shared>>
      tpu.wait_dma2 semaphore(%run_scoped3A : memref<!tpu.dma_semaphore, #tpu.memory_space<semaphore_mem>>) src(%arg8 : memref<128x128xf32, #tpu.memory_space<vmem>>) dst(%dma_wait3A_41 : memref<128x128xf32, #tpu.memory_space<vmem_shared>>)
      tpu.yield
    }) : () -> ()
    %add3A_4 = arith.constant 256 : i32
    %add3A_5 = arith.addi %mul3A_0, %add3A_4 : i32
    "tpu.region"() ({
      %run_scoped3A = tpu.sem_alloc : memref<!tpu.dma_semaphore, #tpu.memory_space<semaphore_mem>>
      %dma_start3A = arith.constant 0 : i32
      %dma_start3A_36 = tpu.memref_slice %arg6[%add3A_5, %dma_start3A] : memref<10240x128xf32, #tpu.memory_space<vmem_shared>> -> memref<128x128xf32, #tpu.memory_space<vmem_shared>>
      %dma_start3A_37 = arith.constant 0 : i32
      %dma_start3A_38 = tpu.memref_slice %arg6[%add3A_5, %dma_start3A_37] : memref<10240x128xf32, #tpu.memory_space<vmem_shared>> -> memref<128x128xf32, #tpu.memory_space<vmem_shared>>
      tpu.enqueue_dma source(%arg8 : memref<128x128xf32, #tpu.memory_space<vmem>>) target(%dma_start3A_38 : memref<128x128xf32, #tpu.memory_space<vmem_shared>>) target_semaphore(%run_scoped3A : memref<!tpu.dma_semaphore, #tpu.memory_space<semaphore_mem>>)
      %dma_wait3A = arith.constant 0 : i32
      %dma_wait3A_39 = tpu.memref_slice %arg6[%add3A_5, %dma_wait3A] : memref<10240x128xf32, #tpu.memory_space<vmem_shared>> -> memref<128x128xf32, #tpu.memory_space<vmem_shared>>
      %dma_wait3A_40 = arith.constant 0 : i32
      %dma_wait3A_41 = tpu.memref_slice %arg6[%add3A_5, %dma_wait3A_40] : memref<10240x128xf32, #tpu.memory_space<vmem_shared>> -> memref<128x128xf32, #tpu.memory_space<vmem_shared>>
      tpu.wait_dma2 semaphore(%run_scoped3A : memref<!tpu.dma_semaphore, #tpu.memory_space<semaphore_mem>>) src(%arg8 : memref<128x128xf32, #tpu.memory_space<vmem>>) dst(%dma_wait3A_41 : memref<128x128xf32, #tpu.memory_space<vmem_shared>>)
      tpu.yield
    }) : () -> ()
    %add3A_6 = arith.constant 384 : i32
    %add3A_7 = arith.addi %mul3A_0, %add3A_6 : i32
    "tpu.region"() ({
      %run_scoped3A = tpu.sem_alloc : memref<!tpu.dma_semaphore, #tpu.memory_space<semaphore_mem>>
      %dma_start3A = arith.constant 0 : i32
      %dma_start3A_36 = tpu.memref_slice %arg6[%add3A_7, %dma_start3A] : memref<10240x128xf32, #tpu.memory_space<vmem_shared>> -> memref<128x128xf32, #tpu.memory_space<vmem_shared>>
      %dma_start3A_37 = arith.constant 0 : i32
      %dma_start3A_38 = tpu.memref_slice %arg6[%add3A_7, %dma_start3A_37] : memref<10240x128xf32, #tpu.memory_space<vmem_shared>> -> memref<128x128xf32, #tpu.memory_space<vmem_shared>>
      tpu.enqueue_dma source(%arg8 : memref<128x128xf32, #tpu.memory_space<vmem>>) target(%dma_start3A_38 : memref<128x128xf32, #tpu.memory_space<vmem_shared>>) target_semaphore(%run_scoped3A : memref<!tpu.dma_semaphore, #tpu.memory_space<semaphore_mem>>)
      %dma_wait3A = arith.constant 0 : i32
      %dma_wait3A_39 = tpu.memref_slice %arg6[%add3A_7, %dma_wait3A] : memref<10240x128xf32, #tpu.memory_space<vmem_shared>> -> memref<128x128xf32, #tpu.memory_space<vmem_shared>>
      %dma_wait3A_40 = arith.constant 0 : i32
      %dma_wait3A_41 = tpu.memref_slice %arg6[%add3A_7, %dma_wait3A_40] : memref<10240x128xf32, #tpu.memory_space<vmem_shared>> -> memref<128x128xf32, #tpu.memory_space<vmem_shared>>
      tpu.wait_dma2 semaphore(%run_scoped3A : memref<!tpu.dma_semaphore, #tpu.memory_space<semaphore_mem>>) src(%arg8 : memref<128x128xf32, #tpu.memory_space<vmem>>) dst(%dma_wait3A_41 : memref<128x128xf32, #tpu.memory_space<vmem_shared>>)
      tpu.yield
    }) : () -> ()
    %add3A_8 = arith.constant 512 : i32
    %add3A_9 = arith.addi %mul3A_0, %add3A_8 : i32
    "tpu.region"() ({
      %run_scoped3A = tpu.sem_alloc : memref<!tpu.dma_semaphore, #tpu.memory_space<semaphore_mem>>
      %dma_start3A = arith.constant 0 : i32
      %dma_start3A_36 = tpu.memref_slice %arg6[%add3A_9, %dma_start3A] : memref<10240x128xf32, #tpu.memory_space<vmem_shared>> -> memref<128x128xf32, #tpu.memory_space<vmem_shared>>
      %dma_start3A_37 = arith.constant 0 : i32
      %dma_start3A_38 = tpu.memref_slice %arg6[%add3A_9, %dma_start3A_37] : memref<10240x128xf32, #tpu.memory_space<vmem_shared>> -> memref<128x128xf32, #tpu.memory_space<vmem_shared>>
      tpu.enqueue_dma source(%arg8 : memref<128x128xf32, #tpu.memory_space<vmem>>) target(%dma_start3A_38 : memref<128x128xf32, #tpu.memory_space<vmem_shared>>) target_semaphore(%run_scoped3A : memref<!tpu.dma_semaphore, #tpu.memory_space<semaphore_mem>>)
      %dma_wait3A = arith.constant 0 : i32
      %dma_wait3A_39 = tpu.memref_slice %arg6[%add3A_9, %dma_wait3A] : memref<10240x128xf32, #tpu.memory_space<vmem_shared>> -> memref<128x128xf32, #tpu.memory_space<vmem_shared>>
      %dma_wait3A_40 = arith.constant 0 : i32
      %dma_wait3A_41 = tpu.memref_slice %arg6[%add3A_9, %dma_wait3A_40] : memref<10240x128xf32, #tpu.memory_space<vmem_shared>> -> memref<128x128xf32, #tpu.memory_space<vmem_shared>>
      tpu.wait_dma2 semaphore(%run_scoped3A : memref<!tpu.dma_semaphore, #tpu.memory_space<semaphore_mem>>) src(%arg8 : memref<128x128xf32, #tpu.memory_space<vmem>>) dst(%dma_wait3A_41 : memref<128x128xf32, #tpu.memory_space<vmem_shared>>)
      tpu.yield
    }) : () -> ()
    "tpu.region"() ({
      %run_scoped3A = tpu.sem_alloc : memref<!tpu.dma_semaphore, #tpu.memory_space<semaphore_mem>>
      tpu.enqueue_dma source(%arg4 : memref<128x128xf32, #tpu.memory_space<hbm>>) target(%arg8 : memref<128x128xf32, #tpu.memory_space<vmem>>) target_semaphore(%run_scoped3A : memref<!tpu.dma_semaphore, #tpu.memory_space<semaphore_mem>>)
      tpu.wait_dma2 semaphore(%run_scoped3A : memref<!tpu.dma_semaphore, #tpu.memory_space<semaphore_mem>>) src(%arg4 : memref<128x128xf32, #tpu.memory_space<hbm>>) dst(%arg8 : memref<128x128xf32, #tpu.memory_space<vmem>>)
      tpu.yield
    }) : () -> ()
    %barrier3A = arith.constant 0 : index
    tpu.barrier barrier_id(%barrier3A)
    %scan3A = arith.constant 0 : i32
    %scan3A_10 = arith.constant 0 : i32
    %scan3A_11 = arith.constant 80 : i32
    %scan3A_12 = arith.addi %scan3A_10, %scan3A_11 : i32
    %scan3A_13 = arith.constant 1 : i32
    scf.for %scan3A_36 = %scan3A_10 to %scan3A_12 step %scan3A_13  : i32 {
      %mul3A_37 = arith.constant 1280 : i32
      %mul3A_38 = arith.muli %arg0, %mul3A_37 : i32
      %add3A_39 = arith.addi %mul3A_38, %arg1 : i32
      %mul3A_40 = arith.constant 16 : i32
      %mul3A_41 = arith.muli %mul3A_40, %scan3A_36 : i32
      %add3A_42 = arith.addi %add3A_39, %mul3A_41 : i32
      %mul3A_43 = arith.constant 128 : i32
      %mul3A_44 = arith.muli %add3A_42, %mul3A_43 : i32
      %run_scoped3A = arith.constant 1 : i32
      %run_scoped3A_45 = arith.constant 0 : i32
      "tpu.region"() ({
        %run_scoped3A_47 = tpu.sem_alloc : memref<!tpu.dma_semaphore, #tpu.memory_space<semaphore_mem>>
        %dma_start3A = arith.constant 0 : i32
        %dma_start3A_48 = tpu.memref_slice %arg7[%run_scoped3A_45, %dma_start3A] : memref<1x128xi32, #tpu.memory_space<vmem>> -> memref<1x128xi32, #tpu.memory_space<vmem>>
        %dma_start3A_49 = tpu.memref_squeeze %dma_start3A_48 : memref<1x128xi32, #tpu.memory_space<vmem>> -> memref<128xi32, #tpu.memory_space<vmem>>
        %dma_start3A_50 = tpu.memref_slice %arg2[%run_scoped3A, %mul3A_44] : memref<2x327680xi32, #tpu.memory_space<hbm>> -> memref<1x128xi32, #tpu.memory_space<hbm>>
        %dma_start3A_51 = tpu.memref_squeeze %dma_start3A_50 : memref<1x128xi32, #tpu.memory_space<hbm>> -> memref<128xi32, #tpu.memory_space<hbm>>
        %dma_start3A_52 = arith.constant 0 : i32
        %dma_start3A_53 = tpu.memref_slice %arg7[%run_scoped3A_45, %dma_start3A_52] : memref<1x128xi32, #tpu.memory_space<vmem>> -> memref<1x128xi32, #tpu.memory_space<vmem>>
        %dma_start3A_54 = tpu.memref_squeeze %dma_start3A_53 : memref<1x128xi32, #tpu.memory_space<vmem>> -> memref<128xi32, #tpu.memory_space<vmem>>
        %dma_start3A_55 = tpu.memref_slice %arg2[%run_scoped3A, %mul3A_44] : memref<2x327680xi32, #tpu.memory_space<hbm>> -> memref<1x128xi32, #tpu.memory_space<hbm>>
        %dma_start3A_56 = tpu.memref_squeeze %dma_start3A_55 : memref<1x128xi32, #tpu.memory_space<hbm>> -> memref<128xi32, #tpu.memory_space<hbm>>
        tpu.enqueue_dma source(%dma_start3A_56 : memref<128xi32, #tpu.memory_space<hbm>>) target(%dma_start3A_54 : memref<128xi32, #tpu.memory_space<vmem>>) target_semaphore(%run_scoped3A_47 : memref<!tpu.dma_semaphore, #tpu.memory_space<semaphore_mem>>)
        %dma_wait3A = arith.constant 0 : i32
        %dma_wait3A_57 = tpu.memref_slice %arg7[%run_scoped3A_45, %dma_wait3A] : memref<1x128xi32, #tpu.memory_space<vmem>> -> memref<1x128xi32, #tpu.memory_space<vmem>>
        %dma_wait3A_58 = tpu.memref_squeeze %dma_wait3A_57 : memref<1x128xi32, #tpu.memory_space<vmem>> -> memref<128xi32, #tpu.memory_space<vmem>>
        %dma_wait3A_59 = tpu.memref_slice %arg2[%run_scoped3A, %mul3A_44] : memref<2x327680xi32, #tpu.memory_space<hbm>> -> memref<1x128xi32, #tpu.memory_space<hbm>>
        %dma_wait3A_60 = tpu.memref_squeeze %dma_wait3A_59 : memref<1x128xi32, #tpu.memory_space<hbm>> -> memref<128xi32, #tpu.memory_space<hbm>>
        %dma_wait3A_61 = arith.constant 0 : i32
        %dma_wait3A_62 = tpu.memref_slice %arg7[%run_scoped3A_45, %dma_wait3A_61] : memref<1x128xi32, #tpu.memory_space<vmem>> -> memref<1x128xi32, #tpu.memory_space<vmem>>
        %dma_wait3A_63 = tpu.memref_squeeze %dma_wait3A_62 : memref<1x128xi32, #tpu.memory_space<vmem>> -> memref<128xi32, #tpu.memory_space<vmem>>
        %dma_wait3A_64 = tpu.memref_slice %arg2[%run_scoped3A, %mul3A_44] : memref<2x327680xi32, #tpu.memory_space<hbm>> -> memref<1x128xi32, #tpu.memory_space<hbm>>
        %dma_wait3A_65 = tpu.memref_squeeze %dma_wait3A_64 : memref<1x128xi32, #tpu.memory_space<hbm>> -> memref<128xi32, #tpu.memory_space<hbm>>
        tpu.wait_dma2 semaphore(%run_scoped3A_47 : memref<!tpu.dma_semaphore, #tpu.memory_space<semaphore_mem>>) src(%dma_wait3A_65 : memref<128xi32, #tpu.memory_space<hbm>>) dst(%dma_wait3A_63 : memref<128xi32, #tpu.memory_space<vmem>>)
        tpu.yield
      }) : () -> ()
      %run_scoped3A_46 = arith.constant 0 : i32
      "tpu.region"() ({
        %run_scoped3A_47 = tpu.sem_alloc : memref<!tpu.dma_semaphore, #tpu.memory_space<semaphore_mem>>
        %dma_start3A = arith.constant 0 : i32
        %dma_start3A_48 = tpu.memref_slice %arg7[%run_scoped3A_46, %dma_start3A] : memref<1x128xi32, #tpu.memory_space<vmem>> -> memref<1x128xi32, #tpu.memory_space<vmem>>
        %dma_start3A_49 = tpu.memref_squeeze %dma_start3A_48 : memref<1x128xi32, #tpu.memory_space<vmem>> -> memref<128xi32, #tpu.memory_space<vmem>>
        %dma_start3A_50 = arith.constant 0 : i32
        %dma_start3A_51 = arith.constant 0 : i32
        %dma_start3A_52 = tpu.memref_slice %arg6[%dma_start3A_50, %dma_start3A_51] : memref<10240x128xf32, #tpu.memory_space<vmem_shared>> -> memref<10240x128xf32, #tpu.memory_space<vmem_shared>>
        tpu.enqueue_indirect_dma source(%arg8 : memref<128x128xf32, #tpu.memory_space<vmem>>) target(%dma_start3A_52 : memref<10240x128xf32, #tpu.memory_space<vmem_shared>>) offsets(%dma_start3A_49 : memref<128xi32, #tpu.memory_space<vmem>>) semaphore(%run_scoped3A_47 : memref<!tpu.dma_semaphore, #tpu.memory_space<semaphore_mem>>) {add = true}
        %dma_wait3A = arith.constant 0 : i32
        %dma_wait3A_53 = tpu.memref_slice %arg7[%run_scoped3A_46, %dma_wait3A] : memref<1x128xi32, #tpu.memory_space<vmem>> -> memref<1x128xi32, #tpu.memory_space<vmem>>
        %dma_wait3A_54 = tpu.memref_squeeze %dma_wait3A_53 : memref<1x128xi32, #tpu.memory_space<vmem>> -> memref<128xi32, #tpu.memory_space<vmem>>
        %dma_wait3A_55 = arith.constant 0 : i32
        %dma_wait3A_56 = arith.constant 0 : i32
        %dma_wait3A_57 = tpu.memref_slice %arg6[%dma_wait3A_55, %dma_wait3A_56] : memref<10240x128xf32, #tpu.memory_space<vmem_shared>> -> memref<10240x128xf32, #tpu.memory_space<vmem_shared>>
        tpu.wait_indirect_dma semaphore(%run_scoped3A_47 : memref<!tpu.dma_semaphore, #tpu.memory_space<semaphore_mem>>) src(%arg8 : memref<128x128xf32, #tpu.memory_space<vmem>>) dst(%dma_wait3A_57 : memref<10240x128xf32, #tpu.memory_space<vmem_shared>>)
        tpu.yield
      }) : () -> ()
    }
    %scan3A_14 = arith.constant 80 : i32
    %barrier3A_15 = arith.constant 0 : index
    tpu.barrier barrier_id(%barrier3A_15)
    %add3A_16 = arith.constant 0 : i32
    %add3A_17 = arith.addi %mul3A_0, %add3A_16 : i32
    "tpu.region"() ({
      %run_scoped3A = tpu.sem_alloc : memref<!tpu.dma_semaphore, #tpu.memory_space<semaphore_mem>>
      %dma_start3A = arith.constant 0 : i32
      %dma_start3A_36 = tpu.memref_slice %arg6[%add3A_17, %dma_start3A] : memref<10240x128xf32, #tpu.memory_space<vmem_shared>> -> memref<128x128xf32, #tpu.memory_space<vmem_shared>>
      %dma_start3A_37 = arith.constant 0 : i32
      %dma_start3A_38 = tpu.memref_slice %arg6[%add3A_17, %dma_start3A_37] : memref<10240x128xf32, #tpu.memory_space<vmem_shared>> -> memref<128x128xf32, #tpu.memory_space<vmem_shared>>
      tpu.enqueue_dma source(%dma_start3A_38 : memref<128x128xf32, #tpu.memory_space<vmem_shared>>) target(%arg8 : memref<128x128xf32, #tpu.memory_space<vmem>>) target_semaphore(%run_scoped3A : memref<!tpu.dma_semaphore, #tpu.memory_space<semaphore_mem>>)
      %dma_wait3A = arith.constant 0 : i32
      %dma_wait3A_39 = tpu.memref_slice %arg6[%add3A_17, %dma_wait3A] : memref<10240x128xf32, #tpu.memory_space<vmem_shared>> -> memref<128x128xf32, #tpu.memory_space<vmem_shared>>
      %dma_wait3A_40 = arith.constant 0 : i32
      %dma_wait3A_41 = tpu.memref_slice %arg6[%add3A_17, %dma_wait3A_40] : memref<10240x128xf32, #tpu.memory_space<vmem_shared>> -> memref<128x128xf32, #tpu.memory_space<vmem_shared>>
      tpu.wait_dma2 semaphore(%run_scoped3A : memref<!tpu.dma_semaphore, #tpu.memory_space<semaphore_mem>>) src(%dma_wait3A_41 : memref<128x128xf32, #tpu.memory_space<vmem_shared>>) dst(%arg8 : memref<128x128xf32, #tpu.memory_space<vmem>>)
      tpu.yield
    }) : () -> ()
    %add3A_18 = arith.constant 0 : i32
    %add3A_19 = arith.addi %mul3A_0, %add3A_18 : i32
    "tpu.region"() ({
      %run_scoped3A = tpu.sem_alloc : memref<!tpu.dma_semaphore, #tpu.memory_space<semaphore_mem>>
      %dma_start3A = arith.constant 0 : i32
      %dma_start3A_36 = tpu.memref_slice %arg5[%arg0, %add3A_19, %dma_start3A] : memref<2x10240x128xf32, #tpu.memory_space<hbm>> -> memref<1x128x128xf32, #tpu.memory_space<hbm>>
      %dma_start3A_37 = tpu.memref_squeeze %dma_start3A_36 : memref<1x128x128xf32, #tpu.memory_space<hbm>> -> memref<128x128xf32, #tpu.memory_space<hbm>>
      %dma_start3A_38 = arith.constant 0 : i32
      %dma_start3A_39 = tpu.memref_slice %arg5[%arg0, %add3A_19, %dma_start3A_38] : memref<2x10240x128xf32, #tpu.memory_space<hbm>> -> memref<1x128x128xf32, #tpu.memory_space<hbm>>
      %dma_start3A_40 = tpu.memref_squeeze %dma_start3A_39 : memref<1x128x128xf32, #tpu.memory_space<hbm>> -> memref<128x128xf32, #tpu.memory_space<hbm>>
      tpu.enqueue_dma source(%arg8 : memref<128x128xf32, #tpu.memory_space<vmem>>) target(%dma_start3A_40 : memref<128x128xf32, #tpu.memory_space<hbm>>) target_semaphore(%run_scoped3A : memref<!tpu.dma_semaphore, #tpu.memory_space<semaphore_mem>>)
      %dma_wait3A = arith.constant 0 : i32
      %dma_wait3A_41 = tpu.memref_slice %arg5[%arg0, %add3A_19, %dma_wait3A] : memref<2x10240x128xf32, #tpu.memory_space<hbm>> -> memref<1x128x128xf32, #tpu.memory_space<hbm>>
      %dma_wait3A_42 = tpu.memref_squeeze %dma_wait3A_41 : memref<1x128x128xf32, #tpu.memory_space<hbm>> -> memref<128x128xf32, #tpu.memory_space<hbm>>
      %dma_wait3A_43 = arith.constant 0 : i32
      %dma_wait3A_44 = tpu.memref_slice %arg5[%arg0, %add3A_19, %dma_wait3A_43] : memref<2x10240x128xf32, #tpu.memory_space<hbm>> -> memref<1x128x128xf32, #tpu.memory_space<hbm>>
      %dma_wait3A_45 = tpu.memref_squeeze %dma_wait3A_44 : memref<1x128x128xf32, #tpu.memory_space<hbm>> -> memref<128x128xf32, #tpu.memory_space<hbm>>
      tpu.wait_dma2 semaphore(%run_scoped3A : memref<!tpu.dma_semaphore, #tpu.memory_space<semaphore_mem>>) src(%arg8 : memref<128x128xf32, #tpu.memory_space<vmem>>) dst(%dma_wait3A_45 : memref<128x128xf32, #tpu.memory_space<hbm>>)
      tpu.yield
    }) : () -> ()
    %add3A_20 = arith.constant 128 : i32
    %add3A_21 = arith.addi %mul3A_0, %add3A_20 : i32
    "tpu.region"() ({
      %run_scoped3A = tpu.sem_alloc : memref<!tpu.dma_semaphore, #tpu.memory_space<semaphore_mem>>
      %dma_start3A = arith.constant 0 : i32
      %dma_start3A_36 = tpu.memref_slice %arg6[%add3A_21, %dma_start3A] : memref<10240x128xf32, #tpu.memory_space<vmem_shared>> -> memref<128x128xf32, #tpu.memory_space<vmem_shared>>
      %dma_start3A_37 = arith.constant 0 : i32
      %dma_start3A_38 = tpu.memref_slice %arg6[%add3A_21, %dma_start3A_37] : memref<10240x128xf32, #tpu.memory_space<vmem_shared>> -> memref<128x128xf32, #tpu.memory_space<vmem_shared>>
      tpu.enqueue_dma source(%dma_start3A_38 : memref<128x128xf32, #tpu.memory_space<vmem_shared>>) target(%arg8 : memref<128x128xf32, #tpu.memory_space<vmem>>) target_semaphore(%run_scoped3A : memref<!tpu.dma_semaphore, #tpu.memory_space<semaphore_mem>>)
      %dma_wait3A = arith.constant 0 : i32
      %dma_wait3A_39 = tpu.memref_slice %arg6[%add3A_21, %dma_wait3A] : memref<10240x128xf32, #tpu.memory_space<vmem_shared>> -> memref<128x128xf32, #tpu.memory_space<vmem_shared>>
      %dma_wait3A_40 = arith.constant 0 : i32
      %dma_wait3A_41 = tpu.memref_slice %arg6[%add3A_21, %dma_wait3A_40] : memref<10240x128xf32, #tpu.memory_space<vmem_shared>> -> memref<128x128xf32, #tpu.memory_space<vmem_shared>>
      tpu.wait_dma2 semaphore(%run_scoped3A : memref<!tpu.dma_semaphore, #tpu.memory_space<semaphore_mem>>) src(%dma_wait3A_41 : memref<128x128xf32, #tpu.memory_space<vmem_shared>>) dst(%arg8 : memref<128x128xf32, #tpu.memory_space<vmem>>)
      tpu.yield
    }) : () -> ()
    %add3A_22 = arith.constant 128 : i32
    %add3A_23 = arith.addi %mul3A_0, %add3A_22 : i32
    "tpu.region"() ({
      %run_scoped3A = tpu.sem_alloc : memref<!tpu.dma_semaphore, #tpu.memory_space<semaphore_mem>>
      %dma_start3A = arith.constant 0 : i32
      %dma_start3A_36 = tpu.memref_slice %arg5[%arg0, %add3A_23, %dma_start3A] : memref<2x10240x128xf32, #tpu.memory_space<hbm>> -> memref<1x128x128xf32, #tpu.memory_space<hbm>>
      %dma_start3A_37 = tpu.memref_squeeze %dma_start3A_36 : memref<1x128x128xf32, #tpu.memory_space<hbm>> -> memref<128x128xf32, #tpu.memory_space<hbm>>
      %dma_start3A_38 = arith.constant 0 : i32
      %dma_start3A_39 = tpu.memref_slice %arg5[%arg0, %add3A_23, %dma_start3A_38] : memref<2x10240x128xf32, #tpu.memory_space<hbm>> -> memref<1x128x128xf32, #tpu.memory_space<hbm>>
      %dma_start3A_40 = tpu.memref_squeeze %dma_start3A_39 : memref<1x128x128xf32, #tpu.memory_space<hbm>> -> memref<128x128xf32, #tpu.memory_space<hbm>>
      tpu.enqueue_dma source(%arg8 : memref<128x128xf32, #tpu.memory_space<vmem>>) target(%dma_start3A_40 : memref<128x128xf32, #tpu.memory_space<hbm>>) target_semaphore(%run_scoped3A : memref<!tpu.dma_semaphore, #tpu.memory_space<semaphore_mem>>)
      %dma_wait3A = arith.constant 0 : i32
      %dma_wait3A_41 = tpu.memref_slice %arg5[%arg0, %add3A_23, %dma_wait3A] : memref<2x10240x128xf32, #tpu.memory_space<hbm>> -> memref<1x128x128xf32, #tpu.memory_space<hbm>>
      %dma_wait3A_42 = tpu.memref_squeeze %dma_wait3A_41 : memref<1x128x128xf32, #tpu.memory_space<hbm>> -> memref<128x128xf32, #tpu.memory_space<hbm>>
      %dma_wait3A_43 = arith.constant 0 : i32
      %dma_wait3A_44 = tpu.memref_slice %arg5[%arg0, %add3A_23, %dma_wait3A_43] : memref<2x10240x128xf32, #tpu.memory_space<hbm>> -> memref<1x128x128xf32, #tpu.memory_space<hbm>>
      %dma_wait3A_45 = tpu.memref_squeeze %dma_wait3A_44 : memref<1x128x128xf32, #tpu.memory_space<hbm>> -> memref<128x128xf32, #tpu.memory_space<hbm>>
      tpu.wait_dma2 semaphore(%run_scoped3A : memref<!tpu.dma_semaphore, #tpu.memory_space<semaphore_mem>>) src(%arg8 : memref<128x128xf32, #tpu.memory_space<vmem>>) dst(%dma_wait3A_45 : memref<128x128xf32, #tpu.memory_space<hbm>>)
      tpu.yield
    }) : () -> ()
    %add3A_24 = arith.constant 256 : i32
    %add3A_25 = arith.addi %mul3A_0, %add3A_24 : i32
    "tpu.region"() ({
      %run_scoped3A = tpu.sem_alloc : memref<!tpu.dma_semaphore, #tpu.memory_space<semaphore_mem>>
      %dma_start3A = arith.constant 0 : i32
      %dma_start3A_36 = tpu.memref_slice %arg6[%add3A_25, %dma_start3A] : memref<10240x128xf32, #tpu.memory_space<vmem_shared>> -> memref<128x128xf32, #tpu.memory_space<vmem_shared>>
      %dma_start3A_37 = arith.constant 0 : i32
      %dma_start3A_38 = tpu.memref_slice %arg6[%add3A_25, %dma_start3A_37] : memref<10240x128xf32, #tpu.memory_space<vmem_shared>> -> memref<128x128xf32, #tpu.memory_space<vmem_shared>>
      tpu.enqueue_dma source(%dma_start3A_38 : memref<128x128xf32, #tpu.memory_space<vmem_shared>>) target(%arg8 : memref<128x128xf32, #tpu.memory_space<vmem>>) target_semaphore(%run_scoped3A : memref<!tpu.dma_semaphore, #tpu.memory_space<semaphore_mem>>)
      %dma_wait3A = arith.constant 0 : i32
      %dma_wait3A_39 = tpu.memref_slice %arg6[%add3A_25, %dma_wait3A] : memref<10240x128xf32, #tpu.memory_space<vmem_shared>> -> memref<128x128xf32, #tpu.memory_space<vmem_shared>>
      %dma_wait3A_40 = arith.constant 0 : i32
      %dma_wait3A_41 = tpu.memref_slice %arg6[%add3A_25, %dma_wait3A_40] : memref<10240x128xf32, #tpu.memory_space<vmem_shared>> -> memref<128x128xf32, #tpu.memory_space<vmem_shared>>
      tpu.wait_dma2 semaphore(%run_scoped3A : memref<!tpu.dma_semaphore, #tpu.memory_space<semaphore_mem>>) src(%dma_wait3A_41 : memref<128x128xf32, #tpu.memory_space<vmem_shared>>) dst(%arg8 : memref<128x128xf32, #tpu.memory_space<vmem>>)
      tpu.yield
    }) : () -> ()
    %add3A_26 = arith.constant 256 : i32
    %add3A_27 = arith.addi %mul3A_0, %add3A_26 : i32
    "tpu.region"() ({
      %run_scoped3A = tpu.sem_alloc : memref<!tpu.dma_semaphore, #tpu.memory_space<semaphore_mem>>
      %dma_start3A = arith.constant 0 : i32
      %dma_start3A_36 = tpu.memref_slice %arg5[%arg0, %add3A_27, %dma_start3A] : memref<2x10240x128xf32, #tpu.memory_space<hbm>> -> memref<1x128x128xf32, #tpu.memory_space<hbm>>
      %dma_start3A_37 = tpu.memref_squeeze %dma_start3A_36 : memref<1x128x128xf32, #tpu.memory_space<hbm>> -> memref<128x128xf32, #tpu.memory_space<hbm>>
      %dma_start3A_38 = arith.constant 0 : i32
      %dma_start3A_39 = tpu.memref_slice %arg5[%arg0, %add3A_27, %dma_start3A_38] : memref<2x10240x128xf32, #tpu.memory_space<hbm>> -> memref<1x128x128xf32, #tpu.memory_space<hbm>>
      %dma_start3A_40 = tpu.memref_squeeze %dma_start3A_39 : memref<1x128x128xf32, #tpu.memory_space<hbm>> -> memref<128x128xf32, #tpu.memory_space<hbm>>
      tpu.enqueue_dma source(%arg8 : memref<128x128xf32, #tpu.memory_space<vmem>>) target(%dma_start3A_40 : memref<128x128xf32, #tpu.memory_space<hbm>>) target_semaphore(%run_scoped3A : memref<!tpu.dma_semaphore, #tpu.memory_space<semaphore_mem>>)
      %dma_wait3A = arith.constant 0 : i32
      %dma_wait3A_41 = tpu.memref_slice %arg5[%arg0, %add3A_27, %dma_wait3A] : memref<2x10240x128xf32, #tpu.memory_space<hbm>> -> memref<1x128x128xf32, #tpu.memory_space<hbm>>
      %dma_wait3A_42 = tpu.memref_squeeze %dma_wait3A_41 : memref<1x128x128xf32, #tpu.memory_space<hbm>> -> memref<128x128xf32, #tpu.memory_space<hbm>>
      %dma_wait3A_43 = arith.constant 0 : i32
      %dma_wait3A_44 = tpu.memref_slice %arg5[%arg0, %add3A_27, %dma_wait3A_43] : memref<2x10240x128xf32, #tpu.memory_space<hbm>> -> memref<1x128x128xf32, #tpu.memory_space<hbm>>
      %dma_wait3A_45 = tpu.memref_squeeze %dma_wait3A_44 : memref<1x128x128xf32, #tpu.memory_space<hbm>> -> memref<128x128xf32, #tpu.memory_space<hbm>>
      tpu.wait_dma2 semaphore(%run_scoped3A : memref<!tpu.dma_semaphore, #tpu.memory_space<semaphore_mem>>) src(%arg8 : memref<128x128xf32, #tpu.memory_space<vmem>>) dst(%dma_wait3A_45 : memref<128x128xf32, #tpu.memory_space<hbm>>)
      tpu.yield
    }) : () -> ()
    %add3A_28 = arith.constant 384 : i32
    %add3A_29 = arith.addi %mul3A_0, %add3A_28 : i32
    "tpu.region"() ({
      %run_scoped3A = tpu.sem_alloc : memref<!tpu.dma_semaphore, #tpu.memory_space<semaphore_mem>>
      %dma_start3A = arith.constant 0 : i32
      %dma_start3A_36 = tpu.memref_slice %arg6[%add3A_29, %dma_start3A] : memref<10240x128xf32, #tpu.memory_space<vmem_shared>> -> memref<128x128xf32, #tpu.memory_space<vmem_shared>>
      %dma_start3A_37 = arith.constant 0 : i32
      %dma_start3A_38 = tpu.memref_slice %arg6[%add3A_29, %dma_start3A_37] : memref<10240x128xf32, #tpu.memory_space<vmem_shared>> -> memref<128x128xf32, #tpu.memory_space<vmem_shared>>
      tpu.enqueue_dma source(%dma_start3A_38 : memref<128x128xf32, #tpu.memory_space<vmem_shared>>) target(%arg8 : memref<128x128xf32, #tpu.memory_space<vmem>>) target_semaphore(%run_scoped3A : memref<!tpu.dma_semaphore, #tpu.memory_space<semaphore_mem>>)
      %dma_wait3A = arith.constant 0 : i32
      %dma_wait3A_39 = tpu.memref_slice %arg6[%add3A_29, %dma_wait3A] : memref<10240x128xf32, #tpu.memory_space<vmem_shared>> -> memref<128x128xf32, #tpu.memory_space<vmem_shared>>
      %dma_wait3A_40 = arith.constant 0 : i32
      %dma_wait3A_41 = tpu.memref_slice %arg6[%add3A_29, %dma_wait3A_40] : memref<10240x128xf32, #tpu.memory_space<vmem_shared>> -> memref<128x128xf32, #tpu.memory_space<vmem_shared>>
      tpu.wait_dma2 semaphore(%run_scoped3A : memref<!tpu.dma_semaphore, #tpu.memory_space<semaphore_mem>>) src(%dma_wait3A_41 : memref<128x128xf32, #tpu.memory_space<vmem_shared>>) dst(%arg8 : memref<128x128xf32, #tpu.memory_space<vmem>>)
      tpu.yield
    }) : () -> ()
    %add3A_30 = arith.constant 384 : i32
    %add3A_31 = arith.addi %mul3A_0, %add3A_30 : i32
    "tpu.region"() ({
      %run_scoped3A = tpu.sem_alloc : memref<!tpu.dma_semaphore, #tpu.memory_space<semaphore_mem>>
      %dma_start3A = arith.constant 0 : i32
      %dma_start3A_36 = tpu.memref_slice %arg5[%arg0, %add3A_31, %dma_start3A] : memref<2x10240x128xf32, #tpu.memory_space<hbm>> -> memref<1x128x128xf32, #tpu.memory_space<hbm>>
      %dma_start3A_37 = tpu.memref_squeeze %dma_start3A_36 : memref<1x128x128xf32, #tpu.memory_space<hbm>> -> memref<128x128xf32, #tpu.memory_space<hbm>>
      %dma_start3A_38 = arith.constant 0 : i32
      %dma_start3A_39 = tpu.memref_slice %arg5[%arg0, %add3A_31, %dma_start3A_38] : memref<2x10240x128xf32, #tpu.memory_space<hbm>> -> memref<1x128x128xf32, #tpu.memory_space<hbm>>
      %dma_start3A_40 = tpu.memref_squeeze %dma_start3A_39 : memref<1x128x128xf32, #tpu.memory_space<hbm>> -> memref<128x128xf32, #tpu.memory_space<hbm>>
      tpu.enqueue_dma source(%arg8 : memref<128x128xf32, #tpu.memory_space<vmem>>) target(%dma_start3A_40 : memref<128x128xf32, #tpu.memory_space<hbm>>) target_semaphore(%run_scoped3A : memref<!tpu.dma_semaphore, #tpu.memory_space<semaphore_mem>>)
      %dma_wait3A = arith.constant 0 : i32
      %dma_wait3A_41 = tpu.memref_slice %arg5[%arg0, %add3A_31, %dma_wait3A] : memref<2x10240x128xf32, #tpu.memory_space<hbm>> -> memref<1x128x128xf32, #tpu.memory_space<hbm>>
      %dma_wait3A_42 = tpu.memref_squeeze %dma_wait3A_41 : memref<1x128x128xf32, #tpu.memory_space<hbm>> -> memref<128x128xf32, #tpu.memory_space<hbm>>
      %dma_wait3A_43 = arith.constant 0 : i32
      %dma_wait3A_44 = tpu.memref_slice %arg5[%arg0, %add3A_31, %dma_wait3A_43] : memref<2x10240x128xf32, #tpu.memory_space<hbm>> -> memref<1x128x128xf32, #tpu.memory_space<hbm>>
      %dma_wait3A_45 = tpu.memref_squeeze %dma_wait3A_44 : memref<1x128x128xf32, #tpu.memory_space<hbm>> -> memref<128x128xf32, #tpu.memory_space<hbm>>
      tpu.wait_dma2 semaphore(%run_scoped3A : memref<!tpu.dma_semaphore, #tpu.memory_space<semaphore_mem>>) src(%arg8 : memref<128x128xf32, #tpu.memory_space<vmem>>) dst(%dma_wait3A_45 : memref<128x128xf32, #tpu.memory_space<hbm>>)
      tpu.yield
    }) : () -> ()
    %add3A_32 = arith.constant 512 : i32
    %add3A_33 = arith.addi %mul3A_0, %add3A_32 : i32
    "tpu.region"() ({
      %run_scoped3A = tpu.sem_alloc : memref<!tpu.dma_semaphore, #tpu.memory_space<semaphore_mem>>
      %dma_start3A = arith.constant 0 : i32
      %dma_start3A_36 = tpu.memref_slice %arg6[%add3A_33, %dma_start3A] : memref<10240x128xf32, #tpu.memory_space<vmem_shared>> -> memref<128x128xf32, #tpu.memory_space<vmem_shared>>
      %dma_start3A_37 = arith.constant 0 : i32
      %dma_start3A_38 = tpu.memref_slice %arg6[%add3A_33, %dma_start3A_37] : memref<10240x128xf32, #tpu.memory_space<vmem_shared>> -> memref<128x128xf32, #tpu.memory_space<vmem_shared>>
      tpu.enqueue_dma source(%dma_start3A_38 : memref<128x128xf32, #tpu.memory_space<vmem_shared>>) target(%arg8 : memref<128x128xf32, #tpu.memory_space<vmem>>) target_semaphore(%run_scoped3A : memref<!tpu.dma_semaphore, #tpu.memory_space<semaphore_mem>>)
      %dma_wait3A = arith.constant 0 : i32
      %dma_wait3A_39 = tpu.memref_slice %arg6[%add3A_33, %dma_wait3A] : memref<10240x128xf32, #tpu.memory_space<vmem_shared>> -> memref<128x128xf32, #tpu.memory_space<vmem_shared>>
      %dma_wait3A_40 = arith.constant 0 : i32
      %dma_wait3A_41 = tpu.memref_slice %arg6[%add3A_33, %dma_wait3A_40] : memref<10240x128xf32, #tpu.memory_space<vmem_shared>> -> memref<128x128xf32, #tpu.memory_space<vmem_shared>>
      tpu.wait_dma2 semaphore(%run_scoped3A : memref<!tpu.dma_semaphore, #tpu.memory_space<semaphore_mem>>) src(%dma_wait3A_41 : memref<128x128xf32, #tpu.memory_space<vmem_shared>>) dst(%arg8 : memref<128x128xf32, #tpu.memory_space<vmem>>)
      tpu.yield
    }) : () -> ()
    %add3A_34 = arith.constant 512 : i32
    %add3A_35 = arith.addi %mul3A_0, %add3A_34 : i32
    "tpu.region"() ({
      %run_scoped3A = tpu.sem_alloc : memref<!tpu.dma_semaphore, #tpu.memory_space<semaphore_mem>>
      %dma_start3A = arith.constant 0 : i32
      %dma_start3A_36 = tpu.memref_slice %arg5[%arg0, %add3A_35, %dma_start3A] : memref<2x10240x128xf32, #tpu.memory_space<hbm>> -> memref<1x128x128xf32, #tpu.memory_space<hbm>>
      %dma_start3A_37 = tpu.memref_squeeze %dma_start3A_36 : memref<1x128x128xf32, #tpu.memory_space<hbm>> -> memref<128x128xf32, #tpu.memory_space<hbm>>
      %dma_start3A_38 = arith.constant 0 : i32
      %dma_start3A_39 = tpu.memref_slice %arg5[%arg0, %add3A_35, %dma_start3A_38] : memref<2x10240x128xf32, #tpu.memory_space<hbm>> -> memref<1x128x128xf32, #tpu.memory_space<hbm>>
      %dma_start3A_40 = tpu.memref_squeeze %dma_start3A_39 : memref<1x128x128xf32, #tpu.memory_space<hbm>> -> memref<128x128xf32, #tpu.memory_space<hbm>>
      tpu.enqueue_dma source(%arg8 : memref<128x128xf32, #tpu.memory_space<vmem>>) target(%dma_start3A_40 : memref<128x128xf32, #tpu.memory_space<hbm>>) target_semaphore(%run_scoped3A : memref<!tpu.dma_semaphore, #tpu.memory_space<semaphore_mem>>)
      %dma_wait3A = arith.constant 0 : i32
      %dma_wait3A_41 = tpu.memref_slice %arg5[%arg0, %add3A_35, %dma_wait3A] : memref<2x10240x128xf32, #tpu.memory_space<hbm>> -> memref<1x128x128xf32, #tpu.memory_space<hbm>>
      %dma_wait3A_42 = tpu.memref_squeeze %dma_wait3A_41 : memref<1x128x128xf32, #tpu.memory_space<hbm>> -> memref<128x128xf32, #tpu.memory_space<hbm>>
      %dma_wait3A_43 = arith.constant 0 : i32
      %dma_wait3A_44 = tpu.memref_slice %arg5[%arg0, %add3A_35, %dma_wait3A_43] : memref<2x10240x128xf32, #tpu.memory_space<hbm>> -> memref<1x128x128xf32, #tpu.memory_space<hbm>>
      %dma_wait3A_45 = tpu.memref_squeeze %dma_wait3A_44 : memref<1x128x128xf32, #tpu.memory_space<hbm>> -> memref<128x128xf32, #tpu.memory_space<hbm>>
      tpu.wait_dma2 semaphore(%run_scoped3A : memref<!tpu.dma_semaphore, #tpu.memory_space<semaphore_mem>>) src(%arg8 : memref<128x128xf32, #tpu.memory_space<vmem>>) dst(%dma_wait3A_45 : memref<128x128xf32, #tpu.memory_space<hbm>>)
      tpu.yield
    }) : () -> ()
    return
  }
}

#map = affine_map<(d0, d1) -> (0, 0)>
#map1 = affine_map<(d0, d1) -> (0, 0, 0)>
module attributes {stable_mosaic.version = 14 : i64} {
  func.func @sc_segsum_d128(%arg0: i32, %arg1: i32, %arg2: memref<10000x128xf32, #tpu.memory_space<hbm>>, %arg3: memref<2x327680xi32, #tpu.memory_space<hbm>>, %arg4: memref<128x128xf32, #tpu.memory_space<hbm>>, %arg5: memref<2x10240x128xf32, #tpu.memory_space<hbm>>, %arg6: memref<10240x128xf32, #tpu.memory_space<vmem_shared>>, %arg7: memref<128xi32, #tpu.memory_space<vmem>>, %arg8: memref<1x128xi32, #tpu.memory_space<vmem>>, %arg9: memref<128x128xf32, #tpu.memory_space<vmem>>, %arg10: memref<!tpu.dma_semaphore, #tpu.memory_space<semaphore_mem>>) attributes {dimension_semantics = [#tpu.dimension_semantics<core_parallel>, #tpu.dimension_semantics<subcore_parallel>], iteration_bounds = array<i64: 2, 16>, scalar_prefetch = 0 : i64, scratch_operands = 5 : i64, tpu.core_type = #tpu.core_type<sc_vector_subcore>, window_params = [{transform_indices = #map}, {transform_indices = #map}, {transform_indices = #map}, {transform_indices = #map1}]} {
    %mul3A = arith.constant 640 : i32
    %mul3A_0 = arith.muli %arg1, %mul3A : i32
    "tpu.region"() ({
      %run_scoped3A = tpu.sem_alloc : memref<!tpu.dma_semaphore, #tpu.memory_space<semaphore_mem>>
      tpu.enqueue_dma source(%arg4 : memref<128x128xf32, #tpu.memory_space<hbm>>) target(%arg9 : memref<128x128xf32, #tpu.memory_space<vmem>>) target_semaphore(%run_scoped3A : memref<!tpu.dma_semaphore, #tpu.memory_space<semaphore_mem>>)
      tpu.wait_dma2 semaphore(%run_scoped3A : memref<!tpu.dma_semaphore, #tpu.memory_space<semaphore_mem>>) src(%arg4 : memref<128x128xf32, #tpu.memory_space<hbm>>) dst(%arg9 : memref<128x128xf32, #tpu.memory_space<vmem>>)
      tpu.yield
    }) : () -> ()
    %add3A = arith.constant 0 : i32
    %add3A_1 = arith.addi %mul3A_0, %add3A : i32
    "tpu.region"() ({
      %run_scoped3A = tpu.sem_alloc : memref<!tpu.dma_semaphore, #tpu.memory_space<semaphore_mem>>
      %dma_start3A = arith.constant 0 : i32
      %dma_start3A_36 = tpu.memref_slice %arg6[%add3A_1, %dma_start3A] : memref<10240x128xf32, #tpu.memory_space<vmem_shared>> -> memref<128x128xf32, #tpu.memory_space<vmem_shared>>
      %dma_start3A_37 = arith.constant 0 : i32
      %dma_start3A_38 = tpu.memref_slice %arg6[%add3A_1, %dma_start3A_37] : memref<10240x128xf32, #tpu.memory_space<vmem_shared>> -> memref<128x128xf32, #tpu.memory_space<vmem_shared>>
      tpu.enqueue_dma source(%arg9 : memref<128x128xf32, #tpu.memory_space<vmem>>) target(%dma_start3A_38 : memref<128x128xf32, #tpu.memory_space<vmem_shared>>) target_semaphore(%run_scoped3A : memref<!tpu.dma_semaphore, #tpu.memory_space<semaphore_mem>>)
      %dma_wait3A = arith.constant 0 : i32
      %dma_wait3A_39 = tpu.memref_slice %arg6[%add3A_1, %dma_wait3A] : memref<10240x128xf32, #tpu.memory_space<vmem_shared>> -> memref<128x128xf32, #tpu.memory_space<vmem_shared>>
      %dma_wait3A_40 = arith.constant 0 : i32
      %dma_wait3A_41 = tpu.memref_slice %arg6[%add3A_1, %dma_wait3A_40] : memref<10240x128xf32, #tpu.memory_space<vmem_shared>> -> memref<128x128xf32, #tpu.memory_space<vmem_shared>>
      tpu.wait_dma2 semaphore(%run_scoped3A : memref<!tpu.dma_semaphore, #tpu.memory_space<semaphore_mem>>) src(%arg9 : memref<128x128xf32, #tpu.memory_space<vmem>>) dst(%dma_wait3A_41 : memref<128x128xf32, #tpu.memory_space<vmem_shared>>)
      tpu.yield
    }) : () -> ()
    %add3A_2 = arith.constant 128 : i32
    %add3A_3 = arith.addi %mul3A_0, %add3A_2 : i32
    "tpu.region"() ({
      %run_scoped3A = tpu.sem_alloc : memref<!tpu.dma_semaphore, #tpu.memory_space<semaphore_mem>>
      %dma_start3A = arith.constant 0 : i32
      %dma_start3A_36 = tpu.memref_slice %arg6[%add3A_3, %dma_start3A] : memref<10240x128xf32, #tpu.memory_space<vmem_shared>> -> memref<128x128xf32, #tpu.memory_space<vmem_shared>>
      %dma_start3A_37 = arith.constant 0 : i32
      %dma_start3A_38 = tpu.memref_slice %arg6[%add3A_3, %dma_start3A_37] : memref<10240x128xf32, #tpu.memory_space<vmem_shared>> -> memref<128x128xf32, #tpu.memory_space<vmem_shared>>
      tpu.enqueue_dma source(%arg9 : memref<128x128xf32, #tpu.memory_space<vmem>>) target(%dma_start3A_38 : memref<128x128xf32, #tpu.memory_space<vmem_shared>>) target_semaphore(%run_scoped3A : memref<!tpu.dma_semaphore, #tpu.memory_space<semaphore_mem>>)
      %dma_wait3A = arith.constant 0 : i32
      %dma_wait3A_39 = tpu.memref_slice %arg6[%add3A_3, %dma_wait3A] : memref<10240x128xf32, #tpu.memory_space<vmem_shared>> -> memref<128x128xf32, #tpu.memory_space<vmem_shared>>
      %dma_wait3A_40 = arith.constant 0 : i32
      %dma_wait3A_41 = tpu.memref_slice %arg6[%add3A_3, %dma_wait3A_40] : memref<10240x128xf32, #tpu.memory_space<vmem_shared>> -> memref<128x128xf32, #tpu.memory_space<vmem_shared>>
      tpu.wait_dma2 semaphore(%run_scoped3A : memref<!tpu.dma_semaphore, #tpu.memory_space<semaphore_mem>>) src(%arg9 : memref<128x128xf32, #tpu.memory_space<vmem>>) dst(%dma_wait3A_41 : memref<128x128xf32, #tpu.memory_space<vmem_shared>>)
      tpu.yield
    }) : () -> ()
    %add3A_4 = arith.constant 256 : i32
    %add3A_5 = arith.addi %mul3A_0, %add3A_4 : i32
    "tpu.region"() ({
      %run_scoped3A = tpu.sem_alloc : memref<!tpu.dma_semaphore, #tpu.memory_space<semaphore_mem>>
      %dma_start3A = arith.constant 0 : i32
      %dma_start3A_36 = tpu.memref_slice %arg6[%add3A_5, %dma_start3A] : memref<10240x128xf32, #tpu.memory_space<vmem_shared>> -> memref<128x128xf32, #tpu.memory_space<vmem_shared>>
      %dma_start3A_37 = arith.constant 0 : i32
      %dma_start3A_38 = tpu.memref_slice %arg6[%add3A_5, %dma_start3A_37] : memref<10240x128xf32, #tpu.memory_space<vmem_shared>> -> memref<128x128xf32, #tpu.memory_space<vmem_shared>>
      tpu.enqueue_dma source(%arg9 : memref<128x128xf32, #tpu.memory_space<vmem>>) target(%dma_start3A_38 : memref<128x128xf32, #tpu.memory_space<vmem_shared>>) target_semaphore(%run_scoped3A : memref<!tpu.dma_semaphore, #tpu.memory_space<semaphore_mem>>)
      %dma_wait3A = arith.constant 0 : i32
      %dma_wait3A_39 = tpu.memref_slice %arg6[%add3A_5, %dma_wait3A] : memref<10240x128xf32, #tpu.memory_space<vmem_shared>> -> memref<128x128xf32, #tpu.memory_space<vmem_shared>>
      %dma_wait3A_40 = arith.constant 0 : i32
      %dma_wait3A_41 = tpu.memref_slice %arg6[%add3A_5, %dma_wait3A_40] : memref<10240x128xf32, #tpu.memory_space<vmem_shared>> -> memref<128x128xf32, #tpu.memory_space<vmem_shared>>
      tpu.wait_dma2 semaphore(%run_scoped3A : memref<!tpu.dma_semaphore, #tpu.memory_space<semaphore_mem>>) src(%arg9 : memref<128x128xf32, #tpu.memory_space<vmem>>) dst(%dma_wait3A_41 : memref<128x128xf32, #tpu.memory_space<vmem_shared>>)
      tpu.yield
    }) : () -> ()
    %add3A_6 = arith.constant 384 : i32
    %add3A_7 = arith.addi %mul3A_0, %add3A_6 : i32
    "tpu.region"() ({
      %run_scoped3A = tpu.sem_alloc : memref<!tpu.dma_semaphore, #tpu.memory_space<semaphore_mem>>
      %dma_start3A = arith.constant 0 : i32
      %dma_start3A_36 = tpu.memref_slice %arg6[%add3A_7, %dma_start3A] : memref<10240x128xf32, #tpu.memory_space<vmem_shared>> -> memref<128x128xf32, #tpu.memory_space<vmem_shared>>
      %dma_start3A_37 = arith.constant 0 : i32
      %dma_start3A_38 = tpu.memref_slice %arg6[%add3A_7, %dma_start3A_37] : memref<10240x128xf32, #tpu.memory_space<vmem_shared>> -> memref<128x128xf32, #tpu.memory_space<vmem_shared>>
      tpu.enqueue_dma source(%arg9 : memref<128x128xf32, #tpu.memory_space<vmem>>) target(%dma_start3A_38 : memref<128x128xf32, #tpu.memory_space<vmem_shared>>) target_semaphore(%run_scoped3A : memref<!tpu.dma_semaphore, #tpu.memory_space<semaphore_mem>>)
      %dma_wait3A = arith.constant 0 : i32
      %dma_wait3A_39 = tpu.memref_slice %arg6[%add3A_7, %dma_wait3A] : memref<10240x128xf32, #tpu.memory_space<vmem_shared>> -> memref<128x128xf32, #tpu.memory_space<vmem_shared>>
      %dma_wait3A_40 = arith.constant 0 : i32
      %dma_wait3A_41 = tpu.memref_slice %arg6[%add3A_7, %dma_wait3A_40] : memref<10240x128xf32, #tpu.memory_space<vmem_shared>> -> memref<128x128xf32, #tpu.memory_space<vmem_shared>>
      tpu.wait_dma2 semaphore(%run_scoped3A : memref<!tpu.dma_semaphore, #tpu.memory_space<semaphore_mem>>) src(%arg9 : memref<128x128xf32, #tpu.memory_space<vmem>>) dst(%dma_wait3A_41 : memref<128x128xf32, #tpu.memory_space<vmem_shared>>)
      tpu.yield
    }) : () -> ()
    %add3A_8 = arith.constant 512 : i32
    %add3A_9 = arith.addi %mul3A_0, %add3A_8 : i32
    "tpu.region"() ({
      %run_scoped3A = tpu.sem_alloc : memref<!tpu.dma_semaphore, #tpu.memory_space<semaphore_mem>>
      %dma_start3A = arith.constant 0 : i32
      %dma_start3A_36 = tpu.memref_slice %arg6[%add3A_9, %dma_start3A] : memref<10240x128xf32, #tpu.memory_space<vmem_shared>> -> memref<128x128xf32, #tpu.memory_space<vmem_shared>>
      %dma_start3A_37 = arith.constant 0 : i32
      %dma_start3A_38 = tpu.memref_slice %arg6[%add3A_9, %dma_start3A_37] : memref<10240x128xf32, #tpu.memory_space<vmem_shared>> -> memref<128x128xf32, #tpu.memory_space<vmem_shared>>
      tpu.enqueue_dma source(%arg9 : memref<128x128xf32, #tpu.memory_space<vmem>>) target(%dma_start3A_38 : memref<128x128xf32, #tpu.memory_space<vmem_shared>>) target_semaphore(%run_scoped3A : memref<!tpu.dma_semaphore, #tpu.memory_space<semaphore_mem>>)
      %dma_wait3A = arith.constant 0 : i32
      %dma_wait3A_39 = tpu.memref_slice %arg6[%add3A_9, %dma_wait3A] : memref<10240x128xf32, #tpu.memory_space<vmem_shared>> -> memref<128x128xf32, #tpu.memory_space<vmem_shared>>
      %dma_wait3A_40 = arith.constant 0 : i32
      %dma_wait3A_41 = tpu.memref_slice %arg6[%add3A_9, %dma_wait3A_40] : memref<10240x128xf32, #tpu.memory_space<vmem_shared>> -> memref<128x128xf32, #tpu.memory_space<vmem_shared>>
      tpu.wait_dma2 semaphore(%run_scoped3A : memref<!tpu.dma_semaphore, #tpu.memory_space<semaphore_mem>>) src(%arg9 : memref<128x128xf32, #tpu.memory_space<vmem>>) dst(%dma_wait3A_41 : memref<128x128xf32, #tpu.memory_space<vmem_shared>>)
      tpu.yield
    }) : () -> ()
    %barrier3A = arith.constant 0 : index
    tpu.barrier barrier_id(%barrier3A)
    %scan3A = arith.constant 0 : i32
    %scan3A_10 = arith.constant 0 : i32
    %scan3A_11 = arith.constant 80 : i32
    %scan3A_12 = arith.addi %scan3A_10, %scan3A_11 : i32
    %scan3A_13 = arith.constant 1 : i32
    scf.for %scan3A_36 = %scan3A_10 to %scan3A_12 step %scan3A_13  : i32 {
      %mul3A_37 = arith.constant 1280 : i32
      %mul3A_38 = arith.muli %arg0, %mul3A_37 : i32
      %add3A_39 = arith.addi %mul3A_38, %arg1 : i32
      %mul3A_40 = arith.constant 16 : i32
      %mul3A_41 = arith.muli %mul3A_40, %scan3A_36 : i32
      %add3A_42 = arith.addi %add3A_39, %mul3A_41 : i32
      %mul3A_43 = arith.constant 128 : i32
      %mul3A_44 = arith.muli %add3A_42, %mul3A_43 : i32
      %run_scoped3A = arith.constant 0 : i32
      "tpu.region"() ({
        %run_scoped3A_52 = tpu.sem_alloc : memref<!tpu.dma_semaphore, #tpu.memory_space<semaphore_mem>>
        %dma_start3A_53 = tpu.memref_slice %arg3[%run_scoped3A, %mul3A_44] : memref<2x327680xi32, #tpu.memory_space<hbm>> -> memref<1x128xi32, #tpu.memory_space<hbm>>
        %dma_start3A_54 = tpu.memref_squeeze %dma_start3A_53 : memref<1x128xi32, #tpu.memory_space<hbm>> -> memref<128xi32, #tpu.memory_space<hbm>>
        %dma_start3A_55 = tpu.memref_slice %arg3[%run_scoped3A, %mul3A_44] : memref<2x327680xi32, #tpu.memory_space<hbm>> -> memref<1x128xi32, #tpu.memory_space<hbm>>
        %dma_start3A_56 = tpu.memref_squeeze %dma_start3A_55 : memref<1x128xi32, #tpu.memory_space<hbm>> -> memref<128xi32, #tpu.memory_space<hbm>>
        tpu.enqueue_dma source(%dma_start3A_56 : memref<128xi32, #tpu.memory_space<hbm>>) target(%arg7 : memref<128xi32, #tpu.memory_space<vmem>>) target_semaphore(%run_scoped3A_52 : memref<!tpu.dma_semaphore, #tpu.memory_space<semaphore_mem>>)
        %dma_wait3A_57 = tpu.memref_slice %arg3[%run_scoped3A, %mul3A_44] : memref<2x327680xi32, #tpu.memory_space<hbm>> -> memref<1x128xi32, #tpu.memory_space<hbm>>
        %dma_wait3A_58 = tpu.memref_squeeze %dma_wait3A_57 : memref<1x128xi32, #tpu.memory_space<hbm>> -> memref<128xi32, #tpu.memory_space<hbm>>
        %dma_wait3A_59 = tpu.memref_slice %arg3[%run_scoped3A, %mul3A_44] : memref<2x327680xi32, #tpu.memory_space<hbm>> -> memref<1x128xi32, #tpu.memory_space<hbm>>
        %dma_wait3A_60 = tpu.memref_squeeze %dma_wait3A_59 : memref<1x128xi32, #tpu.memory_space<hbm>> -> memref<128xi32, #tpu.memory_space<hbm>>
        tpu.wait_dma2 semaphore(%run_scoped3A_52 : memref<!tpu.dma_semaphore, #tpu.memory_space<semaphore_mem>>) src(%dma_wait3A_60 : memref<128xi32, #tpu.memory_space<hbm>>) dst(%arg7 : memref<128xi32, #tpu.memory_space<vmem>>)
        tpu.yield
      }) : () -> ()
      %run_scoped3A_45 = arith.constant 1 : i32
      %run_scoped3A_46 = arith.constant 0 : i32
      "tpu.region"() ({
        %run_scoped3A_52 = tpu.sem_alloc : memref<!tpu.dma_semaphore, #tpu.memory_space<semaphore_mem>>
        %dma_start3A_53 = arith.constant 0 : i32
        %dma_start3A_54 = tpu.memref_slice %arg8[%run_scoped3A_46, %dma_start3A_53] : memref<1x128xi32, #tpu.memory_space<vmem>> -> memref<1x128xi32, #tpu.memory_space<vmem>>
        %dma_start3A_55 = tpu.memref_squeeze %dma_start3A_54 : memref<1x128xi32, #tpu.memory_space<vmem>> -> memref<128xi32, #tpu.memory_space<vmem>>
        %dma_start3A_56 = tpu.memref_slice %arg3[%run_scoped3A_45, %mul3A_44] : memref<2x327680xi32, #tpu.memory_space<hbm>> -> memref<1x128xi32, #tpu.memory_space<hbm>>
        %dma_start3A_57 = tpu.memref_squeeze %dma_start3A_56 : memref<1x128xi32, #tpu.memory_space<hbm>> -> memref<128xi32, #tpu.memory_space<hbm>>
        %dma_start3A_58 = arith.constant 0 : i32
        %dma_start3A_59 = tpu.memref_slice %arg8[%run_scoped3A_46, %dma_start3A_58] : memref<1x128xi32, #tpu.memory_space<vmem>> -> memref<1x128xi32, #tpu.memory_space<vmem>>
        %dma_start3A_60 = tpu.memref_squeeze %dma_start3A_59 : memref<1x128xi32, #tpu.memory_space<vmem>> -> memref<128xi32, #tpu.memory_space<vmem>>
        %dma_start3A_61 = tpu.memref_slice %arg3[%run_scoped3A_45, %mul3A_44] : memref<2x327680xi32, #tpu.memory_space<hbm>> -> memref<1x128xi32, #tpu.memory_space<hbm>>
        %dma_start3A_62 = tpu.memref_squeeze %dma_start3A_61 : memref<1x128xi32, #tpu.memory_space<hbm>> -> memref<128xi32, #tpu.memory_space<hbm>>
        tpu.enqueue_dma source(%dma_start3A_62 : memref<128xi32, #tpu.memory_space<hbm>>) target(%dma_start3A_60 : memref<128xi32, #tpu.memory_space<vmem>>) target_semaphore(%run_scoped3A_52 : memref<!tpu.dma_semaphore, #tpu.memory_space<semaphore_mem>>)
        %dma_wait3A_63 = arith.constant 0 : i32
        %dma_wait3A_64 = tpu.memref_slice %arg8[%run_scoped3A_46, %dma_wait3A_63] : memref<1x128xi32, #tpu.memory_space<vmem>> -> memref<1x128xi32, #tpu.memory_space<vmem>>
        %dma_wait3A_65 = tpu.memref_squeeze %dma_wait3A_64 : memref<1x128xi32, #tpu.memory_space<vmem>> -> memref<128xi32, #tpu.memory_space<vmem>>
        %dma_wait3A_66 = tpu.memref_slice %arg3[%run_scoped3A_45, %mul3A_44] : memref<2x327680xi32, #tpu.memory_space<hbm>> -> memref<1x128xi32, #tpu.memory_space<hbm>>
        %dma_wait3A_67 = tpu.memref_squeeze %dma_wait3A_66 : memref<1x128xi32, #tpu.memory_space<hbm>> -> memref<128xi32, #tpu.memory_space<hbm>>
        %dma_wait3A_68 = arith.constant 0 : i32
        %dma_wait3A_69 = tpu.memref_slice %arg8[%run_scoped3A_46, %dma_wait3A_68] : memref<1x128xi32, #tpu.memory_space<vmem>> -> memref<1x128xi32, #tpu.memory_space<vmem>>
        %dma_wait3A_70 = tpu.memref_squeeze %dma_wait3A_69 : memref<1x128xi32, #tpu.memory_space<vmem>> -> memref<128xi32, #tpu.memory_space<vmem>>
        %dma_wait3A_71 = tpu.memref_slice %arg3[%run_scoped3A_45, %mul3A_44] : memref<2x327680xi32, #tpu.memory_space<hbm>> -> memref<1x128xi32, #tpu.memory_space<hbm>>
        %dma_wait3A_72 = tpu.memref_squeeze %dma_wait3A_71 : memref<1x128xi32, #tpu.memory_space<hbm>> -> memref<128xi32, #tpu.memory_space<hbm>>
        tpu.wait_dma2 semaphore(%run_scoped3A_52 : memref<!tpu.dma_semaphore, #tpu.memory_space<semaphore_mem>>) src(%dma_wait3A_72 : memref<128xi32, #tpu.memory_space<hbm>>) dst(%dma_wait3A_70 : memref<128xi32, #tpu.memory_space<vmem>>)
        tpu.yield
      }) : () -> ()
      %dma_start3A = arith.constant 0 : i32
      %dma_start3A_47 = arith.constant 0 : i32
      %dma_start3A_48 = tpu.memref_slice %arg2[%dma_start3A, %dma_start3A_47] : memref<10000x128xf32, #tpu.memory_space<hbm>> -> memref<10000x128xf32, #tpu.memory_space<hbm>>
      tpu.enqueue_indirect_dma source(%dma_start3A_48 : memref<10000x128xf32, #tpu.memory_space<hbm>>) target(%arg9 : memref<128x128xf32, #tpu.memory_space<vmem>>) offsets(%arg7 : memref<128xi32, #tpu.memory_space<vmem>>) semaphore(%arg10 : memref<!tpu.dma_semaphore, #tpu.memory_space<semaphore_mem>>)
      %dma_wait3A = arith.constant 0 : i32
      %dma_wait3A_49 = arith.constant 0 : i32
      %dma_wait3A_50 = tpu.memref_slice %arg2[%dma_wait3A, %dma_wait3A_49] : memref<10000x128xf32, #tpu.memory_space<hbm>> -> memref<10000x128xf32, #tpu.memory_space<hbm>>
      tpu.wait_indirect_dma semaphore(%arg10 : memref<!tpu.dma_semaphore, #tpu.memory_space<semaphore_mem>>) src(%dma_wait3A_50 : memref<10000x128xf32, #tpu.memory_space<hbm>>) dst(%arg9 : memref<128x128xf32, #tpu.memory_space<vmem>>)
      %run_scoped3A_51 = arith.constant 0 : i32
      "tpu.region"() ({
        %run_scoped3A_52 = tpu.sem_alloc : memref<!tpu.dma_semaphore, #tpu.memory_space<semaphore_mem>>
        %dma_start3A_53 = arith.constant 0 : i32
        %dma_start3A_54 = tpu.memref_slice %arg8[%run_scoped3A_51, %dma_start3A_53] : memref<1x128xi32, #tpu.memory_space<vmem>> -> memref<1x128xi32, #tpu.memory_space<vmem>>
        %dma_start3A_55 = tpu.memref_squeeze %dma_start3A_54 : memref<1x128xi32, #tpu.memory_space<vmem>> -> memref<128xi32, #tpu.memory_space<vmem>>
        %dma_start3A_56 = arith.constant 0 : i32
        %dma_start3A_57 = arith.constant 0 : i32
        %dma_start3A_58 = tpu.memref_slice %arg6[%dma_start3A_56, %dma_start3A_57] : memref<10240x128xf32, #tpu.memory_space<vmem_shared>> -> memref<10240x128xf32, #tpu.memory_space<vmem_shared>>
        tpu.enqueue_indirect_dma source(%arg9 : memref<128x128xf32, #tpu.memory_space<vmem>>) target(%dma_start3A_58 : memref<10240x128xf32, #tpu.memory_space<vmem_shared>>) offsets(%dma_start3A_55 : memref<128xi32, #tpu.memory_space<vmem>>) semaphore(%run_scoped3A_52 : memref<!tpu.dma_semaphore, #tpu.memory_space<semaphore_mem>>) {add = true}
        %dma_wait3A_59 = arith.constant 0 : i32
        %dma_wait3A_60 = tpu.memref_slice %arg8[%run_scoped3A_51, %dma_wait3A_59] : memref<1x128xi32, #tpu.memory_space<vmem>> -> memref<1x128xi32, #tpu.memory_space<vmem>>
        %dma_wait3A_61 = tpu.memref_squeeze %dma_wait3A_60 : memref<1x128xi32, #tpu.memory_space<vmem>> -> memref<128xi32, #tpu.memory_space<vmem>>
        %dma_wait3A_62 = arith.constant 0 : i32
        %dma_wait3A_63 = arith.constant 0 : i32
        %dma_wait3A_64 = tpu.memref_slice %arg6[%dma_wait3A_62, %dma_wait3A_63] : memref<10240x128xf32, #tpu.memory_space<vmem_shared>> -> memref<10240x128xf32, #tpu.memory_space<vmem_shared>>
        tpu.wait_indirect_dma semaphore(%run_scoped3A_52 : memref<!tpu.dma_semaphore, #tpu.memory_space<semaphore_mem>>) src(%arg9 : memref<128x128xf32, #tpu.memory_space<vmem>>) dst(%dma_wait3A_64 : memref<10240x128xf32, #tpu.memory_space<vmem_shared>>)
        tpu.yield
      }) : () -> ()
    }
    %scan3A_14 = arith.constant 80 : i32
    %barrier3A_15 = arith.constant 0 : index
    tpu.barrier barrier_id(%barrier3A_15)
    %add3A_16 = arith.constant 0 : i32
    %add3A_17 = arith.addi %mul3A_0, %add3A_16 : i32
    "tpu.region"() ({
      %run_scoped3A = tpu.sem_alloc : memref<!tpu.dma_semaphore, #tpu.memory_space<semaphore_mem>>
      %dma_start3A = arith.constant 0 : i32
      %dma_start3A_36 = tpu.memref_slice %arg6[%add3A_17, %dma_start3A] : memref<10240x128xf32, #tpu.memory_space<vmem_shared>> -> memref<128x128xf32, #tpu.memory_space<vmem_shared>>
      %dma_start3A_37 = arith.constant 0 : i32
      %dma_start3A_38 = tpu.memref_slice %arg6[%add3A_17, %dma_start3A_37] : memref<10240x128xf32, #tpu.memory_space<vmem_shared>> -> memref<128x128xf32, #tpu.memory_space<vmem_shared>>
      tpu.enqueue_dma source(%dma_start3A_38 : memref<128x128xf32, #tpu.memory_space<vmem_shared>>) target(%arg9 : memref<128x128xf32, #tpu.memory_space<vmem>>) target_semaphore(%run_scoped3A : memref<!tpu.dma_semaphore, #tpu.memory_space<semaphore_mem>>)
      %dma_wait3A = arith.constant 0 : i32
      %dma_wait3A_39 = tpu.memref_slice %arg6[%add3A_17, %dma_wait3A] : memref<10240x128xf32, #tpu.memory_space<vmem_shared>> -> memref<128x128xf32, #tpu.memory_space<vmem_shared>>
      %dma_wait3A_40 = arith.constant 0 : i32
      %dma_wait3A_41 = tpu.memref_slice %arg6[%add3A_17, %dma_wait3A_40] : memref<10240x128xf32, #tpu.memory_space<vmem_shared>> -> memref<128x128xf32, #tpu.memory_space<vmem_shared>>
      tpu.wait_dma2 semaphore(%run_scoped3A : memref<!tpu.dma_semaphore, #tpu.memory_space<semaphore_mem>>) src(%dma_wait3A_41 : memref<128x128xf32, #tpu.memory_space<vmem_shared>>) dst(%arg9 : memref<128x128xf32, #tpu.memory_space<vmem>>)
      tpu.yield
    }) : () -> ()
    %add3A_18 = arith.constant 0 : i32
    %add3A_19 = arith.addi %mul3A_0, %add3A_18 : i32
    "tpu.region"() ({
      %run_scoped3A = tpu.sem_alloc : memref<!tpu.dma_semaphore, #tpu.memory_space<semaphore_mem>>
      %dma_start3A = arith.constant 0 : i32
      %dma_start3A_36 = tpu.memref_slice %arg5[%arg0, %add3A_19, %dma_start3A] : memref<2x10240x128xf32, #tpu.memory_space<hbm>> -> memref<1x128x128xf32, #tpu.memory_space<hbm>>
      %dma_start3A_37 = tpu.memref_squeeze %dma_start3A_36 : memref<1x128x128xf32, #tpu.memory_space<hbm>> -> memref<128x128xf32, #tpu.memory_space<hbm>>
      %dma_start3A_38 = arith.constant 0 : i32
      %dma_start3A_39 = tpu.memref_slice %arg5[%arg0, %add3A_19, %dma_start3A_38] : memref<2x10240x128xf32, #tpu.memory_space<hbm>> -> memref<1x128x128xf32, #tpu.memory_space<hbm>>
      %dma_start3A_40 = tpu.memref_squeeze %dma_start3A_39 : memref<1x128x128xf32, #tpu.memory_space<hbm>> -> memref<128x128xf32, #tpu.memory_space<hbm>>
      tpu.enqueue_dma source(%arg9 : memref<128x128xf32, #tpu.memory_space<vmem>>) target(%dma_start3A_40 : memref<128x128xf32, #tpu.memory_space<hbm>>) target_semaphore(%run_scoped3A : memref<!tpu.dma_semaphore, #tpu.memory_space<semaphore_mem>>)
      %dma_wait3A = arith.constant 0 : i32
      %dma_wait3A_41 = tpu.memref_slice %arg5[%arg0, %add3A_19, %dma_wait3A] : memref<2x10240x128xf32, #tpu.memory_space<hbm>> -> memref<1x128x128xf32, #tpu.memory_space<hbm>>
      %dma_wait3A_42 = tpu.memref_squeeze %dma_wait3A_41 : memref<1x128x128xf32, #tpu.memory_space<hbm>> -> memref<128x128xf32, #tpu.memory_space<hbm>>
      %dma_wait3A_43 = arith.constant 0 : i32
      %dma_wait3A_44 = tpu.memref_slice %arg5[%arg0, %add3A_19, %dma_wait3A_43] : memref<2x10240x128xf32, #tpu.memory_space<hbm>> -> memref<1x128x128xf32, #tpu.memory_space<hbm>>
      %dma_wait3A_45 = tpu.memref_squeeze %dma_wait3A_44 : memref<1x128x128xf32, #tpu.memory_space<hbm>> -> memref<128x128xf32, #tpu.memory_space<hbm>>
      tpu.wait_dma2 semaphore(%run_scoped3A : memref<!tpu.dma_semaphore, #tpu.memory_space<semaphore_mem>>) src(%arg9 : memref<128x128xf32, #tpu.memory_space<vmem>>) dst(%dma_wait3A_45 : memref<128x128xf32, #tpu.memory_space<hbm>>)
      tpu.yield
    }) : () -> ()
    %add3A_20 = arith.constant 128 : i32
    %add3A_21 = arith.addi %mul3A_0, %add3A_20 : i32
    "tpu.region"() ({
      %run_scoped3A = tpu.sem_alloc : memref<!tpu.dma_semaphore, #tpu.memory_space<semaphore_mem>>
      %dma_start3A = arith.constant 0 : i32
      %dma_start3A_36 = tpu.memref_slice %arg6[%add3A_21, %dma_start3A] : memref<10240x128xf32, #tpu.memory_space<vmem_shared>> -> memref<128x128xf32, #tpu.memory_space<vmem_shared>>
      %dma_start3A_37 = arith.constant 0 : i32
      %dma_start3A_38 = tpu.memref_slice %arg6[%add3A_21, %dma_start3A_37] : memref<10240x128xf32, #tpu.memory_space<vmem_shared>> -> memref<128x128xf32, #tpu.memory_space<vmem_shared>>
      tpu.enqueue_dma source(%dma_start3A_38 : memref<128x128xf32, #tpu.memory_space<vmem_shared>>) target(%arg9 : memref<128x128xf32, #tpu.memory_space<vmem>>) target_semaphore(%run_scoped3A : memref<!tpu.dma_semaphore, #tpu.memory_space<semaphore_mem>>)
      %dma_wait3A = arith.constant 0 : i32
      %dma_wait3A_39 = tpu.memref_slice %arg6[%add3A_21, %dma_wait3A] : memref<10240x128xf32, #tpu.memory_space<vmem_shared>> -> memref<128x128xf32, #tpu.memory_space<vmem_shared>>
      %dma_wait3A_40 = arith.constant 0 : i32
      %dma_wait3A_41 = tpu.memref_slice %arg6[%add3A_21, %dma_wait3A_40] : memref<10240x128xf32, #tpu.memory_space<vmem_shared>> -> memref<128x128xf32, #tpu.memory_space<vmem_shared>>
      tpu.wait_dma2 semaphore(%run_scoped3A : memref<!tpu.dma_semaphore, #tpu.memory_space<semaphore_mem>>) src(%dma_wait3A_41 : memref<128x128xf32, #tpu.memory_space<vmem_shared>>) dst(%arg9 : memref<128x128xf32, #tpu.memory_space<vmem>>)
      tpu.yield
    }) : () -> ()
    %add3A_22 = arith.constant 128 : i32
    %add3A_23 = arith.addi %mul3A_0, %add3A_22 : i32
    "tpu.region"() ({
      %run_scoped3A = tpu.sem_alloc : memref<!tpu.dma_semaphore, #tpu.memory_space<semaphore_mem>>
      %dma_start3A = arith.constant 0 : i32
      %dma_start3A_36 = tpu.memref_slice %arg5[%arg0, %add3A_23, %dma_start3A] : memref<2x10240x128xf32, #tpu.memory_space<hbm>> -> memref<1x128x128xf32, #tpu.memory_space<hbm>>
      %dma_start3A_37 = tpu.memref_squeeze %dma_start3A_36 : memref<1x128x128xf32, #tpu.memory_space<hbm>> -> memref<128x128xf32, #tpu.memory_space<hbm>>
      %dma_start3A_38 = arith.constant 0 : i32
      %dma_start3A_39 = tpu.memref_slice %arg5[%arg0, %add3A_23, %dma_start3A_38] : memref<2x10240x128xf32, #tpu.memory_space<hbm>> -> memref<1x128x128xf32, #tpu.memory_space<hbm>>
      %dma_start3A_40 = tpu.memref_squeeze %dma_start3A_39 : memref<1x128x128xf32, #tpu.memory_space<hbm>> -> memref<128x128xf32, #tpu.memory_space<hbm>>
      tpu.enqueue_dma source(%arg9 : memref<128x128xf32, #tpu.memory_space<vmem>>) target(%dma_start3A_40 : memref<128x128xf32, #tpu.memory_space<hbm>>) target_semaphore(%run_scoped3A : memref<!tpu.dma_semaphore, #tpu.memory_space<semaphore_mem>>)
      %dma_wait3A = arith.constant 0 : i32
      %dma_wait3A_41 = tpu.memref_slice %arg5[%arg0, %add3A_23, %dma_wait3A] : memref<2x10240x128xf32, #tpu.memory_space<hbm>> -> memref<1x128x128xf32, #tpu.memory_space<hbm>>
      %dma_wait3A_42 = tpu.memref_squeeze %dma_wait3A_41 : memref<1x128x128xf32, #tpu.memory_space<hbm>> -> memref<128x128xf32, #tpu.memory_space<hbm>>
      %dma_wait3A_43 = arith.constant 0 : i32
      %dma_wait3A_44 = tpu.memref_slice %arg5[%arg0, %add3A_23, %dma_wait3A_43] : memref<2x10240x128xf32, #tpu.memory_space<hbm>> -> memref<1x128x128xf32, #tpu.memory_space<hbm>>
      %dma_wait3A_45 = tpu.memref_squeeze %dma_wait3A_44 : memref<1x128x128xf32, #tpu.memory_space<hbm>> -> memref<128x128xf32, #tpu.memory_space<hbm>>
      tpu.wait_dma2 semaphore(%run_scoped3A : memref<!tpu.dma_semaphore, #tpu.memory_space<semaphore_mem>>) src(%arg9 : memref<128x128xf32, #tpu.memory_space<vmem>>) dst(%dma_wait3A_45 : memref<128x128xf32, #tpu.memory_space<hbm>>)
      tpu.yield
    }) : () -> ()
    %add3A_24 = arith.constant 256 : i32
    %add3A_25 = arith.addi %mul3A_0, %add3A_24 : i32
    "tpu.region"() ({
      %run_scoped3A = tpu.sem_alloc : memref<!tpu.dma_semaphore, #tpu.memory_space<semaphore_mem>>
      %dma_start3A = arith.constant 0 : i32
      %dma_start3A_36 = tpu.memref_slice %arg6[%add3A_25, %dma_start3A] : memref<10240x128xf32, #tpu.memory_space<vmem_shared>> -> memref<128x128xf32, #tpu.memory_space<vmem_shared>>
      %dma_start3A_37 = arith.constant 0 : i32
      %dma_start3A_38 = tpu.memref_slice %arg6[%add3A_25, %dma_start3A_37] : memref<10240x128xf32, #tpu.memory_space<vmem_shared>> -> memref<128x128xf32, #tpu.memory_space<vmem_shared>>
      tpu.enqueue_dma source(%dma_start3A_38 : memref<128x128xf32, #tpu.memory_space<vmem_shared>>) target(%arg9 : memref<128x128xf32, #tpu.memory_space<vmem>>) target_semaphore(%run_scoped3A : memref<!tpu.dma_semaphore, #tpu.memory_space<semaphore_mem>>)
      %dma_wait3A = arith.constant 0 : i32
      %dma_wait3A_39 = tpu.memref_slice %arg6[%add3A_25, %dma_wait3A] : memref<10240x128xf32, #tpu.memory_space<vmem_shared>> -> memref<128x128xf32, #tpu.memory_space<vmem_shared>>
      %dma_wait3A_40 = arith.constant 0 : i32
      %dma_wait3A_41 = tpu.memref_slice %arg6[%add3A_25, %dma_wait3A_40] : memref<10240x128xf32, #tpu.memory_space<vmem_shared>> -> memref<128x128xf32, #tpu.memory_space<vmem_shared>>
      tpu.wait_dma2 semaphore(%run_scoped3A : memref<!tpu.dma_semaphore, #tpu.memory_space<semaphore_mem>>) src(%dma_wait3A_41 : memref<128x128xf32, #tpu.memory_space<vmem_shared>>) dst(%arg9 : memref<128x128xf32, #tpu.memory_space<vmem>>)
      tpu.yield
    }) : () -> ()
    %add3A_26 = arith.constant 256 : i32
    %add3A_27 = arith.addi %mul3A_0, %add3A_26 : i32
    "tpu.region"() ({
      %run_scoped3A = tpu.sem_alloc : memref<!tpu.dma_semaphore, #tpu.memory_space<semaphore_mem>>
      %dma_start3A = arith.constant 0 : i32
      %dma_start3A_36 = tpu.memref_slice %arg5[%arg0, %add3A_27, %dma_start3A] : memref<2x10240x128xf32, #tpu.memory_space<hbm>> -> memref<1x128x128xf32, #tpu.memory_space<hbm>>
      %dma_start3A_37 = tpu.memref_squeeze %dma_start3A_36 : memref<1x128x128xf32, #tpu.memory_space<hbm>> -> memref<128x128xf32, #tpu.memory_space<hbm>>
      %dma_start3A_38 = arith.constant 0 : i32
      %dma_start3A_39 = tpu.memref_slice %arg5[%arg0, %add3A_27, %dma_start3A_38] : memref<2x10240x128xf32, #tpu.memory_space<hbm>> -> memref<1x128x128xf32, #tpu.memory_space<hbm>>
      %dma_start3A_40 = tpu.memref_squeeze %dma_start3A_39 : memref<1x128x128xf32, #tpu.memory_space<hbm>> -> memref<128x128xf32, #tpu.memory_space<hbm>>
      tpu.enqueue_dma source(%arg9 : memref<128x128xf32, #tpu.memory_space<vmem>>) target(%dma_start3A_40 : memref<128x128xf32, #tpu.memory_space<hbm>>) target_semaphore(%run_scoped3A : memref<!tpu.dma_semaphore, #tpu.memory_space<semaphore_mem>>)
      %dma_wait3A = arith.constant 0 : i32
      %dma_wait3A_41 = tpu.memref_slice %arg5[%arg0, %add3A_27, %dma_wait3A] : memref<2x10240x128xf32, #tpu.memory_space<hbm>> -> memref<1x128x128xf32, #tpu.memory_space<hbm>>
      %dma_wait3A_42 = tpu.memref_squeeze %dma_wait3A_41 : memref<1x128x128xf32, #tpu.memory_space<hbm>> -> memref<128x128xf32, #tpu.memory_space<hbm>>
      %dma_wait3A_43 = arith.constant 0 : i32
      %dma_wait3A_44 = tpu.memref_slice %arg5[%arg0, %add3A_27, %dma_wait3A_43] : memref<2x10240x128xf32, #tpu.memory_space<hbm>> -> memref<1x128x128xf32, #tpu.memory_space<hbm>>
      %dma_wait3A_45 = tpu.memref_squeeze %dma_wait3A_44 : memref<1x128x128xf32, #tpu.memory_space<hbm>> -> memref<128x128xf32, #tpu.memory_space<hbm>>
      tpu.wait_dma2 semaphore(%run_scoped3A : memref<!tpu.dma_semaphore, #tpu.memory_space<semaphore_mem>>) src(%arg9 : memref<128x128xf32, #tpu.memory_space<vmem>>) dst(%dma_wait3A_45 : memref<128x128xf32, #tpu.memory_space<hbm>>)
      tpu.yield
    }) : () -> ()
    %add3A_28 = arith.constant 384 : i32
    %add3A_29 = arith.addi %mul3A_0, %add3A_28 : i32
    "tpu.region"() ({
      %run_scoped3A = tpu.sem_alloc : memref<!tpu.dma_semaphore, #tpu.memory_space<semaphore_mem>>
      %dma_start3A = arith.constant 0 : i32
      %dma_start3A_36 = tpu.memref_slice %arg6[%add3A_29, %dma_start3A] : memref<10240x128xf32, #tpu.memory_space<vmem_shared>> -> memref<128x128xf32, #tpu.memory_space<vmem_shared>>
      %dma_start3A_37 = arith.constant 0 : i32
      %dma_start3A_38 = tpu.memref_slice %arg6[%add3A_29, %dma_start3A_37] : memref<10240x128xf32, #tpu.memory_space<vmem_shared>> -> memref<128x128xf32, #tpu.memory_space<vmem_shared>>
      tpu.enqueue_dma source(%dma_start3A_38 : memref<128x128xf32, #tpu.memory_space<vmem_shared>>) target(%arg9 : memref<128x128xf32, #tpu.memory_space<vmem>>) target_semaphore(%run_scoped3A : memref<!tpu.dma_semaphore, #tpu.memory_space<semaphore_mem>>)
      %dma_wait3A = arith.constant 0 : i32
      %dma_wait3A_39 = tpu.memref_slice %arg6[%add3A_29, %dma_wait3A] : memref<10240x128xf32, #tpu.memory_space<vmem_shared>> -> memref<128x128xf32, #tpu.memory_space<vmem_shared>>
      %dma_wait3A_40 = arith.constant 0 : i32
      %dma_wait3A_41 = tpu.memref_slice %arg6[%add3A_29, %dma_wait3A_40] : memref<10240x128xf32, #tpu.memory_space<vmem_shared>> -> memref<128x128xf32, #tpu.memory_space<vmem_shared>>
      tpu.wait_dma2 semaphore(%run_scoped3A : memref<!tpu.dma_semaphore, #tpu.memory_space<semaphore_mem>>) src(%dma_wait3A_41 : memref<128x128xf32, #tpu.memory_space<vmem_shared>>) dst(%arg9 : memref<128x128xf32, #tpu.memory_space<vmem>>)
      tpu.yield
    }) : () -> ()
    %add3A_30 = arith.constant 384 : i32
    %add3A_31 = arith.addi %mul3A_0, %add3A_30 : i32
    "tpu.region"() ({
      %run_scoped3A = tpu.sem_alloc : memref<!tpu.dma_semaphore, #tpu.memory_space<semaphore_mem>>
      %dma_start3A = arith.constant 0 : i32
      %dma_start3A_36 = tpu.memref_slice %arg5[%arg0, %add3A_31, %dma_start3A] : memref<2x10240x128xf32, #tpu.memory_space<hbm>> -> memref<1x128x128xf32, #tpu.memory_space<hbm>>
      %dma_start3A_37 = tpu.memref_squeeze %dma_start3A_36 : memref<1x128x128xf32, #tpu.memory_space<hbm>> -> memref<128x128xf32, #tpu.memory_space<hbm>>
      %dma_start3A_38 = arith.constant 0 : i32
      %dma_start3A_39 = tpu.memref_slice %arg5[%arg0, %add3A_31, %dma_start3A_38] : memref<2x10240x128xf32, #tpu.memory_space<hbm>> -> memref<1x128x128xf32, #tpu.memory_space<hbm>>
      %dma_start3A_40 = tpu.memref_squeeze %dma_start3A_39 : memref<1x128x128xf32, #tpu.memory_space<hbm>> -> memref<128x128xf32, #tpu.memory_space<hbm>>
      tpu.enqueue_dma source(%arg9 : memref<128x128xf32, #tpu.memory_space<vmem>>) target(%dma_start3A_40 : memref<128x128xf32, #tpu.memory_space<hbm>>) target_semaphore(%run_scoped3A : memref<!tpu.dma_semaphore, #tpu.memory_space<semaphore_mem>>)
      %dma_wait3A = arith.constant 0 : i32
      %dma_wait3A_41 = tpu.memref_slice %arg5[%arg0, %add3A_31, %dma_wait3A] : memref<2x10240x128xf32, #tpu.memory_space<hbm>> -> memref<1x128x128xf32, #tpu.memory_space<hbm>>
      %dma_wait3A_42 = tpu.memref_squeeze %dma_wait3A_41 : memref<1x128x128xf32, #tpu.memory_space<hbm>> -> memref<128x128xf32, #tpu.memory_space<hbm>>
      %dma_wait3A_43 = arith.constant 0 : i32
      %dma_wait3A_44 = tpu.memref_slice %arg5[%arg0, %add3A_31, %dma_wait3A_43] : memref<2x10240x128xf32, #tpu.memory_space<hbm>> -> memref<1x128x128xf32, #tpu.memory_space<hbm>>
      %dma_wait3A_45 = tpu.memref_squeeze %dma_wait3A_44 : memref<1x128x128xf32, #tpu.memory_space<hbm>> -> memref<128x128xf32, #tpu.memory_space<hbm>>
      tpu.wait_dma2 semaphore(%run_scoped3A : memref<!tpu.dma_semaphore, #tpu.memory_space<semaphore_mem>>) src(%arg9 : memref<128x128xf32, #tpu.memory_space<vmem>>) dst(%dma_wait3A_45 : memref<128x128xf32, #tpu.memory_space<hbm>>)
      tpu.yield
    }) : () -> ()
    %add3A_32 = arith.constant 512 : i32
    %add3A_33 = arith.addi %mul3A_0, %add3A_32 : i32
    "tpu.region"() ({
      %run_scoped3A = tpu.sem_alloc : memref<!tpu.dma_semaphore, #tpu.memory_space<semaphore_mem>>
      %dma_start3A = arith.constant 0 : i32
      %dma_start3A_36 = tpu.memref_slice %arg6[%add3A_33, %dma_start3A] : memref<10240x128xf32, #tpu.memory_space<vmem_shared>> -> memref<128x128xf32, #tpu.memory_space<vmem_shared>>
      %dma_start3A_37 = arith.constant 0 : i32
      %dma_start3A_38 = tpu.memref_slice %arg6[%add3A_33, %dma_start3A_37] : memref<10240x128xf32, #tpu.memory_space<vmem_shared>> -> memref<128x128xf32, #tpu.memory_space<vmem_shared>>
      tpu.enqueue_dma source(%dma_start3A_38 : memref<128x128xf32, #tpu.memory_space<vmem_shared>>) target(%arg9 : memref<128x128xf32, #tpu.memory_space<vmem>>) target_semaphore(%run_scoped3A : memref<!tpu.dma_semaphore, #tpu.memory_space<semaphore_mem>>)
      %dma_wait3A = arith.constant 0 : i32
      %dma_wait3A_39 = tpu.memref_slice %arg6[%add3A_33, %dma_wait3A] : memref<10240x128xf32, #tpu.memory_space<vmem_shared>> -> memref<128x128xf32, #tpu.memory_space<vmem_shared>>
      %dma_wait3A_40 = arith.constant 0 : i32
      %dma_wait3A_41 = tpu.memref_slice %arg6[%add3A_33, %dma_wait3A_40] : memref<10240x128xf32, #tpu.memory_space<vmem_shared>> -> memref<128x128xf32, #tpu.memory_space<vmem_shared>>
      tpu.wait_dma2 semaphore(%run_scoped3A : memref<!tpu.dma_semaphore, #tpu.memory_space<semaphore_mem>>) src(%dma_wait3A_41 : memref<128x128xf32, #tpu.memory_space<vmem_shared>>) dst(%arg9 : memref<128x128xf32, #tpu.memory_space<vmem>>)
      tpu.yield
    }) : () -> ()
    %add3A_34 = arith.constant 512 : i32
    %add3A_35 = arith.addi %mul3A_0, %add3A_34 : i32
    "tpu.region"() ({
      %run_scoped3A = tpu.sem_alloc : memref<!tpu.dma_semaphore, #tpu.memory_space<semaphore_mem>>
      %dma_start3A = arith.constant 0 : i32
      %dma_start3A_36 = tpu.memref_slice %arg5[%arg0, %add3A_35, %dma_start3A] : memref<2x10240x128xf32, #tpu.memory_space<hbm>> -> memref<1x128x128xf32, #tpu.memory_space<hbm>>
      %dma_start3A_37 = tpu.memref_squeeze %dma_start3A_36 : memref<1x128x128xf32, #tpu.memory_space<hbm>> -> memref<128x128xf32, #tpu.memory_space<hbm>>
      %dma_start3A_38 = arith.constant 0 : i32
      %dma_start3A_39 = tpu.memref_slice %arg5[%arg0, %add3A_35, %dma_start3A_38] : memref<2x10240x128xf32, #tpu.memory_space<hbm>> -> memref<1x128x128xf32, #tpu.memory_space<hbm>>
      %dma_start3A_40 = tpu.memref_squeeze %dma_start3A_39 : memref<1x128x128xf32, #tpu.memory_space<hbm>> -> memref<128x128xf32, #tpu.memory_space<hbm>>
      tpu.enqueue_dma source(%arg9 : memref<128x128xf32, #tpu.memory_space<vmem>>) target(%dma_start3A_40 : memref<128x128xf32, #tpu.memory_space<hbm>>) target_semaphore(%run_scoped3A : memref<!tpu.dma_semaphore, #tpu.memory_space<semaphore_mem>>)
      %dma_wait3A = arith.constant 0 : i32
      %dma_wait3A_41 = tpu.memref_slice %arg5[%arg0, %add3A_35, %dma_wait3A] : memref<2x10240x128xf32, #tpu.memory_space<hbm>> -> memref<1x128x128xf32, #tpu.memory_space<hbm>>
      %dma_wait3A_42 = tpu.memref_squeeze %dma_wait3A_41 : memref<1x128x128xf32, #tpu.memory_space<hbm>> -> memref<128x128xf32, #tpu.memory_space<hbm>>
      %dma_wait3A_43 = arith.constant 0 : i32
      %dma_wait3A_44 = tpu.memref_slice %arg5[%arg0, %add3A_35, %dma_wait3A_43] : memref<2x10240x128xf32, #tpu.memory_space<hbm>> -> memref<1x128x128xf32, #tpu.memory_space<hbm>>
      %dma_wait3A_45 = tpu.memref_squeeze %dma_wait3A_44 : memref<1x128x128xf32, #tpu.memory_space<hbm>> -> memref<128x128xf32, #tpu.memory_space<hbm>>
      tpu.wait_dma2 semaphore(%run_scoped3A : memref<!tpu.dma_semaphore, #tpu.memory_space<semaphore_mem>>) src(%arg9 : memref<128x128xf32, #tpu.memory_space<vmem>>) dst(%dma_wait3A_45 : memref<128x128xf32, #tpu.memory_space<hbm>>)
      tpu.yield
    }) : () -> ()
    return
  }
}

module attributes {stable_mosaic.version = 14 : i64} {
  func.func @_affine_relu_body(%arg0: i32, %arg1: memref<1000x128xf32, #tpu.memory_space<vmem>>, %arg2: memref<1x128xf32, #tpu.memory_space<vmem>>, %arg3: memref<1x128xf32, #tpu.memory_space<vmem>>, %arg4: memref<1000x128xf32, #tpu.memory_space<vmem>>) attributes {dimension_semantics = [#tpu.dimension_semantics<arbitrary>], iteration_bounds = array<i64: 10>, scalar_prefetch = 0 : i64, scratch_operands = 0 : i64, tpu.core_type = #tpu.core_type<tc>, window_params = [{transform_indices = @transform_0, window_bounds = array<i64: 1000, 128>}, {pipeline_mode = #tpu.pipeline_mode<synchronous>, transform_indices = @transform_1, window_bounds = array<i64: 1, 128>}, {pipeline_mode = #tpu.pipeline_mode<synchronous>, transform_indices = @transform_2, window_bounds = array<i64: 1, 128>}, {transform_indices = @transform_3, window_bounds = array<i64: 1000, 128>}]} {
    %get3A = arith.constant 0 : index
    %get3A_0 = arith.constant 0 : index
    %get3A_1 = vector.load %arg1[%get3A, %get3A_0] : memref<1000x128xf32, #tpu.memory_space<vmem>>, vector<1000x128xf32>
    %get3A_2 = arith.constant 0 : index
    %get3A_3 = arith.constant 0 : index
    %get3A_4 = vector.load %arg2[%get3A_2, %get3A_3] : memref<1x128xf32, #tpu.memory_space<vmem>>, vector<1x128xf32>
    %mul3A = vector.broadcast %get3A_4 : vector<1x128xf32> to vector<1000x128xf32>
    %mul3A_5 = arith.mulf %get3A_1, %mul3A : vector<1000x128xf32>
    %get3A_6 = arith.constant 0 : index
    %get3A_7 = arith.constant 0 : index
    %get3A_8 = vector.load %arg3[%get3A_6, %get3A_7] : memref<1x128xf32, #tpu.memory_space<vmem>>, vector<1x128xf32>
    %add3A = vector.broadcast %get3A_8 : vector<1x128xf32> to vector<1000x128xf32>
    %add3A_9 = arith.addf %mul3A_5, %add3A : vector<1000x128xf32>
    %max3A = arith.constant 0.000000e+00 : f32
    %max3A_10 = vector.broadcast %max3A : f32 to vector<1000x128xf32>
    %max3A_11 = arith.maximumf %add3A_9, %max3A_10 : vector<1000x128xf32>
    %swap3A = arith.constant 0 : index
    %swap3A_12 = arith.constant 0 : index
    %swap3A_13 = vector.load %arg4[%swap3A, %swap3A_12] : memref<1000x128xf32, #tpu.memory_space<vmem>>, vector<1000x128xf32>
    tpu.vector_store %arg4[%swap3A, %swap3A_12], %max3A_11 {strides = array<i32>} : memref<1000x128xf32, #tpu.memory_space<vmem>>, vector<1000x128xf32>,
    return
  }
  func.func @transform_0(%arg0: i32) -> (i32, i32) {
    %c0_i32 = arith.constant 0 : i32
    %c0_i32_0 = arith.constant 0 : i32
    return %arg0, %c0_i32 : i32, i32
  }
  func.func @transform_1(%arg0: i32) -> (i32, i32) {
    %c0_i32 = arith.constant 0 : i32
    %c0_i32_0 = arith.constant 0 : i32
    %c0_i32_1 = arith.constant 0 : i32
    return %c0_i32, %c0_i32_0 : i32, i32
  }
  func.func @transform_2(%arg0: i32) -> (i32, i32) {
    %c0_i32 = arith.constant 0 : i32
    %c0_i32_0 = arith.constant 0 : i32
    %c0_i32_1 = arith.constant 0 : i32
    return %c0_i32, %c0_i32_0 : i32, i32
  }
  func.func @transform_3(%arg0: i32) -> (i32, i32) {
    %c0_i32 = arith.constant 0 : i32
    %c0_i32_0 = arith.constant 0 : i32
    return %arg0, %c0_i32 : i32, i32
  }
}

module attributes {stable_mosaic.version = 14 : i64} {
  func.func @_dense_body(%arg0: i32, %arg1: memref<2x1000x128xf32, #tpu.memory_space<vmem>>, %arg2: memref<2x1000x128xf32, #tpu.memory_space<vmem>>, %arg3: memref<1000x128xf32, #tpu.memory_space<vmem>>, %arg4: memref<128x128xf32, #tpu.memory_space<vmem>>, %arg5: memref<128x128xf32, #tpu.memory_space<vmem>>, %arg6: memref<128x128xf32, #tpu.memory_space<vmem>>, %arg7: memref<128x128xf32, #tpu.memory_space<vmem>>, %arg8: memref<1x128xf32, #tpu.memory_space<vmem>>, %arg9: memref<1000x128xf32, #tpu.memory_space<vmem>>, %arg10: memref<2x128xf32, #tpu.memory_space<vmem>>) attributes {dimension_semantics = [#tpu.dimension_semantics<arbitrary>], iteration_bounds = array<i64: 10>, scalar_prefetch = 0 : i64, scratch_operands = 0 : i64, tpu.core_type = #tpu.core_type<tc>, window_params = [{transform_indices = @transform_0, window_bounds = array<i64: 2, 1000, 128>}, {transform_indices = @transform_1, window_bounds = array<i64: 2, 1000, 128>}, {transform_indices = @transform_2, window_bounds = array<i64: 1000, 128>}, {pipeline_mode = #tpu.pipeline_mode<synchronous>, transform_indices = @transform_3, window_bounds = array<i64: 128, 128>}, {pipeline_mode = #tpu.pipeline_mode<synchronous>, transform_indices = @transform_4, window_bounds = array<i64: 128, 128>}, {pipeline_mode = #tpu.pipeline_mode<synchronous>, transform_indices = @transform_5, window_bounds = array<i64: 128, 128>}, {pipeline_mode = #tpu.pipeline_mode<synchronous>, transform_indices = @transform_6, window_bounds = array<i64: 128, 128>}, {pipeline_mode = #tpu.pipeline_mode<synchronous>, transform_indices = @transform_7, window_bounds = array<i64: 1, 128>}, {transform_indices = @transform_8, window_bounds = array<i64: 1000, 128>}, {pipeline_mode = #tpu.pipeline_mode<synchronous>, transform_indices = @transform_9, window_bounds = array<i64: 2, 128>}]} {
    %get3A = arith.constant 0 : index
    %get3A_0 = arith.constant 0 : index
    %get3A_1 = arith.constant 0 : index
    %get3A_2 = vector.load %arg1[%get3A, %get3A_0, %get3A_1] : memref<2x1000x128xf32, #tpu.memory_space<vmem>>, vector<1x1000x128xf32>
    %get3A_3 = vector.shape_cast %get3A_2 : vector<1x1000x128xf32> to vector<1000x128xf32>
    %get3A_4 = arith.constant 1 : index
    %get3A_5 = arith.constant 0 : index
    %get3A_6 = arith.constant 0 : index
    %get3A_7 = vector.load %arg1[%get3A_4, %get3A_5, %get3A_6] : memref<2x1000x128xf32, #tpu.memory_space<vmem>>, vector<1x1000x128xf32>
    %get3A_8 = vector.shape_cast %get3A_7 : vector<1x1000x128xf32> to vector<1000x128xf32>
    %add3A = arith.addf %get3A_3, %get3A_8 : vector<1000x128xf32>
    %get3A_9 = arith.constant 0 : index
    %get3A_10 = arith.constant 0 : index
    %get3A_11 = arith.constant 0 : index
    %get3A_12 = vector.load %arg2[%get3A_9, %get3A_10, %get3A_11] : memref<2x1000x128xf32, #tpu.memory_space<vmem>>, vector<1x1000x1xf32>
    %get3A_13 = vector.shape_cast %get3A_12 : vector<1x1000x1xf32> to vector<1000x1xf32>
    %get3A_14 = arith.constant 1 : index
    %get3A_15 = arith.constant 0 : index
    %get3A_16 = arith.constant 0 : index
    %get3A_17 = vector.load %arg2[%get3A_14, %get3A_15, %get3A_16] : memref<2x1000x128xf32, #tpu.memory_space<vmem>>, vector<1x1000x1xf32>
    %get3A_18 = vector.shape_cast %get3A_17 : vector<1x1000x1xf32> to vector<1000x1xf32>
    %add3A_19 = arith.addf %get3A_13, %get3A_18 : vector<1000x1xf32>
    %max3A = arith.constant 1.000000e+00 : f32
    %max3A_20 = vector.broadcast %max3A : f32 to vector<1000x1xf32>
    %max3A_21 = arith.maximumf %add3A_19, %max3A_20 : vector<1000x1xf32>
    %div3A = vector.broadcast %max3A_21 : vector<1000x1xf32> to vector<1000x128xf32>
    %div3A_22 = arith.divf %add3A, %div3A : vector<1000x128xf32>
    %get3A_23 = arith.constant 0 : index
    %get3A_24 = arith.constant 0 : index
    %get3A_25 = vector.load %arg4[%get3A_23, %get3A_24] : memref<128x128xf32, #tpu.memory_space<vmem>>, vector<128x128xf32>
    %get3A_26 = arith.constant 0 : index
    %get3A_27 = arith.constant 0 : index
    %get3A_28 = vector.load %arg5[%get3A_26, %get3A_27] : memref<128x128xf32, #tpu.memory_space<vmem>>, vector<128x128xf32>
    %mul3A = arith.mulf %get3A_25, %get3A_28 : vector<128x128xf32>
    %get3A_29 = arith.constant 0 : index
    %get3A_30 = arith.constant 0 : index
    %get3A_31 = vector.load %arg6[%get3A_29, %get3A_30] : memref<128x128xf32, #tpu.memory_space<vmem>>, vector<128x128xf32>
    %get3A_32 = arith.constant 0 : index
    %get3A_33 = arith.constant 0 : index
    %get3A_34 = vector.load %arg7[%get3A_32, %get3A_33] : memref<128x128xf32, #tpu.memory_space<vmem>>, vector<128x128xf32>
    %mul3A_35 = arith.mulf %get3A_31, %get3A_34 : vector<128x128xf32>
    %dot_general3A = arith.constant dense<0.000000e+00> : vector<1000x128xf32>
    %dot_general3A_36 = tpu.matmul %div3A_22, %mul3A, %dot_general3A {dimension_numbers = #tpu.dot_dimension_numbers<[1], [1], [0], [0], [0, 0, 1, 0], [], []>, transpose_lhs_hint = false} : vector<1000x128xf32>, vector<128x128xf32>, vector<1000x128xf32> -> vector<1000x128xf32>
    %get3A_37 = arith.constant 0 : index
    %get3A_38 = arith.constant 0 : index
    %get3A_39 = vector.load %arg3[%get3A_37, %get3A_38] : memref<1000x128xf32, #tpu.memory_space<vmem>>, vector<1000x128xf32>
    %dot_general3A_40 = arith.constant dense<0.000000e+00> : vector<1000x128xf32>
    %dot_general3A_41 = tpu.matmul %get3A_39, %mul3A_35, %dot_general3A_40 {dimension_numbers = #tpu.dot_dimension_numbers<[1], [1], [0], [0], [0, 0, 1, 0], [], []>, transpose_lhs_hint = false} : vector<1000x128xf32>, vector<128x128xf32>, vector<1000x128xf32> -> vector<1000x128xf32>
    %add3A_42 = arith.addf %dot_general3A_36, %dot_general3A_41 : vector<1000x128xf32>
    %get3A_43 = arith.constant 0 : index
    %get3A_44 = arith.constant 0 : index
    %get3A_45 = vector.load %arg8[%get3A_43, %get3A_44] : memref<1x128xf32, #tpu.memory_space<vmem>>, vector<1x128xf32>
    %add3A_46 = vector.broadcast %get3A_45 : vector<1x128xf32> to vector<1000x128xf32>
    %add3A_47 = arith.addf %add3A_42, %add3A_46 : vector<1000x128xf32>
    %swap3A = arith.constant 0 : index
    %swap3A_48 = arith.constant 0 : index
    %swap3A_49 = vector.load %arg9[%swap3A, %swap3A_48] : memref<1000x128xf32, #tpu.memory_space<vmem>>, vector<1000x128xf32>
    tpu.vector_store %arg9[%swap3A, %swap3A_48], %add3A_47 {strides = array<i32>} : memref<1000x128xf32, #tpu.memory_space<vmem>>, vector<1000x128xf32>,
    %eq3A = arith.constant 0 : i32
    %eq3A_50 = arith.cmpi eq, %arg0, %eq3A : i32
    %convert_element_type3A = arith.extui %eq3A_50 : i1 to i32
    %cond3A = arith.constant 0 : i32
    %cond3A_51 = arith.cmpi ne, %convert_element_type3A, %cond3A : i32
    scf.if %cond3A_51 {
      %broadcast_in_dim3A_71 = arith.constant 0.000000e+00 : f32
      %broadcast_in_dim3A_72 = vector.broadcast %broadcast_in_dim3A_71 : f32 to vector<2x128xf32>
      %swap3A_73 = arith.constant 0 : index
      %swap3A_74 = arith.constant 0 : index
      %swap3A_75 = vector.load %arg10[%swap3A_73, %swap3A_74] : memref<2x128xf32, #tpu.memory_space<vmem>>, vector<2x128xf32>
      tpu.vector_store %arg10[%swap3A_73, %swap3A_74], %broadcast_in_dim3A_72 {strides = array<i32>} : memref<2x128xf32, #tpu.memory_space<vmem>>, vector<2x128xf32>,
    } else {
    }
    %get3A_52 = arith.constant 0 : index
    %get3A_53 = arith.constant 0 : index
    %get3A_54 = vector.load %arg10[%get3A_52, %get3A_53] : memref<2x128xf32, #tpu.memory_space<vmem>>, vector<1x128xf32>
    %reduce_sum3A = arith.constant dense<0.000000e+00> : vector<128xf32>
    %reduce_sum3A_55 = vector.multi_reduction <add>, %add3A_47, %reduce_sum3A [0] : vector<1000x128xf32> to vector<128xf32>
    %broadcast_in_dim3A = vector.shape_cast %reduce_sum3A_55 : vector<128xf32> to vector<1x128xf32>
    %add3A_56 = arith.addf %get3A_54, %broadcast_in_dim3A : vector<1x128xf32>
    %swap3A_57 = arith.constant 0 : index
    %swap3A_58 = arith.constant 0 : index
    %swap3A_59 = vector.load %arg10[%swap3A_57, %swap3A_58] : memref<2x128xf32, #tpu.memory_space<vmem>>, vector<1x128xf32>
    tpu.vector_store %arg10[%swap3A_57, %swap3A_58], %add3A_56 {strides = array<i32>} : memref<2x128xf32, #tpu.memory_space<vmem>>, vector<1x128xf32>,
    %get3A_60 = arith.constant 1 : index
    %get3A_61 = arith.constant 0 : index
    %get3A_62 = vector.load %arg10[%get3A_60, %get3A_61] : memref<2x128xf32, #tpu.memory_space<vmem>>, vector<1x128xf32>
    %mul3A_63 = arith.mulf %add3A_47, %add3A_47 : vector<1000x128xf32>
    %reduce_sum3A_64 = arith.constant dense<0.000000e+00> : vector<128xf32>
    %reduce_sum3A_65 = vector.multi_reduction <add>, %mul3A_63, %reduce_sum3A_64 [0] : vector<1000x128xf32> to vector<128xf32>
    %broadcast_in_dim3A_66 = vector.shape_cast %reduce_sum3A_65 : vector<128xf32> to vector<1x128xf32>
    %add3A_67 = arith.addf %get3A_62, %broadcast_in_dim3A_66 : vector<1x128xf32>
    %swap3A_68 = arith.constant 1 : index
    %swap3A_69 = arith.constant 0 : index
    %swap3A_70 = vector.load %arg10[%swap3A_68, %swap3A_69] : memref<2x128xf32, #tpu.memory_space<vmem>>, vector<1x128xf32>
    tpu.vector_store %arg10[%swap3A_68, %swap3A_69], %add3A_67 {strides = array<i32>} : memref<2x128xf32, #tpu.memory_space<vmem>>, vector<1x128xf32>,
    return
  }
  func.func @transform_0(%arg0: i32) -> (i32, i32, i32) {
    %c0_i32 = arith.constant 0 : i32
    %c0_i32_0 = arith.constant 0 : i32
    %c0_i32_1 = arith.constant 0 : i32
    return %c0_i32, %arg0, %c0_i32_0 : i32, i32, i32
  }
  func.func @transform_1(%arg0: i32) -> (i32, i32, i32) {
    %c0_i32 = arith.constant 0 : i32
    %c0_i32_0 = arith.constant 0 : i32
    %c0_i32_1 = arith.constant 0 : i32
    return %c0_i32, %arg0, %c0_i32_0 : i32, i32, i32
  }
  func.func @transform_2(%arg0: i32) -> (i32, i32) {
    %c0_i32 = arith.constant 0 : i32
    %c0_i32_0 = arith.constant 0 : i32
    return %arg0, %c0_i32 : i32, i32
  }
  func.func @transform_3(%arg0: i32) -> (i32, i32) {
    %c0_i32 = arith.constant 0 : i32
    %c0_i32_0 = arith.constant 0 : i32
    %c0_i32_1 = arith.constant 0 : i32
    return %c0_i32, %c0_i32_0 : i32, i32
  }
  func.func @transform_4(%arg0: i32) -> (i32, i32) {
    %c0_i32 = arith.constant 0 : i32
    %c0_i32_0 = arith.constant 0 : i32
    %c0_i32_1 = arith.constant 0 : i32
    return %c0_i32, %c0_i32_0 : i32, i32
  }
  func.func @transform_5(%arg0: i32) -> (i32, i32) {
    %c0_i32 = arith.constant 0 : i32
    %c0_i32_0 = arith.constant 0 : i32
    %c0_i32_1 = arith.constant 0 : i32
    return %c0_i32, %c0_i32_0 : i32, i32
  }
  func.func @transform_6(%arg0: i32) -> (i32, i32) {
    %c0_i32 = arith.constant 0 : i32
    %c0_i32_0 = arith.constant 0 : i32
    %c0_i32_1 = arith.constant 0 : i32
    return %c0_i32, %c0_i32_0 : i32, i32
  }
  func.func @transform_7(%arg0: i32) -> (i32, i32) {
    %c0_i32 = arith.constant 0 : i32
    %c0_i32_0 = arith.constant 0 : i32
    %c0_i32_1 = arith.constant 0 : i32
    return %c0_i32, %c0_i32_0 : i32, i32
  }
  func.func @transform_8(%arg0: i32) -> (i32, i32) {
    %c0_i32 = arith.constant 0 : i32
    %c0_i32_0 = arith.constant 0 : i32
    return %arg0, %c0_i32 : i32, i32
  }
  func.func @transform_9(%arg0: i32) -> (i32, i32) {
    %c0_i32 = arith.constant 0 : i32
    %c0_i32_0 = arith.constant 0 : i32
    %c0_i32_1 = arith.constant 0 : i32
    return %c0_i32, %c0_i32_0 : i32, i32
  }
}

module attributes {stable_mosaic.version = 14 : i64} {
  func.func @_affine_relu_mm_body(%arg0: i32, %arg1: memref<1000x128xf32, #tpu.memory_space<vmem>>, %arg2: memref<1x128xf32, #tpu.memory_space<vmem>>, %arg3: memref<1x128xf32, #tpu.memory_space<vmem>>, %arg4: memref<128x128xf32, #tpu.memory_space<vmem>>, %arg5: memref<128x128xf32, #tpu.memory_space<vmem>>, %arg6: memref<40x128xf32, #tpu.memory_space<vmem>>, %arg7: memref<40x128xf32, #tpu.memory_space<vmem>>, %arg8: memref<1x40xf32, #tpu.memory_space<vmem>>, %arg9: memref<1000x128xf32, #tpu.memory_space<vmem>>, %arg10: memref<1000x40xf32, #tpu.memory_space<vmem>>) attributes {dimension_semantics = [#tpu.dimension_semantics<arbitrary>], iteration_bounds = array<i64: 10>, scalar_prefetch = 0 : i64, scratch_operands = 0 : i64, tpu.core_type = #tpu.core_type<tc>, window_params = [{transform_indices = @transform_0, window_bounds = array<i64: 1000, 128>}, {pipeline_mode = #tpu.pipeline_mode<synchronous>, transform_indices = @transform_1, window_bounds = array<i64: 1, 128>}, {pipeline_mode = #tpu.pipeline_mode<synchronous>, transform_indices = @transform_2, window_bounds = array<i64: 1, 128>}, {pipeline_mode = #tpu.pipeline_mode<synchronous>, transform_indices = @transform_3, window_bounds = array<i64: 128, 128>}, {pipeline_mode = #tpu.pipeline_mode<synchronous>, transform_indices = @transform_4, window_bounds = array<i64: 128, 128>}, {pipeline_mode = #tpu.pipeline_mode<synchronous>, transform_indices = @transform_5, window_bounds = array<i64: 40, 128>}, {pipeline_mode = #tpu.pipeline_mode<synchronous>, transform_indices = @transform_6, window_bounds = array<i64: 40, 128>}, {pipeline_mode = #tpu.pipeline_mode<synchronous>, transform_indices = @transform_7, window_bounds = array<i64: 1, 40>}, {transform_indices = @transform_8, window_bounds = array<i64: 1000, 128>}, {transform_indices = @transform_9, window_bounds = array<i64: 1000, 40>}]} {
    %get3A = arith.constant 0 : index
    %get3A_0 = arith.constant 0 : index
    %get3A_1 = vector.load %arg1[%get3A, %get3A_0] : memref<1000x128xf32, #tpu.memory_space<vmem>>, vector<1000x128xf32>
    %get3A_2 = arith.constant 0 : index
    %get3A_3 = arith.constant 0 : index
    %get3A_4 = vector.load %arg2[%get3A_2, %get3A_3] : memref<1x128xf32, #tpu.memory_space<vmem>>, vector<1x128xf32>
    %mul3A = vector.broadcast %get3A_4 : vector<1x128xf32> to vector<1000x128xf32>
    %mul3A_5 = arith.mulf %get3A_1, %mul3A : vector<1000x128xf32>
    %get3A_6 = arith.constant 0 : index
    %get3A_7 = arith.constant 0 : index
    %get3A_8 = vector.load %arg3[%get3A_6, %get3A_7] : memref<1x128xf32, #tpu.memory_space<vmem>>, vector<1x128xf32>
    %add3A = vector.broadcast %get3A_8 : vector<1x128xf32> to vector<1000x128xf32>
    %add3A_9 = arith.addf %mul3A_5, %add3A : vector<1000x128xf32>
    %max3A = arith.constant 0.000000e+00 : f32
    %max3A_10 = vector.broadcast %max3A : f32 to vector<1000x128xf32>
    %max3A_11 = arith.maximumf %add3A_9, %max3A_10 : vector<1000x128xf32>
    %get3A_12 = arith.constant 0 : index
    %get3A_13 = arith.constant 0 : index
    %get3A_14 = vector.load %arg4[%get3A_12, %get3A_13] : memref<128x128xf32, #tpu.memory_space<vmem>>, vector<128x128xf32>
    %get3A_15 = arith.constant 0 : index
    %get3A_16 = arith.constant 0 : index
    %get3A_17 = vector.load %arg5[%get3A_15, %get3A_16] : memref<128x128xf32, #tpu.memory_space<vmem>>, vector<128x128xf32>
    %mul3A_18 = arith.mulf %get3A_14, %get3A_17 : vector<128x128xf32>
    %dot_general3A = arith.constant dense<0.000000e+00> : vector<1000x128xf32>
    %dot_general3A_19 = tpu.matmul %max3A_11, %mul3A_18, %dot_general3A {dimension_numbers = #tpu.dot_dimension_numbers<[1], [1], [0], [0], [0, 0, 1, 0], [], []>, transpose_lhs_hint = false} : vector<1000x128xf32>, vector<128x128xf32>, vector<1000x128xf32> -> vector<1000x128xf32>
    %swap3A = arith.constant 0 : index
    %swap3A_20 = arith.constant 0 : index
    %swap3A_21 = vector.load %arg9[%swap3A, %swap3A_20] : memref<1000x128xf32, #tpu.memory_space<vmem>>, vector<1000x128xf32>
    tpu.vector_store %arg9[%swap3A, %swap3A_20], %dot_general3A_19 {strides = array<i32>} : memref<1000x128xf32, #tpu.memory_space<vmem>>, vector<1000x128xf32>,
    %get3A_22 = arith.constant 0 : index
    %get3A_23 = arith.constant 0 : index
    %get3A_24 = vector.load %arg6[%get3A_22, %get3A_23] : memref<40x128xf32, #tpu.memory_space<vmem>>, vector<40x128xf32>
    %get3A_25 = arith.constant 0 : index
    %get3A_26 = arith.constant 0 : index
    %get3A_27 = vector.load %arg7[%get3A_25, %get3A_26] : memref<40x128xf32, #tpu.memory_space<vmem>>, vector<40x128xf32>
    %mul3A_28 = arith.mulf %get3A_24, %get3A_27 : vector<40x128xf32>
    %dot_general3A_29 = arith.constant dense<0.000000e+00> : vector<1000x40xf32>
    %dot_general3A_30 = tpu.matmul %max3A_11, %mul3A_28, %dot_general3A_29 {dimension_numbers = #tpu.dot_dimension_numbers<[1], [1], [0], [0], [0, 0, 1, 0], [], []>, transpose_lhs_hint = false} : vector<1000x128xf32>, vector<40x128xf32>, vector<1000x40xf32> -> vector<1000x40xf32>
    %get3A_31 = arith.constant 0 : index
    %get3A_32 = arith.constant 0 : index
    %get3A_33 = vector.load %arg8[%get3A_31, %get3A_32] : memref<1x40xf32, #tpu.memory_space<vmem>>, vector<1x40xf32>
    %add3A_34 = vector.broadcast %get3A_33 : vector<1x40xf32> to vector<1000x40xf32>
    %add3A_35 = arith.addf %dot_general3A_30, %add3A_34 : vector<1000x40xf32>
    %swap3A_36 = arith.constant 0 : index
    %swap3A_37 = arith.constant 0 : index
    %swap3A_38 = vector.load %arg10[%swap3A_36, %swap3A_37] : memref<1000x40xf32, #tpu.memory_space<vmem>>, vector<1000x40xf32>
    tpu.vector_store %arg10[%swap3A_36, %swap3A_37], %add3A_35 {strides = array<i32>} : memref<1000x40xf32, #tpu.memory_space<vmem>>, vector<1000x40xf32>,
    return
  }
  func.func @transform_0(%arg0: i32) -> (i32, i32) {
    %c0_i32 = arith.constant 0 : i32
    %c0_i32_0 = arith.constant 0 : i32
    return %arg0, %c0_i32 : i32, i32
  }
  func.func @transform_1(%arg0: i32) -> (i32, i32) {
    %c0_i32 = arith.constant 0 : i32
    %c0_i32_0 = arith.constant 0 : i32
    %c0_i32_1 = arith.constant 0 : i32
    return %c0_i32, %c0_i32_0 : i32, i32
  }
  func.func @transform_2(%arg0: i32) -> (i32, i32) {
    %c0_i32 = arith.constant 0 : i32
    %c0_i32_0 = arith.constant 0 : i32
    %c0_i32_1 = arith.constant 0 : i32
    return %c0_i32, %c0_i32_0 : i32, i32
  }
  func.func @transform_3(%arg0: i32) -> (i32, i32) {
    %c0_i32 = arith.constant 0 : i32
    %c0_i32_0 = arith.constant 0 : i32
    %c0_i32_1 = arith.constant 0 : i32
    return %c0_i32, %c0_i32_0 : i32, i32
  }
  func.func @transform_4(%arg0: i32) -> (i32, i32) {
    %c0_i32 = arith.constant 0 : i32
    %c0_i32_0 = arith.constant 0 : i32
    %c0_i32_1 = arith.constant 0 : i32
    return %c0_i32, %c0_i32_0 : i32, i32
  }
  func.func @transform_5(%arg0: i32) -> (i32, i32) {
    %c0_i32 = arith.constant 0 : i32
    %c0_i32_0 = arith.constant 0 : i32
    %c0_i32_1 = arith.constant 0 : i32
    return %c0_i32, %c0_i32_0 : i32, i32
  }
  func.func @transform_6(%arg0: i32) -> (i32, i32) {
    %c0_i32 = arith.constant 0 : i32
    %c0_i32_0 = arith.constant 0 : i32
    %c0_i32_1 = arith.constant 0 : i32
    return %c0_i32, %c0_i32_0 : i32, i32
  }
  func.func @transform_7(%arg0: i32) -> (i32, i32) {
    %c0_i32 = arith.constant 0 : i32
    %c0_i32_0 = arith.constant 0 : i32
    %c0_i32_1 = arith.constant 0 : i32
    return %c0_i32, %c0_i32_0 : i32, i32
  }
  func.func @transform_8(%arg0: i32) -> (i32, i32) {
    %c0_i32 = arith.constant 0 : i32
    %c0_i32_0 = arith.constant 0 : i32
    return %arg0, %c0_i32 : i32, i32
  }
  func.func @transform_9(%arg0: i32) -> (i32, i32) {
    %c0_i32 = arith.constant 0 : i32
    %c0_i32_0 = arith.constant 0 : i32
    return %arg0, %c0_i32 : i32, i32
  }
}

module attributes {stable_mosaic.version = 14 : i64} {
  func.func @_final_body(%arg0: i32, %arg1: memref<2x1000x128xf32, #tpu.memory_space<vmem>>, %arg2: memref<2x1000x128xf32, #tpu.memory_space<vmem>>, %arg3: memref<1000x40xf32, #tpu.memory_space<vmem>>, %arg4: memref<1000x40xf32, #tpu.memory_space<vmem>>) attributes {dimension_semantics = [#tpu.dimension_semantics<arbitrary>], iteration_bounds = array<i64: 10>, scalar_prefetch = 0 : i64, scratch_operands = 0 : i64, tpu.core_type = #tpu.core_type<tc>, window_params = [{transform_indices = @transform_0, window_bounds = array<i64: 2, 1000, 128>}, {transform_indices = @transform_1, window_bounds = array<i64: 2, 1000, 128>}, {transform_indices = @transform_2, window_bounds = array<i64: 1000, 40>}, {transform_indices = @transform_3, window_bounds = array<i64: 1000, 40>}]} {
    %get3A = arith.constant 0 : index
    %get3A_0 = arith.constant 0 : index
    %get3A_1 = arith.constant 0 : index
    %get3A_2 = vector.load %arg2[%get3A, %get3A_0, %get3A_1] : memref<2x1000x128xf32, #tpu.memory_space<vmem>>, vector<1x1000x1xf32>
    %get3A_3 = vector.shape_cast %get3A_2 : vector<1x1000x1xf32> to vector<1000x1xf32>
    %get3A_4 = arith.constant 1 : index
    %get3A_5 = arith.constant 0 : index
    %get3A_6 = arith.constant 0 : index
    %get3A_7 = vector.load %arg2[%get3A_4, %get3A_5, %get3A_6] : memref<2x1000x128xf32, #tpu.memory_space<vmem>>, vector<1x1000x1xf32>
    %get3A_8 = vector.shape_cast %get3A_7 : vector<1x1000x1xf32> to vector<1000x1xf32>
    %add3A = arith.addf %get3A_3, %get3A_8 : vector<1000x1xf32>
    %get3A_9 = arith.constant 0 : index
    %get3A_10 = arith.constant 0 : index
    %get3A_11 = arith.constant 0 : index
    %get3A_12 = vector.load %arg1[%get3A_9, %get3A_10, %get3A_11] : memref<2x1000x128xf32, #tpu.memory_space<vmem>>, vector<1x1000x128xf32>
    %get3A_13 = vector.shape_cast %get3A_12 : vector<1x1000x128xf32> to vector<1000x128xf32>
    %get3A_14 = arith.constant 1 : index
    %get3A_15 = arith.constant 0 : index
    %get3A_16 = arith.constant 0 : index
    %get3A_17 = vector.load %arg1[%get3A_14, %get3A_15, %get3A_16] : memref<2x1000x128xf32, #tpu.memory_space<vmem>>, vector<1x1000x128xf32>
    %get3A_18 = vector.shape_cast %get3A_17 : vector<1x1000x128xf32> to vector<1000x128xf32>
    %add3A_19 = arith.addf %get3A_13, %get3A_18 : vector<1000x128xf32>
    %slice3A = vector.extract_strided_slice %add3A_19 {offsets = [0, 0], sizes = [1000, 40], strides = [1, 1]} : vector<1000x128xf32> to vector<1000x40xf32>
    %max3A = arith.constant 1.000000e+00 : f32
    %max3A_20 = vector.broadcast %max3A : f32 to vector<1000x1xf32>
    %max3A_21 = arith.maximumf %add3A, %max3A_20 : vector<1000x1xf32>
    %div3A = vector.broadcast %max3A_21 : vector<1000x1xf32> to vector<1000x40xf32>
    %div3A_22 = arith.divf %slice3A, %div3A : vector<1000x40xf32>
    %get3A_23 = arith.constant 0 : index
    %get3A_24 = arith.constant 0 : index
    %get3A_25 = vector.load %arg3[%get3A_23, %get3A_24] : memref<1000x40xf32, #tpu.memory_space<vmem>>, vector<1000x40xf32>
    %add3A_26 = arith.addf %div3A_22, %get3A_25 : vector<1000x40xf32>
    %reduce_max3A = arith.constant dense<0xFF800000> : vector<1000xf32>
    %reduce_max3A_27 = vector.multi_reduction <maximumf>, %add3A_26, %reduce_max3A [1] : vector<1000x40xf32> to vector<1000xf32>
    %broadcast_in_dim3A = vector.shape_cast %reduce_max3A_27 : vector<1000xf32> to vector<1000x1xf32>
    %sub3A = vector.broadcast %broadcast_in_dim3A : vector<1000x1xf32> to vector<1000x40xf32>
    %sub3A_28 = arith.subf %add3A_26, %sub3A : vector<1000x40xf32>
    %exp3A = math.exp %sub3A_28 : vector<1000x40xf32>
    %reduce_sum3A = arith.constant dense<0.000000e+00> : vector<1000xf32>
    %reduce_sum3A_29 = vector.multi_reduction <add>, %exp3A, %reduce_sum3A [1] : vector<1000x40xf32> to vector<1000xf32>
    %broadcast_in_dim3A_30 = vector.shape_cast %reduce_sum3A_29 : vector<1000xf32> to vector<1000x1xf32>
    %log3A = math.log %broadcast_in_dim3A_30 : vector<1000x1xf32>
    %add3A_31 = arith.addf %log3A, %broadcast_in_dim3A : vector<1000x1xf32>
    %sub3A_32 = vector.broadcast %add3A_31 : vector<1000x1xf32> to vector<1000x40xf32>
    %sub3A_33 = arith.subf %add3A_26, %sub3A_32 : vector<1000x40xf32>
    %swap3A = arith.constant 0 : index
    %swap3A_34 = arith.constant 0 : index
    %swap3A_35 = vector.load %arg4[%swap3A, %swap3A_34] : memref<1000x40xf32, #tpu.memory_space<vmem>>, vector<1000x40xf32>
    tpu.vector_store %arg4[%swap3A, %swap3A_34], %sub3A_33 {strides = array<i32>} : memref<1000x40xf32, #tpu.memory_space<vmem>>, vector<1000x40xf32>,
    return
  }
  func.func @transform_0(%arg0: i32) -> (i32, i32, i32) {
    %c0_i32 = arith.constant 0 : i32
    %c0_i32_0 = arith.constant 0 : i32
    %c0_i32_1 = arith.constant 0 : i32
    return %c0_i32, %arg0, %c0_i32_0 : i32, i32, i32
  }
  func.func @transform_1(%arg0: i32) -> (i32, i32, i32) {
    %c0_i32 = arith.constant 0 : i32
    %c0_i32_0 = arith.constant 0 : i32
    %c0_i32_1 = arith.constant 0 : i32
    return %c0_i32, %arg0, %c0_i32_0 : i32, i32, i32
  }
  func.func @transform_2(%arg0: i32) -> (i32, i32) {
    %c0_i32 = arith.constant 0 : i32
    %c0_i32_0 = arith.constant 0 : i32
    return %arg0, %c0_i32 : i32, i32
  }
  func.func @transform_3(%arg0: i32) -> (i32, i32) {
    %c0_i32 = arith.constant 0 : i32
    %c0_i32_0 = arith.constant 0 : i32
    return %arg0, %c0_i32 : i32, i32
  }
}

</mosaic_0001>

<sc_bundles>
// kernel: sc_degree.3.cloned.1.call-start
scs
__scs_entry_jumppad:
0x0: {  	(pc) =	sbr.rel $0x88, $3  }
0x1: {  	(tag) =	ssettag $0x0;
	lr =	simm.s32 $0x1  }
0x2: {  	[smem:$0x3F8C] =	sst lr;
	_ =	strace $0xD0000000  }
0x3: {  	_ = 	snop  }
0x4: {  	_ = 	snop  }
0x5: {  	_ = 	snop  }
0x6: {  	_ = 	snop  }
0x7: {  	_ = 	snop  }
__scs_overlays_trampoline_lowered:
0x8: {  	[smem:$0x3F9B] =	sst s0  }
0x9: {  	[smem:$0x3F9C] =	sst s1  }
0xa: {  	[smem:$0x3F9D] =	sst s2  }
0xb: {  	[smem:$0x3F9E] =	sst s3  }
0xc: {  	[smem:$0x3F9F] =	sst s4  }
0xd: {  	[smem:$0x3FA0] =	sst s5  }
0xe: {  	[smem:$0x3FA1] =	sst s6  }
0xf: {  	[smem:$0x3FA2] =	sst s7  }
0x10: {  	[smem:$0x3FA3] =	sst s8  }
0x11: {  	[smem:$0x3FA4] =	sst s9;
	s0 =	simm.s32 @!p0 $0x0  }
0x12: {  	s1 =	sld [smem:$0x3F8A];
	s0 =	simm.s32 @p0 $0x1  }
0x13: {  	[smem:$0x3FA5] =	sst s0;
	s0 =	simm.s32 @!p1 $0x0  }
0x14: {  	s2 =	sld [smem:$0x3F89];
	s0 =	simm.s32 @p1 $0x1  }
0x15: {  	[smem:$0x3FA6] =	sst s0;
	s0 =	simm.s32 @!p2 $0x0  }
0x16: {  	s3 =	sld [smem:$0x3FDB];
	s0 =	simm.s32 @p2 $0x1  }
0x17: {  	s4 =	simm.s32 $0x1BF5;
	[smem:$0x3FA8] =	sst s0  }
0x18: {  	s0 =	sld [smem:$0x3F8B];
	_ =	swait.ge [sflag:s4], $0x0  }
0x19: {  	s7 =	sld [smem:$0x3F8C]  }
0x1a: {  	s8 =	sadd.s32 $0xFFFFE003, lr  }
0x1b: {  	s9 =	sadd.s32 $0xFFFFFEF7, lr;
	s5 =	simm.s32 $0xFFFFFFFF;
	p2 =	slt.u32 s8, $0xFFFFF086  }
0x1c: {  	p1 =	slt.u32 s9, $0xF7A;
	s5 =	simm.s32 @!p2 $0x0  }
0x1d: {  	s5 =	simm.s32 @p1 $0x1;
	p0 =	seq.s32 s7, s2  }
0x1e: {  	s7 =	smul.u32 @!p0 $0xF7A, s2;
	p2 =	seq.s32 @!p0 s5, $0x0  }
0x1f: {  	s9 =	smul.u32 $0xF7A, s1;
	s8 =	simm.s32 @!p0 $0x1BF5;
	p2 =	por !p2, p0  }
0x20: {  	[sflag:s8] =	ssyncset.s32 @!p0 $0xFFFFF086;
	s6 =	sadd.s32 @!p0 s3, s7;
	s7 =	simm.s32 @!p0 $0x108  }
0x21: {  	s3 =	sadd.s32 s3, s9;
	s6 =	sadd.s32 @!p0 $0x88, s6;
	s7 =	simm.s32 @p2 $0x1082  }
0x22: {  	[simem:s7], [sflag:s8] =	dma.local @!p0 [hbm:s6], $0xF7A  }
0x23: {  	s9 =	sor.u32 $0xD0000000, s2;
	s6 =	simm.s32 $0x108;
	_ =	swait.ge @!p0 [sflag:s8], $0x0  }
0x24: {  	s3 =	sadd.s32 $0x88, s3;
	s6 =	simm.s32 @!p1 $0x1082;
	[sflag:s4] =	ssyncset.s32 $0xFFFFF086  }
0x25: {  	[simem:s6], [sflag:s4] =	dma.local [hbm:s3], $0xF7A  }
0x26: {  	[smem:$0x3F8C] =	sst s1;
	(tag) =	ssettag s2;
	_ =	strace s9  }
0x27: {  	s1 =	sld [smem:$0x3F9C]  }
0x28: {  	s2 =	sld [smem:$0x3F9D]  }
0x29: {  	s4 =	sld [smem:$0x3F9F]  }
0x2a: {  	p0 =	seq.s32 s5, $0x0;
	s5 =	sld [smem:$0x3FA0]  }
0x2b: {  	s6 =	sld [smem:$0x3FA1]  }
0x2c: {  	s7 =	sld [smem:$0x3FA2]  }
0x2d: {  	s3 =	simm.s32 $0x108;
	s8 =	sld [smem:$0x3FA3]  }
0x2e: {  	s3 =	simm.s32 @!p0 $0x1082;
	s9 =	sld [smem:$0x3FA4]  }
0x2f: {  	lr =	sadd.s32 s0, s3;
	s0 =	sld [smem:$0x3F9B]  }
0x30: {  	s3 =	sld [smem:$0x3F9E]  }
0x31: {  	[smem:$0x3FA7] =	sst s10  }
0x32: {  	s10 =	sld [smem:$0x3FA5];
	_ =	sdelay $0x3  }
0x33: {  	p0 =	seq.s32 s10, $0x1;
	s10 =	sld [smem:$0x3FA7];
	_ =	sdelay $0x3  }
0x34: {  	[smem:$0x3FA7] =	sst s10  }
0x35: {  	s10 =	sld [smem:$0x3FA6];
	_ =	sdelay $0x3  }
0x36: {  	p1 =	seq.s32 s10, $0x1;
	s10 =	sld [smem:$0x3FA7];
	_ =	sdelay $0x3  }
0x37: {  	[smem:$0x3FA7] =	sst s10  }
0x38: {  	s10 =	sld [smem:$0x3FA8]  }
0x39: {  	_ = 	snop;
	(pc) =	sbr.ind lr, $3  }
0x3a: {  	_ = 	snop  }
0x3b: {  	_ = 	snop  }
0x3c: {  	p2 =	seq.s32 s10, $0x1;
	s10 =	sld [smem:$0x3FA7]  }
0x3d: {  	_ =	shalt  }
0x3e: {  	_ =	shalt  }
0x3f: {  	_ =	shalt  }
0x40: {  	_ =	shalt  }
0x41: {  	_ =	shalt  }
0x42: {  	_ =	shalt  }
0x43: {  	_ =	shalt  }
0x44: {  	_ =	shalt  }
0x45: {  	_ =	shalt  }
0x46: {  	_ =	shalt  }
0x47: {  	_ =	shalt  }
0x48: {  	_ =	shalt  }
0x49: {  	_ =	shalt  }
0x4a: {  	_ =	shalt  }
0x4b: {  	_ =	shalt  }
0x4c: {  	_ =	shalt  }
0x4d: {  	_ =	shalt  }
0x4e: {  	_ =	shalt  }
0x4f: {  	_ =	shalt  }
0x50: {  	_ =	shalt  }
0x51: {  	_ =	shalt  }
0x52: {  	_ =	shalt  }
0x53: {  	_ =	shalt  }
0x54: {  	_ =	shalt  }
0x55: {  	_ =	shalt  }
0x56: {  	_ =	shalt  }
0x57: {  	_ =	shalt  }
0x58: {  	_ =	shalt  }
0x59: {  	_ =	shalt  }
0x5a: {  	_ =	shalt  }
0x5b: {  	_ =	shalt  }
0x5c: {  	_ =	shalt  }
0x5d: {  	_ =	shalt  }
0x5e: {  	_ =	shalt  }
0x5f: {  	_ =	shalt  }
0x60: {  	_ =	shalt  }
0x61: {  	_ =	shalt  }
0x62: {  	_ =	shalt  }
0x63: {  	_ =	shalt  }
0x64: {  	_ =	shalt  }
0x65: {  	_ =	shalt  }
0x66: {  	_ =	shalt  }
0x67: {  	_ =	shalt  }
0x68: {  	_ =	shalt  }
0x69: {  	_ =	shalt  }
0x6a: {  	_ =	shalt  }
0x6b: {  	_ =	shalt  }
0x6c: {  	_ =	shalt  }
0x6d: {  	_ =	shalt  }
0x6e: {  	_ =	shalt  }
0x6f: {  	_ =	shalt  }
0x70: {  	_ =	shalt  }
0x71: {  	_ =	shalt  }
0x72: {  	_ =	shalt  }
0x73: {  	_ =	shalt  }
0x74: {  	_ =	shalt  }
0x75: {  	_ =	shalt  }
0x76: {  	_ =	shalt  }
0x77: {  	_ =	shalt  }
0x78: {  	_ =	shalt  }
0x79: {  	_ =	shalt  }
0x7a: {  	_ =	shalt  }
0x7b: {  	_ =	shalt  }
0x7c: {  	_ =	shalt  }
0x7d: {  	_ =	shalt  }
0x7e: {  	_ =	shalt  }
0x7f: {  	_ =	shalt  }
0x80: {  	_ =	shalt  }
0x81: {  	_ =	shalt  }
0x82: {  	_ =	shalt  }
0x83: {  	_ =	shalt  }
0x84: {  	_ =	shalt  }
0x85: {  	_ =	shalt  }
0x86: {  	_ =	shalt  }
0x87: {  	_ =	shalt  }
.Lfunc_end0:
.L_simem_size_0:
called_computation_lowered:
.L_overlay_start_0:
0x88: {  	s2 =	sld [smem:$0x3FD9]  }
0x89: {  	s3 =	sld [smem:$0x3FFE];
	_ =	sdelay $0x1  }
0x8a: {  	s1 =	srdreg.scid  }
0x8b: {  	s0 =	sand.u32 $0x1, s1  }
0x8c: {  	s17 =	sshll.u32 s0, $0xA;
	s2 =	sadd.s32 s3, s2  }
0x8d: {  	s2 =	sadd.s32 s2, s17  }
0x8e: {  	[smem:$0x3FB3] =	sst s2  }
0x8f: {  	_ = 	snop  }
0x90: {  	s2 =	sld [smem:$0x3FD0];
	(tm) =	ssettm $0x1  }
0x91: {  	s18 =	sld [smem:$0x3FFB];
	_ =	sdelay $0x3  }
0x92: {  	_ =	strace s18  }
0x93: {  	s3 =	sld [smem:$0x3FFC];
	_ =	sdelay $0x3  }
0x94: {  	_ =	strace s3  }
0x95: {  	s3 =	sld [smem:$0x3FFD];
	_ =	sdelay $0x3  }
0x96: {  	_ =	strace s3  }
0x97: {  	_ =	strace $0x8FFFFFFF  }
0x98: {  	s19 =	sld [smem:$0x3FDB];
	_ =	sdelay $0x1  }
0x99: {  	s4 =	simm.s32 $_scs_section_size  }
0x9a: {  	s5 =	simm.s32 $_size__tile_overlayer_lowered;
	s6 =	simm.s32 $_tile_overlayer_lowered  }
0x9b: {  	s22 =	simm.s32 $0x1BFF;
	s21 =	sshll.u32 s6, $0x1;
	s3 =	sadd.s32 s4, s19  }
0x9c: {  	s7 =	simm.s32 $0x0;
	s20 =	sshll.u32 s5, $0x1;
	s5 =	sadd.s32 s21, s3  }
0x9d: {  	[timem:s7], [sflag:s22] =	dma.local [hbm:s5], s20  }
0x9e: {  	_ =	swait.ge [sflag:s22], s20  }
0x9f: {  	s4 =	ssub.s32 $0x0, s20;
	[sflag:s22] =	ssyncset.done $0x0  }
0xa0: {  	[sflag:s22] =	ssyncadd.s32 s4;
	_ =	sdelay $0x1  }
0xa1: {  	s23 =	simm.s32 $0x1B8B  }
0xa2: {  	_ =	swait.ge [sflag:s23], $0x1  }
0xa3: {  	[sflag:s23] =	ssyncset.done $0x0  }
0xa4: {  	s25 =	simm.s32 $0x1B8E;
	s24 =	sld [smem:$0x3FFE];
	[sflag:s23] =	ssyncadd.s32 $0xFFFFFFFF  }
0xa5: {  	s26 =	simm.s32 $execute0_lowered;
	[smem:$0x3FD2] =	sst s25  }
0xa6: {  	s5 =	sshll.u32 s26, $0x1;
	_ =	strace $0x80000046;
	[dreg:$0x1] =	wrdreg $0xFFFFFFFF  }
0xa7: {  	s28 =	simm.s32 $_size_execute0_lowered;
	s3 =	sadd.s32 s3, s5;
	[dreg:$0x0] =	wrdreg $0x0  }
0xa8: {  	s5 =	sshll.u32 s28, $0x1;
	[dreg:$0x2] =	wrdreg s3  }
0xa9: {  	[dreg:$0x3] =	wrdreg s5  }
0xaa: {  	[dreg:$0x4] =	wrdreg $0xC0  }
0xab: {  	_ =	task [dreg:s7], $0x5FFFF  }
0xac: {  	[dreg:$0x1] =	wrdreg $0xFFFFFFFF  }
0xad: {  	[dreg:$0x0] =	wrdreg $0x60  }
0xae: {  	[dreg:$0x2] =	wrdreg s24  }
0xaf: {  	[dreg:$0x3] =	wrdreg s2  }
0xb0: {  	[dreg:$0x4] =	wrdreg $0x0  }
0xb1: {  	[dreg:$0x5] =	wrdreg $0x9  }
0xb2: {  	_ =	task.clear_ibuf [dreg:s7], $0x6FFFF;
	_ =	strace $0x90000046  }
0xb3: {  	s29 =	simm.s32 $0x9;
	_ =	strace $0x80000048  }
0xb4: {  	_ =	swait.ge [sflag:s29], $0x1  }
0xb5: {  	[sflag:s29] =	ssyncadd.s32 $0xFFFFFFFF  }
0xb6: {  	_ =	strace $0x90000048  }
0xb7: {  	_ =	sfence  }
0xb8: {  	s30 =	sld [smem:$0x0];
	_ =	sdelay $0x2  }
0xb9: {  	s31 =	sshll.u32 s1, $0xD;
	s1 =	sshrl.u32 s1, $0x2  }
0xba: {  	s3 =	sand.u32 $0x4000, s31;
	s1 =	sadd.s32 s1, s30  }
0xbb: {  	s0 =	sor.u32 s3, s0;
	s1 =	sshll.u32 s1, $0x11  }
0xbc: {  	s0 =	sor.u32 s1, s0  }
0xbd: {  	s0 =	sadd.s32 $0x8F2B, s0  }
0xbe: {  	[sflag:s0] =	ssyncadd.remote.s32 $0x1  }
0xbf: {  	_ =	sfence.sel $0xFFFF  }
0xc0: {  	[dreg:$0x0] =	wrdreg $0xFFFFFFFF;
	(pc) =	sbr.abs _section_cstart, $3  }
0xc1: {  	[dreg:$0x1] =	wrdreg $0xFFFFFFFF  }
0xc2: {  	_ =	task.clear_ibuf [dreg:s7], $0x2FFFF;
	_ =	strace $0x9FFFFFFF  }
0xc3: {  	(tm) =	ssettm $0x7FFFFFFF  }
tec
execute0_lowered:
.L_overlay_start_1:
0x0: {  	(tag) =	ssettag $0x1  }
0x1: {  	s6 =	rddreg [dreg:$0x0]  }
0x2: {  	s1 =	rddreg [dreg:$0x1]  }
0x3: {  	s2 =	rddreg [dreg:$0x2]  }
0x4: {  	s0 =	rddreg [dreg:$0x3];
	s3 =	simm.s32 $0x0;
	s4 =	srdreg.scid  }
0x5: {  	s20 =	simm.s32 $0x14000;
	s21 =	simm.s32 $0x80;
	s7 =	sand.u32 $0x1, s4  }
0x6: {  	s22 =	simm.s32 $0x0;
	s4 =	stileid.u32;
	s5 =	smul.u32 $0xA000, s7  }
0x7: {  	[smem:$0x7FF] =	sst s3;
	s15 =	sadd.s32 $0x19C00, s6;
	s8 =	smul.u32 $0x50000, s4  }
0x8: {  	_ =	strace $0x80000047;
	s9 =	ssub.s32 $0x2, s7;
	s11 =	smul.u32 $0x14000, s4  }
0x9: {  	s14 =	smul.u32 $0x140000, s7;
	s31 =	sshll.u32 s4, $0x5;
	s10 =	sshrl.u32 s9, $0x1  }
0xa: {  	s17 =	sadd.s32 s5, s6;
	s5 =	sadd.s32 $0x19400, s6;
	s8 =	sshrl.u32 s8, $0x2  }
0xb: {  	s16 =	ssub.s32 s9, s10;
	s12 =	sadd.s32 $0x4000, s11;
	s13 =	sadd.s32 $0x8000, s11  }
0xc: {  	s18 =	sadd.s32 $0xC000, s11;
	s19 =	sadd.s32 $0x10000, s11;
	s11 =	sadd.s32 s11, s14  }
0xd: {  	s6 =	sadd.s32 s8, s2;
	s7 =	sadd.s32 s12, s2;
	s8 =	sadd.s32 s13, s2  }
0xe: {  	s9 =	sadd.s32 s18, s2;
	s10 =	sadd.s32 s19, s2;
	s11 =	sshrl.u32 s11, $0x3  }
0xf: {  	s12 =	sadd.s32 s14, s12;
	s13 =	sadd.s32 s14, s13;
	s18 =	sadd.s32 s14, s18  }
0x10: {  	s19 =	sadd.s32 s14, s19;
	s16 =	smax.u32 s16, $0x1;
	s17 =	sadd.s32 s31, s17  }
0x11: {  	s11 =	sadd.s32 s15, s11;
	s12 =	sshrl.u32 s12, $0x3;
	s13 =	sshrl.u32 s13, $0x3  }
0x12: {  	s18 =	sshrl.u32 s18, $0x3;
	s30 =	sshrl.u32 s19, $0x3;
	s17 =	sadd.s32 $0x5410, s17  }
0x13: {  	s19 =	simm.s32 $0x1;
	s12 =	sadd.s32 s15, s12;
	s13 =	sadd.s32 s15, s13  }
0x14: {  	s14 =	sadd.s32 s15, s18;
	s15 =	sadd.s32 s15, s30;
	s18 =	simm.s32 $0x14080  }
.LBB2_1:
0x15: {  	[tilespmem:s18], [sflag:$0x1] =	stream.linear.gather [hbm4b:s1+s3], $0x4000, $0x38;
	[tilespmem:$0x18080] =	vst v63  }
0x16: {  	_ =	swait.ge [sflag:s19], $0x4000  }
0x17: {  	[sflag:s19] =	ssyncset.done $0x0  }
0x18: {  	[sflag:s19] =	ssyncadd.s32 $0xFFFFC000  }
0x19: {  	[spmem:s6] =	stream.linear.scatter [tilespmem:s18], [sflag:$0x1], $0x4000, $0x38;
	[tilespmem:$0x18080] =	vst v63  }
0x1a: {  	_ =	swait.ge [sflag:s19], $0x4000  }
0x1b: {  	[sflag:s19] =	ssyncset.done $0x0  }
0x1c: {  	[sflag:s19] =	ssyncadd.s32 $0xFFFFC000  }
0x1d: {  	[spmem:s7] =	stream.linear.scatter [tilespmem:s18], [sflag:$0x1], $0x4000, $0x38;
	[tilespmem:$0x18080] =	vst v63  }
0x1e: {  	_ =	swait.ge [sflag:s19], $0x4000  }
0x1f: {  	[sflag:s19] =	ssyncset.done $0x0  }
0x20: {  	[sflag:s19] =	ssyncadd.s32 $0xFFFFC000  }
0x21: {  	[spmem:s8] =	stream.linear.scatter [tilespmem:s18], [sflag:$0x1], $0x4000, $0x38;
	[tilespmem:$0x18080] =	vst v63  }
0x22: {  	_ =	swait.ge [sflag:s19], $0x4000  }
0x23: {  	[sflag:s19] =	ssyncset.done $0x0  }
0x24: {  	[sflag:s19] =	ssyncadd.s32 $0xFFFFC000  }
0x25: {  	[spmem:s9] =	stream.linear.scatter [tilespmem:s18], [sflag:$0x1], $0x4000, $0x38;
	[tilespmem:$0x18080] =	vst v63  }
0x26: {  	_ =	swait.ge [sflag:s19], $0x4000  }
0x27: {  	[sflag:s19] =	ssyncset.done $0x0  }
0x28: {  	[sflag:s19] =	ssyncadd.s32 $0xFFFFC000  }
0x29: {  	[spmem:s10] =	stream.linear.scatter [tilespmem:s18], [sflag:$0x1], $0x4000, $0x38;
	[tilespmem:$0x18080] =	vst v63  }
0x2a: {  	_ =	swait.ge [sflag:s19], $0x4000  }
0x2b: {  	[sflag:s19] =	ssyncset.done $0x0  }
0x2c: {  	[sflag:s19] =	ssyncadd.s32 $0xFFFFC000  }
0x2d: {  	[tilespmem:s18], [sflag:$0x1] =	stream.linear.gather [hbm4b:s5+s3], $0x4000, $0x38;
	[tilespmem:$0x18080] =	vst v63  }
0x2e: {  	_ =	swait.ge [sflag:s19], $0x4000  }
0x2f: {  	[sflag:s19] =	ssyncset.done $0x0  }
0x30: {  	[sflag:s19] =	ssyncadd.s32 $0xFFFFC000  }
0x31: {  	s23 =	sadd.s32 $0x0, s17;
	[bflag:$0x0] =	sbarrier.arrive $0xFFFF  }
0x32: {  	[tilespmem:s20], [sflag:$0x1] =	stream.linear.gather [hbm4b:s23+s3], $0x80, $0x38;
	[tilespmem:$0x18080] =	vst v63  }
0x33: {  	_ =	swait.ge [sflag:s19], $0x80  }
0x34: {  	[sflag:s19] =	ssyncset.done $0x0  }
0x35: {  	[sflag:s19] =	ssyncadd.s32 $0xFFFFFF80  }
0x36: {  	[spmem:s2] =	stream.indirect.scatter.add.f32 [tilespmem:s18], [sflag:$0x1], $0x80, s20, s21, $0xb8;
	[tilespmem:$0x18080] =	vst v63  }
0x37: {  	_ =	swait.ge [sflag:s19], $0x4000  }
0x38: {  	s24 =	simm.s32 $0x400;
	s23 =	simm.s32 $0x200;
	[sflag:s19] =	ssyncset.done $0x0  }
.LBB2_2:
0x39: {  	s25 =	sadd.s32 s23, s17  }
0x3a: {  	[sflag:s19] =	ssyncadd.s32 $0xFFFFC000;
	s23 =	smov.u32 s24;
	s26 =	sadd.s32 $0x200, s24  }
0x3b: {  	[tilespmem:s20], [sflag:$0x1] =	stream.linear.gather [hbm4b:s25+s3], $0x80, $0x38;
	[tilespmem:$0x18080] =	vst v63  }
0x3c: {  	p0 =	sne.s32 s24, $0x9E00;
	_ =	swait.ge [sflag:s19], $0x80  }
.Ltmp0:
0x3d: {  	[sflag:s19] =	ssyncset.done $0x0;
	(pc) =	sbr.rel @p0 .LBB2_2-.Ltmp0, $4  }
0x3e: {  	[sflag:s19] =	ssyncadd.s32 $0xFFFFFF80  }
0x3f: {  	[spmem:s2] =	stream.indirect.scatter.add.f32 [tilespmem:s18], [sflag:$0x1], $0x80, s20, s21, $0xb8;
	[tilespmem:$0x18080] =	vst v63  }
0x40: {  	_ =	swait.ge [sflag:s19], $0x4000  }
0x41: {  	s24 =	smov.u32 s26;
	[sflag:s19] =	ssyncset.done $0x0  }
0x42: {  	s23 =	sadd.s32 s23, s17;
	[sflag:s19] =	ssyncadd.s32 $0xFFFFC000  }
0x43: {  	[tilespmem:s20], [sflag:$0x1] =	stream.linear.gather [hbm4b:s23+s3], $0x80, $0x38;
	[tilespmem:$0x18080] =	vst v63  }
0x44: {  	_ =	swait.ge [sflag:s19], $0x80  }
0x45: {  	[sflag:s19] =	ssyncset.done $0x0  }
0x46: {  	[sflag:s19] =	ssyncadd.s32 $0xFFFFFF80  }
0x47: {  	[spmem:s2] =	stream.indirect.scatter.add.f32 [tilespmem:s18], [sflag:$0x1], $0x80, s20, s21, $0xb8;
	[tilespmem:$0x18080] =	vst v63  }
0x48: {  	_ =	swait.ge [sflag:s19], $0x4000  }
0x49: {  	[sflag:s19] =	ssyncset.done $0x0  }
0x4a: {  	[sflag:s19] =	ssyncadd.s32 $0xFFFFC000  }
0x4b: {  	[bflag:$0x0] =	sbarrier.arrive $0xFFFF  }
0x4c: {  	[tilespmem:s18], [sflag:$0x1] =	stream.linear.gather [spmem:s6], $0x4000, $0x38;
	[tilespmem:$0x18080] =	vst v63  }
0x4d: {  	_ =	swait.ge [sflag:s19], $0x4000  }
0x4e: {  	[sflag:s19] =	ssyncset.done $0x0  }
0x4f: {  	[sflag:s19] =	ssyncadd.s32 $0xFFFFC000  }
0x50: {  	[hbm4b:s11+s3] =	stream.linear.scatter [tilespmem:s18], [sflag:$0x1], $0x4000, $0x38;
	[tilespmem:$0x18080] =	vst v63  }
0x51: {  	_ =	swait.ge [sflag:s19], $0x4000  }
0x52: {  	[sflag:s19] =	ssyncset.done $0x0  }
0x53: {  	[sflag:s19] =	ssyncadd.s32 $0xFFFFC000  }
0x54: {  	[tilespmem:s18], [sflag:$0x1] =	stream.linear.gather [spmem:s7], $0x4000, $0x38;
	[tilespmem:$0x18080] =	vst v63  }
0x55: {  	_ =	swait.ge [sflag:s19], $0x4000  }
0x56: {  	[sflag:s19] =	ssyncset.done $0x0  }
0x57: {  	[sflag:s19] =	ssyncadd.s32 $0xFFFFC000  }
0x58: {  	[hbm4b:s12+s3] =	stream.linear.scatter [tilespmem:s18], [sflag:$0x1], $0x4000, $0x38;
	[tilespmem:$0x18080] =	vst v63  }
0x59: {  	_ =	swait.ge [sflag:s19], $0x4000  }
0x5a: {  	[sflag:s19] =	ssyncset.done $0x0  }
0x5b: {  	[sflag:s19] =	ssyncadd.s32 $0xFFFFC000  }
0x5c: {  	[tilespmem:s18], [sflag:$0x1] =	stream.linear.gather [spmem:s8], $0x4000, $0x38;
	[tilespmem:$0x18080] =	vst v63  }
0x5d: {  	_ =	swait.ge [sflag:s19], $0x4000  }
0x5e: {  	[sflag:s19] =	ssyncset.done $0x0  }
0x5f: {  	[sflag:s19] =	ssyncadd.s32 $0xFFFFC000  }
0x60: {  	[hbm4b:s13+s3] =	stream.linear.scatter [tilespmem:s18], [sflag:$0x1], $0x4000, $0x38;
	[tilespmem:$0x18080] =	vst v63  }
0x61: {  	_ =	swait.ge [sflag:s19], $0x4000  }
0x62: {  	[sflag:s19] =	ssyncset.done $0x0  }
0x63: {  	[sflag:s19] =	ssyncadd.s32 $0xFFFFC000  }
0x64: {  	[tilespmem:s18], [sflag:$0x1] =	stream.linear.gather [spmem:s9], $0x4000, $0x38;
	[tilespmem:$0x18080] =	vst v63  }
0x65: {  	_ =	swait.ge [sflag:s19], $0x4000  }
0x66: {  	[sflag:s19] =	ssyncset.done $0x0  }
0x67: {  	[sflag:s19] =	ssyncadd.s32 $0xFFFFC000  }
0x68: {  	[hbm4b:s14+s3] =	stream.linear.scatter [tilespmem:s18], [sflag:$0x1], $0x4000, $0x38;
	[tilespmem:$0x18080] =	vst v63  }
0x69: {  	_ =	swait.ge [sflag:s19], $0x4000  }
0x6a: {  	[sflag:s19] =	ssyncset.done $0x0  }
0x6b: {  	[sflag:s19] =	ssyncadd.s32 $0xFFFFC000  }
0x6c: {  	[tilespmem:s18], [sflag:$0x1] =	stream.linear.gather [spmem:s10], $0x4000, $0x38;
	[tilespmem:$0x18080] =	vst v63  }
0x6d: {  	s22 =	sadd.s32 $0x1, s22;
	_ =	swait.ge [sflag:s19], $0x4000  }
0x6e: {  	p0 =	sne.s32 s22, s16;
	[sflag:s19] =	ssyncset.done $0x0  }
.Ltmp1:
0x6f: {  	[sflag:s19] =	ssyncadd.s32 $0xFFFFC000;
	(pc) =	sbr.rel @p0 .LBB2_1-.Ltmp1, $4  }
0x70: {  	[hbm4b:s15+s3] =	stream.linear.scatter [tilespmem:s18], [sflag:$0x1], $0x4000, $0x38;
	[tilespmem:$0x18080] =	vst v63  }
0x71: {  	_ =	swait.ge [sflag:s19], $0x4000  }
0x72: {  	[sflag:s19] =	ssyncset.done $0x0  }
0x73: {  	[sflag:s19] =	ssyncadd.s32 $0xFFFFC000  }
0x74: {  	_ =	sfence.sel $0x180000  }
0x75: {  	[bflag:$0x0] =	sbarrier.arrive $0xFFFF  }
0x76: {  	p0 =	sne.s32 s4, $0x0;
	_ =	strace $0x90000047  }
0x77: {  	s0 =	sadd.s32 @!p0 $0x100000, s0;
	[bflag:$0x2] =	sbarrier.arrive $0xFFFF  }
0x78: {  	[sflag:s0] =	ssyncadd.tile.s32 @!p0 $0x1;
	_ =	shalt  }
.Lfunc_end2:
_tile_overlayer_lowered:
.L_overlay_start_2:
0x79: {  	(tag) =	ssettag $0x2  }
0x7a: {  	s0 =	rddreg [dreg:$0x0];
	s2 =	stileid.u32  }
0x7b: {  	s1 =	rddreg [dreg:$0x1];
	p0 =	sne.s32 s2, $0x0  }
0x7c: {  	s3 =	rddreg [dreg:$0x2];
	[bflag:$0x3] =	sbarrier.arrive $0xFFFF;
	s2 =	simm.s32 @!p0 $0x1C01  }
0x7d: {  	[timem:s3], [sflag:s2] =	dma.local @!p0 [hbm:s0], s1  }
0x7e: {  	s0 =	simm.s32 @!p0 $0x1  }
0x7f: {  	_ =	swait.ge @!p0 [sflag:s0], s1  }
0x80: {  	s1 =	ssub.s32 @!p0 $0x0, s1;
	[sflag:s0] =	ssyncset.done @!p0 $0x0  }
0x81: {  	[sflag:s0] =	ssyncadd.s32 @!p0 s1  }
0x82: {  	[bflag:$0x3] =	sbarrier.arrive $0xFFFF  }
0x83: {  	_ =	shalt  }

// kernel: sc_segsum_d128.11.cloned.1.call-start
scs
__scs_entry_jumppad:
0x0: {  	(pc) =	sbr.rel $0x88, $3  }
0x1: {  	(tag) =	ssettag $0x0;
	lr =	simm.s32 $0x1  }
0x2: {  	[smem:$0x3F8C] =	sst lr;
	_ =	strace $0xD0000000  }
0x3: {  	_ = 	snop  }
0x4: {  	_ = 	snop  }
0x5: {  	_ = 	snop  }
0x6: {  	_ = 	snop  }
0x7: {  	_ = 	snop  }
__scs_overlays_trampoline_lowered:
0x8: {  	[smem:$0x3F9B] =	sst s0  }
0x9: {  	[smem:$0x3F9C] =	sst s1  }
0xa: {  	[smem:$0x3F9D] =	sst s2  }
0xb: {  	[smem:$0x3F9E] =	sst s3  }
0xc: {  	[smem:$0x3F9F] =	sst s4  }
0xd: {  	[smem:$0x3FA0] =	sst s5  }
0xe: {  	[smem:$0x3FA1] =	sst s6  }
0xf: {  	[smem:$0x3FA2] =	sst s7  }
0x10: {  	[smem:$0x3FA3] =	sst s8  }
0x11: {  	[smem:$0x3FA4] =	sst s9;
	s0 =	simm.s32 @!p0 $0x0  }
0x12: {  	s1 =	sld [smem:$0x3F8A];
	s0 =	simm.s32 @p0 $0x1  }
0x13: {  	[smem:$0x3FA5] =	sst s0;
	s0 =	simm.s32 @!p1 $0x0  }
0x14: {  	s2 =	sld [smem:$0x3F89];
	s0 =	simm.s32 @p1 $0x1  }
0x15: {  	[smem:$0x3FA6] =	sst s0;
	s0 =	simm.s32 @!p2 $0x0  }
0x16: {  	s3 =	sld [smem:$0x3FDB];
	s0 =	simm.s32 @p2 $0x1  }
0x17: {  	s4 =	simm.s32 $0x1BF5;
	[smem:$0x3FA8] =	sst s0  }
0x18: {  	s0 =	sld [smem:$0x3F8B];
	_ =	swait.ge [sflag:s4], $0x0  }
0x19: {  	s7 =	sld [smem:$0x3F8C]  }
0x1a: {  	s8 =	sadd.s32 $0xFFFFE003, lr  }
0x1b: {  	s9 =	sadd.s32 $0xFFFFFEF7, lr;
	s5 =	simm.s32 $0xFFFFFFFF;
	p2 =	slt.u32 s8, $0xFFFFF086  }
0x1c: {  	p1 =	slt.u32 s9, $0xF7A;
	s5 =	simm.s32 @!p2 $0x0  }
0x1d: {  	s5 =	simm.s32 @p1 $0x1;
	p0 =	seq.s32 s7, s2  }
0x1e: {  	s7 =	smul.u32 @!p0 $0xF7A, s2;
	p2 =	seq.s32 @!p0 s5, $0x0  }
0x1f: {  	s9 =	smul.u32 $0xF7A, s1;
	s8 =	simm.s32 @!p0 $0x1BF5;
	p2 =	por !p2, p0  }
0x20: {  	[sflag:s8] =	ssyncset.s32 @!p0 $0xFFFFF086;
	s6 =	sadd.s32 @!p0 s3, s7;
	s7 =	simm.s32 @!p0 $0x108  }
0x21: {  	s3 =	sadd.s32 s3, s9;
	s6 =	sadd.s32 @!p0 $0x88, s6;
	s7 =	simm.s32 @p2 $0x1082  }
0x22: {  	[simem:s7], [sflag:s8] =	dma.local @!p0 [hbm:s6], $0xF7A  }
0x23: {  	s9 =	sor.u32 $0xD0000000, s2;
	s6 =	simm.s32 $0x108;
	_ =	swait.ge @!p0 [sflag:s8], $0x0  }
0x24: {  	s3 =	sadd.s32 $0x88, s3;
	s6 =	simm.s32 @!p1 $0x1082;
	[sflag:s4] =	ssyncset.s32 $0xFFFFF086  }
0x25: {  	[simem:s6], [sflag:s4] =	dma.local [hbm:s3], $0xF7A  }
0x26: {  	[smem:$0x3F8C] =	sst s1;
	(tag) =	ssettag s2;
	_ =	strace s9  }
0x27: {  	s1 =	sld [smem:$0x3F9C]  }
0x28: {  	s2 =	sld [smem:$0x3F9D]  }
0x29: {  	s4 =	sld [smem:$0x3F9F]  }
0x2a: {  	p0 =	seq.s32 s5, $0x0;
	s5 =	sld [smem:$0x3FA0]  }
0x2b: {  	s6 =	sld [smem:$0x3FA1]  }
0x2c: {  	s7 =	sld [smem:$0x3FA2]  }
0x2d: {  	s3 =	simm.s32 $0x108;
	s8 =	sld [smem:$0x3FA3]  }
0x2e: {  	s3 =	simm.s32 @!p0 $0x1082;
	s9 =	sld [smem:$0x3FA4]  }
0x2f: {  	lr =	sadd.s32 s0, s3;
	s0 =	sld [smem:$0x3F9B]  }
0x30: {  	s3 =	sld [smem:$0x3F9E]  }
0x31: {  	[smem:$0x3FA7] =	sst s10  }
0x32: {  	s10 =	sld [smem:$0x3FA5];
	_ =	sdelay $0x3  }
0x33: {  	p0 =	seq.s32 s10, $0x1;
	s10 =	sld [smem:$0x3FA7];
	_ =	sdelay $0x3  }
0x34: {  	[smem:$0x3FA7] =	sst s10  }
0x35: {  	s10 =	sld [smem:$0x3FA6];
	_ =	sdelay $0x3  }
0x36: {  	p1 =	seq.s32 s10, $0x1;
	s10 =	sld [smem:$0x3FA7];
	_ =	sdelay $0x3  }
0x37: {  	[smem:$0x3FA7] =	sst s10  }
0x38: {  	s10 =	sld [smem:$0x3FA8]  }
0x39: {  	_ = 	snop;
	(pc) =	sbr.ind lr, $3  }
0x3a: {  	_ = 	snop  }
0x3b: {  	_ = 	snop  }
0x3c: {  	p2 =	seq.s32 s10, $0x1;
	s10 =	sld [smem:$0x3FA7]  }
0x3d: {  	_ =	shalt  }
0x3e: {  	_ =	shalt  }
0x3f: {  	_ =	shalt  }
0x40: {  	_ =	shalt  }
0x41: {  	_ =	shalt  }
0x42: {  	_ =	shalt  }
0x43: {  	_ =	shalt  }
0x44: {  	_ =	shalt  }
0x45: {  	_ =	shalt  }
0x46: {  	_ =	shalt  }
0x47: {  	_ =	shalt  }
0x48: {  	_ =	shalt  }
0x49: {  	_ =	shalt  }
0x4a: {  	_ =	shalt  }
0x4b: {  	_ =	shalt  }
0x4c: {  	_ =	shalt  }
0x4d: {  	_ =	shalt  }
0x4e: {  	_ =	shalt  }
0x4f: {  	_ =	shalt  }
0x50: {  	_ =	shalt  }
0x51: {  	_ =	shalt  }
0x52: {  	_ =	shalt  }
0x53: {  	_ =	shalt  }
0x54: {  	_ =	shalt  }
0x55: {  	_ =	shalt  }
0x56: {  	_ =	shalt  }
0x57: {  	_ =	shalt  }
0x58: {  	_ =	shalt  }
0x59: {  	_ =	shalt  }
0x5a: {  	_ =	shalt  }
0x5b: {  	_ =	shalt  }
0x5c: {  	_ =	shalt  }
0x5d: {  	_ =	shalt  }
0x5e: {  	_ =	shalt  }
0x5f: {  	_ =	shalt  }
0x60: {  	_ =	shalt  }
0x61: {  	_ =	shalt  }
0x62: {  	_ =	shalt  }
0x63: {  	_ =	shalt  }
0x64: {  	_ =	shalt  }
0x65: {  	_ =	shalt  }
0x66: {  	_ =	shalt  }
0x67: {  	_ =	shalt  }
0x68: {  	_ =	shalt  }
0x69: {  	_ =	shalt  }
0x6a: {  	_ =	shalt  }
0x6b: {  	_ =	shalt  }
0x6c: {  	_ =	shalt  }
0x6d: {  	_ =	shalt  }
0x6e: {  	_ =	shalt  }
0x6f: {  	_ =	shalt  }
0x70: {  	_ =	shalt  }
0x71: {  	_ =	shalt  }
0x72: {  	_ =	shalt  }
0x73: {  	_ =	shalt  }
0x74: {  	_ =	shalt  }
0x75: {  	_ =	shalt  }
0x76: {  	_ =	shalt  }
0x77: {  	_ =	shalt  }
0x78: {  	_ =	shalt  }
0x79: {  	_ =	shalt  }
0x7a: {  	_ =	shalt  }
0x7b: {  	_ =	shalt  }
0x7c: {  	_ =	shalt  }
0x7d: {  	_ =	shalt  }
0x7e: {  	_ =	shalt  }
0x7f: {  	_ =	shalt  }
0x80: {  	_ =	shalt  }
0x81: {  	_ =	shalt  }
0x82: {  	_ =	shalt  }
0x83: {  	_ =	shalt  }
0x84: {  	_ =	shalt  }
0x85: {  	_ =	shalt  }
0x86: {  	_ =	shalt  }
0x87: {  	_ =	shalt  }
.Lfunc_end0:
.L_simem_size_0:
called_computation.3_lowered:
.L_overlay_start_0:
0x88: {  	s2 =	sld [smem:$0x3FD9]  }
0x89: {  	s3 =	sld [smem:$0x3FFE];
	_ =	sdelay $0x1  }
0x8a: {  	s1 =	srdreg.scid  }
0x8b: {  	s0 =	sand.u32 $0x1, s1  }
0x8c: {  	s17 =	sshll.u32 s0, $0xA;
	s2 =	sadd.s32 s3, s2  }
0x8d: {  	s2 =	sadd.s32 s2, s17  }
0x8e: {  	[smem:$0x3FB3] =	sst s2  }
0x8f: {  	_ = 	snop  }
0x90: {  	s2 =	sld [smem:$0x3FD0];
	(tm) =	ssettm $0x1  }
0x91: {  	s18 =	sld [smem:$0x3FFB];
	_ =	sdelay $0x3  }
0x92: {  	_ =	strace s18  }
0x93: {  	s3 =	sld [smem:$0x3FFC];
	_ =	sdelay $0x3  }
0x94: {  	_ =	strace s3  }
0x95: {  	s3 =	sld [smem:$0x3FFD];
	_ =	sdelay $0x3  }
0x96: {  	_ =	strace s3  }
0x97: {  	_ =	strace $0x8FFFFFFF  }
0x98: {  	s19 =	sld [smem:$0x3FDB];
	_ =	sdelay $0x1  }
0x99: {  	s4 =	simm.s32 $_scs_section_size  }
0x9a: {  	s5 =	simm.s32 $_size__tile_overlayer_lowered;
	s6 =	simm.s32 $_tile_overlayer_lowered  }
0x9b: {  	s22 =	simm.s32 $0x1BFF;
	s21 =	sshll.u32 s6, $0x1;
	s3 =	sadd.s32 s4, s19  }
0x9c: {  	s7 =	simm.s32 $0x0;
	s20 =	sshll.u32 s5, $0x1;
	s5 =	sadd.s32 s21, s3  }
0x9d: {  	[timem:s7], [sflag:s22] =	dma.local [hbm:s5], s20  }
0x9e: {  	_ =	swait.ge [sflag:s22], s20  }
0x9f: {  	s4 =	ssub.s32 $0x0, s20;
	[sflag:s22] =	ssyncset.done $0x0  }
0xa0: {  	[sflag:s22] =	ssyncadd.s32 s4;
	_ =	sdelay $0x1  }
0xa1: {  	s23 =	simm.s32 $0x1B8B  }
0xa2: {  	_ =	swait.ge [sflag:s23], $0x1  }
0xa3: {  	[sflag:s23] =	ssyncset.done $0x0  }
0xa4: {  	s25 =	simm.s32 $0x1B8E;
	s24 =	sld [smem:$0x3FFE];
	[sflag:s23] =	ssyncadd.s32 $0xFFFFFFFF  }
0xa5: {  	s26 =	simm.s32 $execute0_lowered;
	[smem:$0x3FD2] =	sst s25  }
0xa6: {  	s5 =	sshll.u32 s26, $0x1;
	_ =	strace $0x8000004F;
	[dreg:$0x1] =	wrdreg $0xFFFFFFFF  }
0xa7: {  	s28 =	simm.s32 $_size_execute0_lowered;
	s3 =	sadd.s32 s3, s5;
	[dreg:$0x0] =	wrdreg $0x0  }
0xa8: {  	s5 =	sshll.u32 s28, $0x1;
	[dreg:$0x2] =	wrdreg s3  }
0xa9: {  	[dreg:$0x3] =	wrdreg s5  }
0xaa: {  	[dreg:$0x4] =	wrdreg $0xC0  }
0xab: {  	_ =	task [dreg:s7], $0x5FFFF  }
0xac: {  	[dreg:$0x1] =	wrdreg $0xFFFFFFFF  }
0xad: {  	[dreg:$0x0] =	wrdreg $0x60  }
0xae: {  	[dreg:$0x2] =	wrdreg s24  }
0xaf: {  	[dreg:$0x3] =	wrdreg s2  }
0xb0: {  	[dreg:$0x4] =	wrdreg $0x0  }
0xb1: {  	[dreg:$0x5] =	wrdreg $0x9  }
0xb2: {  	_ =	task.clear_ibuf [dreg:s7], $0x6FFFF;
	_ =	strace $0x9000004F  }
0xb3: {  	s29 =	simm.s32 $0x9;
	_ =	strace $0x80000051  }
0xb4: {  	_ =	swait.ge [sflag:s29], $0x1  }
0xb5: {  	[sflag:s29] =	ssyncadd.s32 $0xFFFFFFFF  }
0xb6: {  	_ =	strace $0x90000051  }
0xb7: {  	_ =	sfence  }
0xb8: {  	s30 =	sld [smem:$0x0];
	_ =	sdelay $0x2  }
0xb9: {  	s31 =	sshll.u32 s1, $0xD;
	s1 =	sshrl.u32 s1, $0x2  }
0xba: {  	s3 =	sand.u32 $0x4000, s31;
	s1 =	sadd.s32 s1, s30  }
0xbb: {  	s0 =	sor.u32 s3, s0;
	s1 =	sshll.u32 s1, $0x11  }
0xbc: {  	s0 =	sor.u32 s1, s0  }
0xbd: {  	s0 =	sadd.s32 $0x8F2B, s0  }
0xbe: {  	[sflag:s0] =	ssyncadd.remote.s32 $0x1  }
0xbf: {  	_ =	sfence.sel $0xFFFF  }
0xc0: {  	[dreg:$0x0] =	wrdreg $0xFFFFFFFF;
	(pc) =	sbr.abs _section_cstart, $3  }
0xc1: {  	[dreg:$0x1] =	wrdreg $0xFFFFFFFF  }
0xc2: {  	_ =	task.clear_ibuf [dreg:s7], $0x2FFFF;
	_ =	strace $0x9FFFFFFF  }
0xc3: {  	(tm) =	ssettm $0x7FFFFFFF  }
tec
execute0_lowered:
.L_overlay_start_1:
0x0: {  	(tag) =	ssettag $0x1  }
0x1: {  	s6 =	rddreg [dreg:$0x0]  }
0x2: {  	s1 =	rddreg [dreg:$0x1]  }
0x3: {  	s2 =	rddreg [dreg:$0x2]  }
0x4: {  	s3 =	srdreg.scid;
	s0 =	rddreg [dreg:$0x3]  }
0x5: {  	s4 =	simm.s32 $0x0;
	s20 =	simm.s32 $0x14000;
	s21 =	simm.s32 $0x14080  }
0x6: {  	s22 =	simm.s32 $0x80;
	s23 =	simm.s32 $0x1;
	s8 =	sand.u32 $0x1, s3  }
0x7: {  	s24 =	simm.s32 $0x0;
	s3 =	stileid.u32;
	s7 =	smul.u32 $0xA000, s8  }
0x8: {  	[smem:$0x7FF] =	sst s4;
	s5 =	sadd.s32 $0x69C00, s6;
	s9 =	smul.u32 $0x50000, s3  }
0x9: {  	s15 =	sadd.s32 $0x90E00, s6;
	_ =	strace $0x80000050;
	s11 =	smul.u32 $0x14000, s3  }
0xa: {  	s28 =	ssub.s32 $0x2, s8;
	s18 =	smul.u32 $0x140000, s8;
	s30 =	sshll.u32 s3, $0x5  }
0xb: {  	s29 =	sshrl.u32 s28, $0x1;
	s16 =	sadd.s32 s7, s6;
	s9 =	sshrl.u32 s9, $0x2  }
0xc: {  	s12 =	sadd.s32 $0x4000, s11;
	s17 =	ssub.s32 s28, s29;
	s13 =	sadd.s32 $0x8000, s11  }
0xd: {  	s14 =	sadd.s32 $0xC000, s11;
	s19 =	sadd.s32 $0x10000, s11;
	s11 =	sadd.s32 s11, s18  }
0xe: {  	s6 =	sadd.s32 s9, s2;
	s7 =	sadd.s32 s12, s2;
	s8 =	sadd.s32 s13, s2  }
0xf: {  	s9 =	sadd.s32 s14, s2;
	s10 =	sadd.s32 s19, s2;
	s12 =	sadd.s32 s18, s12  }
0x10: {  	s11 =	sshrl.u32 s11, $0x3;
	s13 =	sadd.s32 s18, s13;
	s14 =	sadd.s32 s18, s14  }
0x11: {  	s18 =	sadd.s32 s18, s19;
	s31 =	sadd.s32 s30, s16;
	s16 =	smax.u32 s17, $0x1  }
0x12: {  	s19 =	simm.s32 $0x2;
	s12 =	sshrl.u32 s12, $0x3;
	s11 =	sadd.s32 s15, s11  }
0x13: {  	s13 =	sshrl.u32 s13, $0x3;
	s14 =	sshrl.u32 s14, $0x3;
	s18 =	sshrl.u32 s18, $0x3  }
0x14: {  	s17 =	sadd.s32 $0x5400, s31;
	s12 =	sadd.s32 s15, s12;
	s13 =	sadd.s32 s15, s13  }
0x15: {  	s14 =	sadd.s32 s15, s14;
	s15 =	sadd.s32 s15, s18;
	s18 =	simm.s32 $0x14100  }
.LBB2_1:
0x16: {  	[tilespmem:s18], [sflag:$0x2] =	stream.linear.gather [hbm4b:s1+s4], $0x4000, $0x38;
	[tilespmem:$0x18100] =	vst v63  }
0x17: {  	_ =	swait.ge [sflag:s19], $0x4000  }
0x18: {  	[sflag:s19] =	ssyncset.done $0x0  }
0x19: {  	[sflag:s19] =	ssyncadd.s32 $0xFFFFC000  }
0x1a: {  	[spmem:s6] =	stream.linear.scatter [tilespmem:s18], [sflag:$0x2], $0x4000, $0x38;
	[tilespmem:$0x18100] =	vst v63  }
0x1b: {  	_ =	swait.ge [sflag:s19], $0x4000  }
0x1c: {  	[sflag:s19] =	ssyncset.done $0x0  }
0x1d: {  	[sflag:s19] =	ssyncadd.s32 $0xFFFFC000  }
0x1e: {  	[spmem:s7] =	stream.linear.scatter [tilespmem:s18], [sflag:$0x2], $0x4000, $0x38;
	[tilespmem:$0x18100] =	vst v63  }
0x1f: {  	_ =	swait.ge [sflag:s19], $0x4000  }
0x20: {  	[sflag:s19] =	ssyncset.done $0x0  }
0x21: {  	[sflag:s19] =	ssyncadd.s32 $0xFFFFC000  }
0x22: {  	[spmem:s8] =	stream.linear.scatter [tilespmem:s18], [sflag:$0x2], $0x4000, $0x38;
	[tilespmem:$0x18100] =	vst v63  }
0x23: {  	_ =	swait.ge [sflag:s19], $0x4000  }
0x24: {  	[sflag:s19] =	ssyncset.done $0x0  }
0x25: {  	[sflag:s19] =	ssyncadd.s32 $0xFFFFC000  }
0x26: {  	[spmem:s9] =	stream.linear.scatter [tilespmem:s18], [sflag:$0x2], $0x4000, $0x38;
	[tilespmem:$0x18100] =	vst v63  }
0x27: {  	_ =	swait.ge [sflag:s19], $0x4000  }
0x28: {  	[sflag:s19] =	ssyncset.done $0x0  }
0x29: {  	[sflag:s19] =	ssyncadd.s32 $0xFFFFC000  }
0x2a: {  	[spmem:s10] =	stream.linear.scatter [tilespmem:s18], [sflag:$0x2], $0x4000, $0x38;
	[tilespmem:$0x18100] =	vst v63  }
0x2b: {  	_ =	swait.ge [sflag:s19], $0x4000  }
0x2c: {  	[sflag:s19] =	ssyncset.done $0x0  }
0x2d: {  	[sflag:s19] =	ssyncadd.s32 $0xFFFFC000  }
0x2e: {  	s25 =	sadd.s32 $0x0, s17;
	[bflag:$0x0] =	sbarrier.arrive $0xFFFF  }
0x2f: {  	[tilespmem:s20], [sflag:$0x2] =	stream.linear.gather [hbm4b:s25+s4], $0x80, $0x38;
	[tilespmem:$0x18100] =	vst v63  }
0x30: {  	_ =	swait.ge [sflag:s19], $0x80  }
0x31: {  	[sflag:s19] =	ssyncset.done $0x0  }
0x32: {  	s25 =	sadd.s32 $0x10, s25;
	[sflag:s19] =	ssyncadd.s32 $0xFFFFFF80  }
0x33: {  	[tilespmem:s21], [sflag:$0x2] =	stream.linear.gather [hbm4b:s25+s4], $0x80, $0x38;
	[tilespmem:$0x18100] =	vst v63  }
0x34: {  	_ =	swait.ge [sflag:s19], $0x80  }
0x35: {  	[sflag:s19] =	ssyncset.done $0x0  }
0x36: {  	[sflag:s19] =	ssyncadd.s32 $0xFFFFFF80  }
0x37: {  	[tilespmem:s18], [sflag:$0x1] =	stream.indirect.gather [hbm4b:s5+s22], $0x80, s20, s22, $0xb8;
	[tilespmem:$0x18100] =	vst v63  }
0x38: {  	_ =	swait.ge [sflag:s23], $0x4000  }
0x39: {  	[sflag:s23] =	ssyncset.done $0x0  }
0x3a: {  	[sflag:s23] =	ssyncadd.s32 $0xFFFFC000  }
0x3b: {  	[spmem:s2] =	stream.indirect.scatter.add.f32 [tilespmem:s18], [sflag:$0x2], $0x80, s21, s22, $0xb8;
	[tilespmem:$0x18100] =	vst v63  }
0x3c: {  	_ =	swait.ge [sflag:s19], $0x4000  }
0x3d: {  	s26 =	simm.s32 $0x400;
	s25 =	simm.s32 $0x200;
	[sflag:s19] =	ssyncset.done $0x0  }
.LBB2_2:
0x3e: {  	s28 =	sadd.s32 s25, s17  }
0x3f: {  	[sflag:s19] =	ssyncadd.s32 $0xFFFFC000;
	s25 =	smov.u32 s26;
	s29 =	sadd.s32 $0x200, s26  }
0x40: {  	[tilespmem:s20], [sflag:$0x2] =	stream.linear.gather [hbm4b:s28+s4], $0x80, $0x38;
	[tilespmem:$0x18100] =	vst v63  }
0x41: {  	p0 =	sne.s32 s26, $0x9E00;
	_ =	swait.ge [sflag:s19], $0x80  }
0x42: {  	[sflag:s19] =	ssyncset.done $0x0  }
0x43: {  	s26 =	sadd.s32 $0x10, s28;
	[sflag:s19] =	ssyncadd.s32 $0xFFFFFF80  }
0x44: {  	[tilespmem:s21], [sflag:$0x2] =	stream.linear.gather [hbm4b:s26+s4], $0x80, $0x38;
	[tilespmem:$0x18100] =	vst v63  }
0x45: {  	_ =	swait.ge [sflag:s19], $0x80  }
0x46: {  	[sflag:s19] =	ssyncset.done $0x0  }
0x47: {  	[sflag:s19] =	ssyncadd.s32 $0xFFFFFF80  }
0x48: {  	[tilespmem:s18], [sflag:$0x1] =	stream.indirect.gather [hbm4b:s5+s22], $0x80, s20, s22, $0xb8;
	[tilespmem:$0x18100] =	vst v63  }
0x49: {  	_ =	swait.ge [sflag:s23], $0x4000  }
.Ltmp0:
0x4a: {  	[sflag:s23] =	ssyncset.done $0x0;
	(pc) =	sbr.rel @p0 .LBB2_2-.Ltmp0, $4  }
0x4b: {  	[sflag:s23] =	ssyncadd.s32 $0xFFFFC000  }
0x4c: {  	[spmem:s2] =	stream.indirect.scatter.add.f32 [tilespmem:s18], [sflag:$0x2], $0x80, s21, s22, $0xb8;
	[tilespmem:$0x18100] =	vst v63  }
0x4d: {  	_ =	swait.ge [sflag:s19], $0x4000  }
0x4e: {  	s26 =	smov.u32 s29;
	[sflag:s19] =	ssyncset.done $0x0  }
0x4f: {  	s25 =	sadd.s32 s25, s17;
	[sflag:s19] =	ssyncadd.s32 $0xFFFFC000  }
0x50: {  	[tilespmem:s20], [sflag:$0x2] =	stream.linear.gather [hbm4b:s25+s4], $0x80, $0x38;
	[tilespmem:$0x18100] =	vst v63  }
0x51: {  	_ =	swait.ge [sflag:s19], $0x80  }
0x52: {  	[sflag:s19] =	ssyncset.done $0x0  }
0x53: {  	s25 =	sadd.s32 $0x10, s25;
	[sflag:s19] =	ssyncadd.s32 $0xFFFFFF80  }
0x54: {  	[tilespmem:s21], [sflag:$0x2] =	stream.linear.gather [hbm4b:s25+s4], $0x80, $0x38;
	[tilespmem:$0x18100] =	vst v63  }
0x55: {  	_ =	swait.ge [sflag:s19], $0x80  }
0x56: {  	[sflag:s19] =	ssyncset.done $0x0  }
0x57: {  	[sflag:s19] =	ssyncadd.s32 $0xFFFFFF80  }
0x58: {  	[tilespmem:s18], [sflag:$0x1] =	stream.indirect.gather [hbm4b:s5+s22], $0x80, s20, s22, $0xb8;
	[tilespmem:$0x18100] =	vst v63  }
0x59: {  	_ =	swait.ge [sflag:s23], $0x4000  }
0x5a: {  	[sflag:s23] =	ssyncset.done $0x0  }
0x5b: {  	[sflag:s23] =	ssyncadd.s32 $0xFFFFC000  }
0x5c: {  	[spmem:s2] =	stream.indirect.scatter.add.f32 [tilespmem:s18], [sflag:$0x2], $0x80, s21, s22, $0xb8;
	[tilespmem:$0x18100] =	vst v63  }
0x5d: {  	_ =	swait.ge [sflag:s19], $0x4000  }
0x5e: {  	[sflag:s19] =	ssyncset.done $0x0  }
0x5f: {  	[sflag:s19] =	ssyncadd.s32 $0xFFFFC000  }
0x60: {  	[bflag:$0x0] =	sbarrier.arrive $0xFFFF  }
0x61: {  	[tilespmem:s18], [sflag:$0x2] =	stream.linear.gather [spmem:s6], $0x4000, $0x38;
	[tilespmem:$0x18100] =	vst v63  }
0x62: {  	_ =	swait.ge [sflag:s19], $0x4000  }
0x63: {  	[sflag:s19] =	ssyncset.done $0x0  }
0x64: {  	[sflag:s19] =	ssyncadd.s32 $0xFFFFC000  }
0x65: {  	[hbm4b:s11+s4] =	stream.linear.scatter [tilespmem:s18], [sflag:$0x2], $0x4000, $0x38;
	[tilespmem:$0x18100] =	vst v63  }
0x66: {  	_ =	swait.ge [sflag:s19], $0x4000  }
0x67: {  	[sflag:s19] =	ssyncset.done $0x0  }
0x68: {  	[sflag:s19] =	ssyncadd.s32 $0xFFFFC000  }
0x69: {  	[tilespmem:s18], [sflag:$0x2] =	stream.linear.gather [spmem:s7], $0x4000, $0x38;
	[tilespmem:$0x18100] =	vst v63  }
0x6a: {  	_ =	swait.ge [sflag:s19], $0x4000  }
0x6b: {  	[sflag:s19] =	ssyncset.done $0x0  }
0x6c: {  	[sflag:s19] =	ssyncadd.s32 $0xFFFFC000  }
0x6d: {  	[hbm4b:s12+s4] =	stream.linear.scatter [tilespmem:s18], [sflag:$0x2], $0x4000, $0x38;
	[tilespmem:$0x18100] =	vst v63  }
0x6e: {  	_ =	swait.ge [sflag:s19], $0x4000  }
0x6f: {  	[sflag:s19] =	ssyncset.done $0x0  }
0x70: {  	[sflag:s19] =	ssyncadd.s32 $0xFFFFC000  }
0x71: {  	[tilespmem:s18], [sflag:$0x2] =	stream.linear.gather [spmem:s8], $0x4000, $0x38;
	[tilespmem:$0x18100] =	vst v63  }
0x72: {  	_ =	swait.ge [sflag:s19], $0x4000  }
0x73: {  	[sflag:s19] =	ssyncset.done $0x0  }
0x74: {  	[sflag:s19] =	ssyncadd.s32 $0xFFFFC000  }
0x75: {  	[hbm4b:s13+s4] =	stream.linear.scatter [tilespmem:s18], [sflag:$0x2], $0x4000, $0x38;
	[tilespmem:$0x18100] =	vst v63  }
0x76: {  	_ =	swait.ge [sflag:s19], $0x4000  }
0x77: {  	[sflag:s19] =	ssyncset.done $0x0  }
0x78: {  	[sflag:s19] =	ssyncadd.s32 $0xFFFFC000  }
0x79: {  	[tilespmem:s18], [sflag:$0x2] =	stream.linear.gather [spmem:s9], $0x4000, $0x38;
	[tilespmem:$0x18100] =	vst v63  }
0x7a: {  	_ =	swait.ge [sflag:s19], $0x4000  }
0x7b: {  	[sflag:s19] =	ssyncset.done $0x0  }
0x7c: {  	[sflag:s19] =	ssyncadd.s32 $0xFFFFC000  }
0x7d: {  	[hbm4b:s14+s4] =	stream.linear.scatter [tilespmem:s18], [sflag:$0x2], $0x4000, $0x38;
	[tilespmem:$0x18100] =	vst v63  }
0x7e: {  	_ =	swait.ge [sflag:s19], $0x4000  }
0x7f: {  	[sflag:s19] =	ssyncset.done $0x0  }
0x80: {  	[sflag:s19] =	ssyncadd.s32 $0xFFFFC000  }
0x81: {  	[tilespmem:s18], [sflag:$0x2] =	stream.linear.gather [spmem:s10], $0x4000, $0x38;
	[tilespmem:$0x18100] =	vst v63  }
0x82: {  	s24 =	sadd.s32 $0x1, s24;
	_ =	swait.ge [sflag:s19], $0x4000  }
0x83: {  	p0 =	sne.s32 s24, s16;
	[sflag:s19] =	ssyncset.done $0x0  }
.Ltmp1:
0x84: {  	[sflag:s19] =	ssyncadd.s32 $0xFFFFC000;
	(pc) =	sbr.rel @p0 .LBB2_1-.Ltmp1, $4  }
0x85: {  	[hbm4b:s15+s4] =	stream.linear.scatter [tilespmem:s18], [sflag:$0x2], $0x4000, $0x38;
	[tilespmem:$0x18100] =	vst v63  }
0x86: {  	_ =	swait.ge [sflag:s19], $0x4000  }
0x87: {  	[sflag:s19] =	ssyncset.done $0x0  }
0x88: {  	[sflag:s19] =	ssyncadd.s32 $0xFFFFC000  }
0x89: {  	_ =	sfence.sel $0x180000  }
0x8a: {  	[bflag:$0x0] =	sbarrier.arrive $0xFFFF  }
0x8b: {  	p0 =	sne.s32 s3, $0x0;
	_ =	strace $0x90000050  }
0x8c: {  	s0 =	sadd.s32 @!p0 $0x100000, s0;
	[bflag:$0x2] =	sbarrier.arrive $0xFFFF  }
0x8d: {  	[sflag:s0] =	ssyncadd.tile.s32 @!p0 $0x1;
	_ =	shalt  }
.Lfunc_end2:
_tile_overlayer_lowered:
.L_overlay_start_2:
0x8e: {  	(tag) =	ssettag $0x2  }
0x8f: {  	s0 =	rddreg [dreg:$0x0];
	s2 =	stileid.u32  }
0x90: {  	s1 =	rddreg [dreg:$0x1];
	p0 =	sne.s32 s2, $0x0  }
0x91: {  	s3 =	rddreg [dreg:$0x2];
	[bflag:$0x3] =	sbarrier.arrive $0xFFFF;
	s2 =	simm.s32 @!p0 $0x1C02  }
0x92: {  	[timem:s3], [sflag:s2] =	dma.local @!p0 [hbm:s0], s1  }
0x93: {  	s0 =	simm.s32 @!p0 $0x2  }
0x94: {  	_ =	swait.ge @!p0 [sflag:s0], s1  }
0x95: {  	s1 =	ssub.s32 @!p0 $0x0, s1;
	[sflag:s0] =	ssyncset.done @!p0 $0x0  }
0x96: {  	[sflag:s0] =	ssyncadd.s32 @!p0 s1  }
0x97: {  	[bflag:$0x3] =	sbarrier.arrive $0xFFFF  }
0x98: {  	_ =	shalt  }

// kernel: sc_segsum_d128.5.cloned.1.call-start
scs
__scs_entry_jumppad:
0x0: {  	(pc) =	sbr.rel $0x88, $3  }
0x1: {  	(tag) =	ssettag $0x0;
	lr =	simm.s32 $0x1  }
0x2: {  	[smem:$0x3F8C] =	sst lr;
	_ =	strace $0xD0000000  }
0x3: {  	_ = 	snop  }
0x4: {  	_ = 	snop  }
0x5: {  	_ = 	snop  }
0x6: {  	_ = 	snop  }
0x7: {  	_ = 	snop  }
__scs_overlays_trampoline_lowered:
0x8: {  	[smem:$0x3F9B] =	sst s0  }
0x9: {  	[smem:$0x3F9C] =	sst s1  }
0xa: {  	[smem:$0x3F9D] =	sst s2  }
0xb: {  	[smem:$0x3F9E] =	sst s3  }
0xc: {  	[smem:$0x3F9F] =	sst s4  }
0xd: {  	[smem:$0x3FA0] =	sst s5  }
0xe: {  	[smem:$0x3FA1] =	sst s6  }
0xf: {  	[smem:$0x3FA2] =	sst s7  }
0x10: {  	[smem:$0x3FA3] =	sst s8  }
0x11: {  	[smem:$0x3FA4] =	sst s9;
	s0 =	simm.s32 @!p0 $0x0  }
0x12: {  	s1 =	sld [smem:$0x3F8A];
	s0 =	simm.s32 @p0 $0x1  }
0x13: {  	[smem:$0x3FA5] =	sst s0;
	s0 =	simm.s32 @!p1 $0x0  }
0x14: {  	s2 =	sld [smem:$0x3F89];
	s0 =	simm.s32 @p1 $0x1  }
0x15: {  	[smem:$0x3FA6] =	sst s0;
	s0 =	simm.s32 @!p2 $0x0  }
0x16: {  	s3 =	sld [smem:$0x3FDB];
	s0 =	simm.s32 @p2 $0x1  }
0x17: {  	s4 =	simm.s32 $0x1BF5;
	[smem:$0x3FA8] =	sst s0  }
0x18: {  	s0 =	sld [smem:$0x3F8B];
	_ =	swait.ge [sflag:s4], $0x0  }
0x19: {  	s7 =	sld [smem:$0x3F8C]  }
0x1a: {  	s8 =	sadd.s32 $0xFFFFE003, lr  }
0x1b: {  	s9 =	sadd.s32 $0xFFFFFEF7, lr;
	s5 =	simm.s32 $0xFFFFFFFF;
	p2 =	slt.u32 s8, $0xFFFFF086  }
0x1c: {  	p1 =	slt.u32 s9, $0xF7A;
	s5 =	simm.s32 @!p2 $0x0  }
0x1d: {  	s5 =	simm.s32 @p1 $0x1;
	p0 =	seq.s32 s7, s2  }
0x1e: {  	s7 =	smul.u32 @!p0 $0xF7A, s2;
	p2 =	seq.s32 @!p0 s5, $0x0  }
0x1f: {  	s9 =	smul.u32 $0xF7A, s1;
	s8 =	simm.s32 @!p0 $0x1BF5;
	p2 =	por !p2, p0  }
0x20: {  	[sflag:s8] =	ssyncset.s32 @!p0 $0xFFFFF086;
	s6 =	sadd.s32 @!p0 s3, s7;
	s7 =	simm.s32 @!p0 $0x108  }
0x21: {  	s3 =	sadd.s32 s3, s9;
	s6 =	sadd.s32 @!p0 $0x88, s6;
	s7 =	simm.s32 @p2 $0x1082  }
0x22: {  	[simem:s7], [sflag:s8] =	dma.local @!p0 [hbm:s6], $0xF7A  }
0x23: {  	s9 =	sor.u32 $0xD0000000, s2;
	s6 =	simm.s32 $0x108;
	_ =	swait.ge @!p0 [sflag:s8], $0x0  }
0x24: {  	s3 =	sadd.s32 $0x88, s3;
	s6 =	simm.s32 @!p1 $0x1082;
	[sflag:s4] =	ssyncset.s32 $0xFFFFF086  }
0x25: {  	[simem:s6], [sflag:s4] =	dma.local [hbm:s3], $0xF7A  }
0x26: {  	[smem:$0x3F8C] =	sst s1;
	(tag) =	ssettag s2;
	_ =	strace s9  }
0x27: {  	s1 =	sld [smem:$0x3F9C]  }
0x28: {  	s2 =	sld [smem:$0x3F9D]  }
0x29: {  	s4 =	sld [smem:$0x3F9F]  }
0x2a: {  	p0 =	seq.s32 s5, $0x0;
	s5 =	sld [smem:$0x3FA0]  }
0x2b: {  	s6 =	sld [smem:$0x3FA1]  }
0x2c: {  	s7 =	sld [smem:$0x3FA2]  }
0x2d: {  	s3 =	simm.s32 $0x108;
	s8 =	sld [smem:$0x3FA3]  }
0x2e: {  	s3 =	simm.s32 @!p0 $0x1082;
	s9 =	sld [smem:$0x3FA4]  }
0x2f: {  	lr =	sadd.s32 s0, s3;
	s0 =	sld [smem:$0x3F9B]  }
0x30: {  	s3 =	sld [smem:$0x3F9E]  }
0x31: {  	[smem:$0x3FA7] =	sst s10  }
0x32: {  	s10 =	sld [smem:$0x3FA5];
	_ =	sdelay $0x3  }
0x33: {  	p0 =	seq.s32 s10, $0x1;
	s10 =	sld [smem:$0x3FA7];
	_ =	sdelay $0x3  }
0x34: {  	[smem:$0x3FA7] =	sst s10  }
0x35: {  	s10 =	sld [smem:$0x3FA6];
	_ =	sdelay $0x3  }
0x36: {  	p1 =	seq.s32 s10, $0x1;
	s10 =	sld [smem:$0x3FA7];
	_ =	sdelay $0x3  }
0x37: {  	[smem:$0x3FA7] =	sst s10  }
0x38: {  	s10 =	sld [smem:$0x3FA8]  }
0x39: {  	_ = 	snop;
	(pc) =	sbr.ind lr, $3  }
0x3a: {  	_ = 	snop  }
0x3b: {  	_ = 	snop  }
0x3c: {  	p2 =	seq.s32 s10, $0x1;
	s10 =	sld [smem:$0x3FA7]  }
0x3d: {  	_ =	shalt  }
0x3e: {  	_ =	shalt  }
0x3f: {  	_ =	shalt  }
0x40: {  	_ =	shalt  }
0x41: {  	_ =	shalt  }
0x42: {  	_ =	shalt  }
0x43: {  	_ =	shalt  }
0x44: {  	_ =	shalt  }
0x45: {  	_ =	shalt  }
0x46: {  	_ =	shalt  }
0x47: {  	_ =	shalt  }
0x48: {  	_ =	shalt  }
0x49: {  	_ =	shalt  }
0x4a: {  	_ =	shalt  }
0x4b: {  	_ =	shalt  }
0x4c: {  	_ =	shalt  }
0x4d: {  	_ =	shalt  }
0x4e: {  	_ =	shalt  }
0x4f: {  	_ =	shalt  }
0x50: {  	_ =	shalt  }
0x51: {  	_ =	shalt  }
0x52: {  	_ =	shalt  }
0x53: {  	_ =	shalt  }
0x54: {  	_ =	shalt  }
0x55: {  	_ =	shalt  }
0x56: {  	_ =	shalt  }
0x57: {  	_ =	shalt  }
0x58: {  	_ =	shalt  }
0x59: {  	_ =	shalt  }
0x5a: {  	_ =	shalt  }
0x5b: {  	_ =	shalt  }
0x5c: {  	_ =	shalt  }
0x5d: {  	_ =	shalt  }
0x5e: {  	_ =	shalt  }
0x5f: {  	_ =	shalt  }
0x60: {  	_ =	shalt  }
0x61: {  	_ =	shalt  }
0x62: {  	_ =	shalt  }
0x63: {  	_ =	shalt  }
0x64: {  	_ =	shalt  }
0x65: {  	_ =	shalt  }
0x66: {  	_ =	shalt  }
0x67: {  	_ =	shalt  }
0x68: {  	_ =	shalt  }
0x69: {  	_ =	shalt  }
0x6a: {  	_ =	shalt  }
0x6b: {  	_ =	shalt  }
0x6c: {  	_ =	shalt  }
0x6d: {  	_ =	shalt  }
0x6e: {  	_ =	shalt  }
0x6f: {  	_ =	shalt  }
0x70: {  	_ =	shalt  }
0x71: {  	_ =	shalt  }
0x72: {  	_ =	shalt  }
0x73: {  	_ =	shalt  }
0x74: {  	_ =	shalt  }
0x75: {  	_ =	shalt  }
0x76: {  	_ =	shalt  }
0x77: {  	_ =	shalt  }
0x78: {  	_ =	shalt  }
0x79: {  	_ =	shalt  }
0x7a: {  	_ =	shalt  }
0x7b: {  	_ =	shalt  }
0x7c: {  	_ =	shalt  }
0x7d: {  	_ =	shalt  }
0x7e: {  	_ =	shalt  }
0x7f: {  	_ =	shalt  }
0x80: {  	_ =	shalt  }
0x81: {  	_ =	shalt  }
0x82: {  	_ =	shalt  }
0x83: {  	_ =	shalt  }
0x84: {  	_ =	shalt  }
0x85: {  	_ =	shalt  }
0x86: {  	_ =	shalt  }
0x87: {  	_ =	shalt  }
.Lfunc_end0:
.L_simem_size_0:
called_computation.1_lowered:
.L_overlay_start_0:
0x88: {  	s2 =	sld [smem:$0x3FD9]  }
0x89: {  	s3 =	sld [smem:$0x3FFE];
	_ =	sdelay $0x1  }
0x8a: {  	s1 =	srdreg.scid  }
0x8b: {  	s0 =	sand.u32 $0x1, s1  }
0x8c: {  	s17 =	sshll.u32 s0, $0xA;
	s2 =	sadd.s32 s3, s2  }
0x8d: {  	s2 =	sadd.s32 s2, s17  }
0x8e: {  	[smem:$0x3FB3] =	sst s2  }
0x8f: {  	_ = 	snop  }
0x90: {  	s4 =	sld [smem:$0x3FC9]  }
0x91: {  	s18 =	sld [smem:$0x3FD0];
	(tm) =	ssettm $0x1  }
0x92: {  	s19 =	sld [smem:$0x3FFB];
	_ =	sdelay $0x3  }
0x93: {  	_ =	strace s19  }
0x94: {  	s2 =	sld [smem:$0x3FFC];
	_ =	sdelay $0x3  }
0x95: {  	_ =	strace s2  }
0x96: {  	s2 =	sld [smem:$0x3FFD];
	_ =	sdelay $0x3  }
0x97: {  	_ =	strace s2  }
0x98: {  	_ =	strace $0x8FFFFFFF  }
0x99: {  	s20 =	sld [smem:$0x3FDB];
	_ =	sdelay $0x1  }
0x9a: {  	s5 =	simm.s32 $_scs_section_size  }
0x9b: {  	s6 =	simm.s32 $_size__tile_overlayer_lowered;
	s7 =	simm.s32 $_tile_overlayer_lowered  }
0x9c: {  	s8 =	simm.s32 $0x1BFF;
	s21 =	sshll.u32 s7, $0x1;
	s5 =	sadd.s32 s5, s20  }
0x9d: {  	s22 =	simm.s32 $0x0;
	s6 =	sshll.u32 s6, $0x1;
	s7 =	sadd.s32 s21, s5  }
0x9e: {  	[timem:s22], [sflag:s8] =	dma.local [hbm:s7], s6  }
0x9f: {  	_ =	swait.ge [sflag:s8], s6  }
0xa0: {  	s6 =	ssub.s32 $0x0, s6;
	[sflag:s8] =	ssyncset.done $0x0  }
0xa1: {  	[sflag:s8] =	ssyncadd.s32 s6;
	_ =	sdelay $0x1  }
0xa2: {  	s23 =	simm.s32 $0x1B8B  }
0xa3: {  	_ =	swait.ge [sflag:s23], $0x1  }
0xa4: {  	[sflag:s23] =	ssyncset.done $0x0  }
0xa5: {  	[sflag:s23] =	ssyncadd.s32 $0xFFFFFFFF  }
0xa6: {  	s6 =	sld [smem:$0x0]  }
0xa7: {  	s7 =	sand.u32 $0xFFFFFFFE, s1  }
0xa8: {  	p0 =	sne.s32 s1, s7  }
0xa9: {  	s7 =	sshll.u32 @p0 s7, $0xE  }
0xaa: {  	s7 =	sadd.s32 @p0 $0x11B8D, s7;
	s8 =	sshll.u32 @p0 s6, $0x11  }
0xab: {  	s7 =	sor.u32 @p0 s8, s7  }
0xac: {  	[sflag:s7] =	ssyncadd.remote.s32 @p0 $0x1;
	_ =	sdelay $0x1  }
0xad: {  	s7 =	simm.s32 @p0 $0x1B8D  }
0xae: {  	_ =	swait.eq @p0 [sflag:s7], $0x1  }
0xaf: {  	[sflag:s7] =	ssyncadd.s32 @p0 $0xFFFFFFFF  }
0xb0: {  	s8 =	sshll.u32 @!p0 s1, $0xE  }
0xb1: {  	s8 =	sor.u32 @!p0 $0x4000, s8;
	s7 =	simm.s32 @!p0 $0x1B8D  }
0xb2: {  	s6 =	sshll.u32 @!p0 s6, $0x11;
	s8 =	sadd.s32 @!p0 $0x11B8D, s8;
	_ =	swait.eq @!p0 [sflag:s7], $0x1  }
0xb3: {  	s6 =	sor.u32 @!p0 s6, s8;
	[sflag:s7] =	ssyncadd.s32 @!p0 $0xFFFFFFFF  }
0xb4: {  	s25 =	simm.s32 $0x1B8E;
	s24 =	sld [smem:$0x3FFE];
	[sflag:s6] =	ssyncadd.remote.s32 @!p0 $0x1  }
0xb5: {  	s26 =	simm.s32 $execute0_lowered;
	[smem:$0x3FD2] =	sst s25  }
0xb6: {  	s7 =	sshll.u32 s26, $0x1;
	_ =	strace $0x80000049;
	[dreg:$0x1] =	wrdreg $0xFFFFFFFF  }
0xb7: {  	s28 =	simm.s32 $_size_execute0_lowered;
	s5 =	sadd.s32 s5, s7;
	[dreg:$0x0] =	wrdreg $0x0  }
0xb8: {  	s7 =	sshll.u32 s28, $0x1;
	[dreg:$0x2] =	wrdreg s5  }
0xb9: {  	[dreg:$0x3] =	wrdreg s7  }
0xba: {  	[dreg:$0x4] =	wrdreg $0xC0  }
0xbb: {  	_ =	task [dreg:s22], $0x5FFFF  }
0xbc: {  	[dreg:$0x1] =	wrdreg $0xFFFFFFFF  }
0xbd: {  	[dreg:$0x0] =	wrdreg $0x60  }
0xbe: {  	[dreg:$0x2] =	wrdreg s4  }
0xbf: {  	[dreg:$0x3] =	wrdreg s24  }
0xc0: {  	[dreg:$0x4] =	wrdreg s18  }
0xc1: {  	[dreg:$0x5] =	wrdreg $0x0  }
0xc2: {  	[dreg:$0x6] =	wrdreg $0xA  }
0xc3: {  	_ =	task.clear_ibuf [dreg:s22], $0x7FFFF;
	_ =	strace $0x90000049  }
0xc4: {  	s29 =	simm.s32 $0xA;
	_ =	strace $0x8000004B  }
0xc5: {  	_ =	swait.ge [sflag:s29], $0x1  }
0xc6: {  	[sflag:s29] =	ssyncadd.s32 $0xFFFFFFFF  }
0xc7: {  	_ =	strace $0x9000004B  }
0xc8: {  	_ =	sfence  }
0xc9: {  	s30 =	sld [smem:$0x0];
	_ =	sdelay $0x2  }
0xca: {  	s31 =	sshll.u32 s1, $0xD;
	s1 =	sshrl.u32 s1, $0x2  }
0xcb: {  	s4 =	sand.u32 $0x4000, s31;
	s1 =	sadd.s32 s1, s30  }
0xcc: {  	s0 =	sor.u32 s4, s0;
	s1 =	sshll.u32 s1, $0x11  }
0xcd: {  	s0 =	sor.u32 s1, s0  }
0xce: {  	s0 =	sadd.s32 $0x8F2B, s0  }
0xcf: {  	[sflag:s0] =	ssyncadd.remote.s32 $0x1  }
0xd0: {  	_ =	sfence.sel $0xFFFF  }
0xd1: {  	[dreg:$0x0] =	wrdreg $0xFFFFFFFF;
	(pc) =	sbr.abs _section_cstart, $3  }
0xd2: {  	[dreg:$0x1] =	wrdreg $0xFFFFFFFF  }
0xd3: {  	_ =	task.clear_ibuf [dreg:s22], $0x2FFFF;
	_ =	strace $0x9FFFFFFF  }
0xd4: {  	(tm) =	ssettm $0x7FFFFFFF  }
0xd5: {  	_ =	shalt  }
tec
execute0_lowered:
.L_overlay_start_1:
0x0: {  	(tag) =	ssettag $0x1  }
0x1: {  	s1 =	rddreg [dreg:$0x0]  }
0x2: {  	s6 =	rddreg [dreg:$0x1]  }
0x3: {  	s2 =	rddreg [dreg:$0x2]  }
0x4: {  	s3 =	rddreg [dreg:$0x3];
	s4 =	srdreg.scid  }
0x5: {  	s0 =	rddreg [dreg:$0x4];
	s5 =	simm.s32 $0x0;
	s20 =	simm.s32 $0x14000  }
0x6: {  	s21 =	simm.s32 $0x14080;
	s22 =	simm.s32 $0x80;
	s8 =	sand.u32 $0x1, s4  }
0x7: {  	s23 =	simm.s32 $0x1;
	s4 =	stileid.u32;
	s7 =	smul.u32 $0xA000, s8  }
0x8: {  	s24 =	simm.s32 $0x0;
	[smem:$0x7FF] =	sst s5;
	s9 =	smul.u32 $0x50000, s4  }
0x9: {  	s15 =	sadd.s32 $0x69C00, s6;
	_ =	strace $0x8000004A;
	s11 =	smul.u32 $0x14000, s4  }
0xa: {  	s28 =	ssub.s32 $0x2, s8;
	s18 =	smul.u32 $0x140000, s8;
	s30 =	sshll.u32 s4, $0x5  }
0xb: {  	s29 =	sshrl.u32 s28, $0x1;
	s16 =	sadd.s32 s7, s6;
	s9 =	sshrl.u32 s9, $0x2  }
0xc: {  	s12 =	sadd.s32 $0x4000, s11;
	s17 =	ssub.s32 s28, s29;
	s13 =	sadd.s32 $0x8000, s11  }
0xd: {  	s14 =	sadd.s32 $0xC000, s11;
	s19 =	sadd.s32 $0x10000, s11;
	s11 =	sadd.s32 s11, s18  }
0xe: {  	s6 =	sadd.s32 s9, s3;
	s7 =	sadd.s32 s12, s3;
	s8 =	sadd.s32 s13, s3  }
0xf: {  	s9 =	sadd.s32 s14, s3;
	s10 =	sadd.s32 s19, s3;
	s12 =	sadd.s32 s18, s12  }
0x10: {  	s11 =	sshrl.u32 s11, $0x3;
	s13 =	sadd.s32 s18, s13;
	s14 =	sadd.s32 s18, s14  }
0x11: {  	s18 =	sadd.s32 s18, s19;
	s31 =	sadd.s32 s30, s16;
	s16 =	smax.u32 s17, $0x1  }
0x12: {  	s19 =	simm.s32 $0x2;
	s12 =	sshrl.u32 s12, $0x3;
	s11 =	sadd.s32 s15, s11  }
0x13: {  	s13 =	sshrl.u32 s13, $0x3;
	s14 =	sshrl.u32 s14, $0x3;
	s18 =	sshrl.u32 s18, $0x3  }
0x14: {  	s17 =	sadd.s32 $0x5400, s31;
	s12 =	sadd.s32 s15, s12;
	s13 =	sadd.s32 s15, s13  }
0x15: {  	s14 =	sadd.s32 s15, s14;
	s15 =	sadd.s32 s15, s18;
	s18 =	simm.s32 $0x14100  }
.LBB2_1:
0x16: {  	[tilespmem:s18], [sflag:$0x2] =	stream.linear.gather [hbm4b:s2+s5], $0x4000, $0x38;
	[tilespmem:$0x18100] =	vst v63  }
0x17: {  	_ =	swait.ge [sflag:s19], $0x4000  }
0x18: {  	[sflag:s19] =	ssyncset.done $0x0  }
0x19: {  	[sflag:s19] =	ssyncadd.s32 $0xFFFFC000  }
0x1a: {  	[spmem:s6] =	stream.linear.scatter [tilespmem:s18], [sflag:$0x2], $0x4000, $0x38;
	[tilespmem:$0x18100] =	vst v63  }
0x1b: {  	_ =	swait.ge [sflag:s19], $0x4000  }
0x1c: {  	[sflag:s19] =	ssyncset.done $0x0  }
0x1d: {  	[sflag:s19] =	ssyncadd.s32 $0xFFFFC000  }
0x1e: {  	[spmem:s7] =	stream.linear.scatter [tilespmem:s18], [sflag:$0x2], $0x4000, $0x38;
	[tilespmem:$0x18100] =	vst v63  }
0x1f: {  	_ =	swait.ge [sflag:s19], $0x4000  }
0x20: {  	[sflag:s19] =	ssyncset.done $0x0  }
0x21: {  	[sflag:s19] =	ssyncadd.s32 $0xFFFFC000  }
0x22: {  	[spmem:s8] =	stream.linear.scatter [tilespmem:s18], [sflag:$0x2], $0x4000, $0x38;
	[tilespmem:$0x18100] =	vst v63  }
0x23: {  	_ =	swait.ge [sflag:s19], $0x4000  }
0x24: {  	[sflag:s19] =	ssyncset.done $0x0  }
0x25: {  	[sflag:s19] =	ssyncadd.s32 $0xFFFFC000  }
0x26: {  	[spmem:s9] =	stream.linear.scatter [tilespmem:s18], [sflag:$0x2], $0x4000, $0x38;
	[tilespmem:$0x18100] =	vst v63  }
0x27: {  	_ =	swait.ge [sflag:s19], $0x4000  }
0x28: {  	[sflag:s19] =	ssyncset.done $0x0  }
0x29: {  	[sflag:s19] =	ssyncadd.s32 $0xFFFFC000  }
0x2a: {  	[spmem:s10] =	stream.linear.scatter [tilespmem:s18], [sflag:$0x2], $0x4000, $0x38;
	[tilespmem:$0x18100] =	vst v63  }
0x2b: {  	_ =	swait.ge [sflag:s19], $0x4000  }
0x2c: {  	[sflag:s19] =	ssyncset.done $0x0  }
0x2d: {  	[sflag:s19] =	ssyncadd.s32 $0xFFFFC000  }
0x2e: {  	s25 =	sadd.s32 $0x0, s17;
	[bflag:$0x0] =	sbarrier.arrive $0xFFFF  }
0x2f: {  	[tilespmem:s20], [sflag:$0x2] =	stream.linear.gather [hbm4b:s25+s5], $0x80, $0x38;
	[tilespmem:$0x18100] =	vst v63  }
0x30: {  	_ =	swait.ge [sflag:s19], $0x80  }
0x31: {  	[sflag:s19] =	ssyncset.done $0x0  }
0x32: {  	s25 =	sadd.s32 $0x10, s25;
	[sflag:s19] =	ssyncadd.s32 $0xFFFFFF80  }
0x33: {  	[tilespmem:s21], [sflag:$0x2] =	stream.linear.gather [hbm4b:s25+s5], $0x80, $0x38;
	[tilespmem:$0x18100] =	vst v63  }
0x34: {  	_ =	swait.ge [sflag:s19], $0x80  }
0x35: {  	[sflag:s19] =	ssyncset.done $0x0  }
0x36: {  	[sflag:s19] =	ssyncadd.s32 $0xFFFFFF80  }
0x37: {  	[tilespmem:s18], [sflag:$0x1] =	stream.indirect.gather [hbm4b:s1+s22], $0x80, s20, s22, $0xb8;
	[tilespmem:$0x18100] =	vst v63  }
0x38: {  	_ =	swait.ge [sflag:s23], $0x4000  }
0x39: {  	[sflag:s23] =	ssyncset.done $0x0  }
0x3a: {  	[sflag:s23] =	ssyncadd.s32 $0xFFFFC000  }
0x3b: {  	[spmem:s3] =	stream.indirect.scatter.add.f32 [tilespmem:s18], [sflag:$0x2], $0x80, s21, s22, $0xb8;
	[tilespmem:$0x18100] =	vst v63  }
0x3c: {  	_ =	swait.ge [sflag:s19], $0x4000  }
0x3d: {  	s26 =	simm.s32 $0x400;
	s25 =	simm.s32 $0x200;
	[sflag:s19] =	ssyncset.done $0x0  }
.LBB2_2:
0x3e: {  	s28 =	sadd.s32 s25, s17  }
0x3f: {  	[sflag:s19] =	ssyncadd.s32 $0xFFFFC000;
	s25 =	smov.u32 s26;
	s29 =	sadd.s32 $0x200, s26  }
0x40: {  	[tilespmem:s20], [sflag:$0x2] =	stream.linear.gather [hbm4b:s28+s5], $0x80, $0x38;
	[tilespmem:$0x18100] =	vst v63  }
0x41: {  	p0 =	sne.s32 s26, $0x9E00;
	_ =	swait.ge [sflag:s19], $0x80  }
0x42: {  	[sflag:s19] =	ssyncset.done $0x0  }
0x43: {  	s26 =	sadd.s32 $0x10, s28;
	[sflag:s19] =	ssyncadd.s32 $0xFFFFFF80  }
0x44: {  	[tilespmem:s21], [sflag:$0x2] =	stream.linear.gather [hbm4b:s26+s5], $0x80, $0x38;
	[tilespmem:$0x18100] =	vst v63  }
0x45: {  	_ =	swait.ge [sflag:s19], $0x80  }
0x46: {  	[sflag:s19] =	ssyncset.done $0x0  }
0x47: {  	[sflag:s19] =	ssyncadd.s32 $0xFFFFFF80  }
0x48: {  	[tilespmem:s18], [sflag:$0x1] =	stream.indirect.gather [hbm4b:s1+s22], $0x80, s20, s22, $0xb8;
	[tilespmem:$0x18100] =	vst v63  }
0x49: {  	_ =	swait.ge [sflag:s23], $0x4000  }
.Ltmp0:
0x4a: {  	[sflag:s23] =	ssyncset.done $0x0;
	(pc) =	sbr.rel @p0 .LBB2_2-.Ltmp0, $4  }
0x4b: {  	[sflag:s23] =	ssyncadd.s32 $0xFFFFC000  }
0x4c: {  	[spmem:s3] =	stream.indirect.scatter.add.f32 [tilespmem:s18], [sflag:$0x2], $0x80, s21, s22, $0xb8;
	[tilespmem:$0x18100] =	vst v63  }
0x4d: {  	_ =	swait.ge [sflag:s19], $0x4000  }
0x4e: {  	s26 =	smov.u32 s29;
	[sflag:s19] =	ssyncset.done $0x0  }
0x4f: {  	s25 =	sadd.s32 s25, s17;
	[sflag:s19] =	ssyncadd.s32 $0xFFFFC000  }
0x50: {  	[tilespmem:s20], [sflag:$0x2] =	stream.linear.gather [hbm4b:s25+s5], $0x80, $0x38;
	[tilespmem:$0x18100] =	vst v63  }
0x51: {  	_ =	swait.ge [sflag:s19], $0x80  }
0x52: {  	[sflag:s19] =	ssyncset.done $0x0  }
0x53: {  	s25 =	sadd.s32 $0x10, s25;
	[sflag:s19] =	ssyncadd.s32 $0xFFFFFF80  }
0x54: {  	[tilespmem:s21], [sflag:$0x2] =	stream.linear.gather [hbm4b:s25+s5], $0x80, $0x38;
	[tilespmem:$0x18100] =	vst v63  }
0x55: {  	_ =	swait.ge [sflag:s19], $0x80  }
0x56: {  	[sflag:s19] =	ssyncset.done $0x0  }
0x57: {  	[sflag:s19] =	ssyncadd.s32 $0xFFFFFF80  }
0x58: {  	[tilespmem:s18], [sflag:$0x1] =	stream.indirect.gather [hbm4b:s1+s22], $0x80, s20, s22, $0xb8;
	[tilespmem:$0x18100] =	vst v63  }
0x59: {  	_ =	swait.ge [sflag:s23], $0x4000  }
0x5a: {  	[sflag:s23] =	ssyncset.done $0x0  }
0x5b: {  	[sflag:s23] =	ssyncadd.s32 $0xFFFFC000  }
0x5c: {  	[spmem:s3] =	stream.indirect.scatter.add.f32 [tilespmem:s18], [sflag:$0x2], $0x80, s21, s22, $0xb8;
	[tilespmem:$0x18100] =	vst v63  }
0x5d: {  	_ =	swait.ge [sflag:s19], $0x4000  }
0x5e: {  	[sflag:s19] =	ssyncset.done $0x0  }
0x5f: {  	[sflag:s19] =	ssyncadd.s32 $0xFFFFC000  }
0x60: {  	[bflag:$0x0] =	sbarrier.arrive $0xFFFF  }
0x61: {  	[tilespmem:s18], [sflag:$0x2] =	stream.linear.gather [spmem:s6], $0x4000, $0x38;
	[tilespmem:$0x18100] =	vst v63  }
0x62: {  	_ =	swait.ge [sflag:s19], $0x4000  }
0x63: {  	[sflag:s19] =	ssyncset.done $0x0  }
0x64: {  	[sflag:s19] =	ssyncadd.s32 $0xFFFFC000  }
0x65: {  	[hbm4b:s11+s5] =	stream.linear.scatter [tilespmem:s18], [sflag:$0x2], $0x4000, $0x38;
	[tilespmem:$0x18100] =	vst v63  }
0x66: {  	_ =	swait.ge [sflag:s19], $0x4000  }
0x67: {  	[sflag:s19] =	ssyncset.done $0x0  }
0x68: {  	[sflag:s19] =	ssyncadd.s32 $0xFFFFC000  }
0x69: {  	[tilespmem:s18], [sflag:$0x2] =	stream.linear.gather [spmem:s7], $0x4000, $0x38;
	[tilespmem:$0x18100] =	vst v63  }
0x6a: {  	_ =	swait.ge [sflag:s19], $0x4000  }
0x6b: {  	[sflag:s19] =	ssyncset.done $0x0  }
0x6c: {  	[sflag:s19] =	ssyncadd.s32 $0xFFFFC000  }
0x6d: {  	[hbm4b:s12+s5] =	stream.linear.scatter [tilespmem:s18], [sflag:$0x2], $0x4000, $0x38;
	[tilespmem:$0x18100] =	vst v63  }
0x6e: {  	_ =	swait.ge [sflag:s19], $0x4000  }
0x6f: {  	[sflag:s19] =	ssyncset.done $0x0  }
0x70: {  	[sflag:s19] =	ssyncadd.s32 $0xFFFFC000  }
0x71: {  	[tilespmem:s18], [sflag:$0x2] =	stream.linear.gather [spmem:s8], $0x4000, $0x38;
	[tilespmem:$0x18100] =	vst v63  }
0x72: {  	_ =	swait.ge [sflag:s19], $0x4000  }
0x73: {  	[sflag:s19] =	ssyncset.done $0x0  }
0x74: {  	[sflag:s19] =	ssyncadd.s32 $0xFFFFC000  }
0x75: {  	[hbm4b:s13+s5] =	stream.linear.scatter [tilespmem:s18], [sflag:$0x2], $0x4000, $0x38;
	[tilespmem:$0x18100] =	vst v63  }
0x76: {  	_ =	swait.ge [sflag:s19], $0x4000  }
0x77: {  	[sflag:s19] =	ssyncset.done $0x0  }
0x78: {  	[sflag:s19] =	ssyncadd.s32 $0xFFFFC000  }
0x79: {  	[tilespmem:s18], [sflag:$0x2] =	stream.linear.gather [spmem:s9], $0x4000, $0x38;
	[tilespmem:$0x18100] =	vst v63  }
0x7a: {  	_ =	swait.ge [sflag:s19], $0x4000  }
0x7b: {  	[sflag:s19] =	ssyncset.done $0x0  }
0x7c: {  	[sflag:s19] =	ssyncadd.s32 $0xFFFFC000  }
0x7d: {  	[hbm4b:s14+s5] =	stream.linear.scatter [tilespmem:s18], [sflag:$0x2], $0x4000, $0x38;
	[tilespmem:$0x18100] =	vst v63  }
0x7e: {  	_ =	swait.ge [sflag:s19], $0x4000  }
0x7f: {  	[sflag:s19] =	ssyncset.done $0x0  }
0x80: {  	[sflag:s19] =	ssyncadd.s32 $0xFFFFC000  }
0x81: {  	[tilespmem:s18], [sflag:$0x2] =	stream.linear.gather [spmem:s10], $0x4000, $0x38;
	[tilespmem:$0x18100] =	vst v63  }
0x82: {  	s24 =	sadd.s32 $0x1, s24;
	_ =	swait.ge [sflag:s19], $0x4000  }
0x83: {  	p0 =	sne.s32 s24, s16;
	[sflag:s19] =	ssyncset.done $0x0  }
.Ltmp1:
0x84: {  	[sflag:s19] =	ssyncadd.s32 $0xFFFFC000;
	(pc) =	sbr.rel @p0 .LBB2_1-.Ltmp1, $4  }
0x85: {  	[hbm4b:s15+s5] =	stream.linear.scatter [tilespmem:s18], [sflag:$0x2], $0x4000, $0x38;
	[tilespmem:$0x18100] =	vst v63  }
0x86: {  	_ =	swait.ge [sflag:s19], $0x4000  }
0x87: {  	[sflag:s19] =	ssyncset.done $0x0  }
0x88: {  	[sflag:s19] =	ssyncadd.s32 $0xFFFFC000  }
0x89: {  	_ =	sfence.sel $0x180000  }
0x8a: {  	[bflag:$0x0] =	sbarrier.arrive $0xFFFF  }
0x8b: {  	p0 =	sne.s32 s4, $0x0;
	_ =	strace $0x9000004A  }
0x8c: {  	s0 =	sadd.s32 @!p0 $0x100000, s0;
	[bflag:$0x2] =	sbarrier.arrive $0xFFFF  }
0x8d: {  	[sflag:s0] =	ssyncadd.tile.s32 @!p0 $0x1;
	_ =	shalt  }
.Lfunc_end2:
_tile_overlayer_lowered:
.L_overlay_start_2:
0x8e: {  	(tag) =	ssettag $0x2  }
0x8f: {  	s0 =	rddreg [dreg:$0x0];
	s2 =	stileid.u32  }
0x90: {  	s1 =	rddreg [dreg:$0x1];
	p0 =	sne.s32 s2, $0x0  }
0x91: {  	s3 =	rddreg [dreg:$0x2];
	[bflag:$0x3] =	sbarrier.arrive $0xFFFF;
	s2 =	simm.s32 @!p0 $0x1C02  }
0x92: {  	[timem:s3], [sflag:s2] =	dma.local @!p0 [hbm:s0], s1  }
0x93: {  	s0 =	simm.s32 @!p0 $0x2  }
0x94: {  	_ =	swait.ge @!p0 [sflag:s0], s1  }
0x95: {  	s1 =	ssub.s32 @!p0 $0x0, s1;
	[sflag:s0] =	ssyncset.done @!p0 $0x0  }
0x96: {  	[sflag:s0] =	ssyncadd.s32 @!p0 s1  }
0x97: {  	[bflag:$0x3] =	sbarrier.arrive $0xFFFF  }
0x98: {  	_ =	shalt  }

// kernel: sc_segsum_d128.8.cloned.1.call-start
scs
__scs_entry_jumppad:
0x0: {  	(pc) =	sbr.rel $0x88, $3  }
0x1: {  	(tag) =	ssettag $0x0;
	lr =	simm.s32 $0x1  }
0x2: {  	[smem:$0x3F8C] =	sst lr;
	_ =	strace $0xD0000000  }
0x3: {  	_ = 	snop  }
0x4: {  	_ = 	snop  }
0x5: {  	_ = 	snop  }
0x6: {  	_ = 	snop  }
0x7: {  	_ = 	snop  }
__scs_overlays_trampoline_lowered:
0x8: {  	[smem:$0x3F9B] =	sst s0  }
0x9: {  	[smem:$0x3F9C] =	sst s1  }
0xa: {  	[smem:$0x3F9D] =	sst s2  }
0xb: {  	[smem:$0x3F9E] =	sst s3  }
0xc: {  	[smem:$0x3F9F] =	sst s4  }
0xd: {  	[smem:$0x3FA0] =	sst s5  }
0xe: {  	[smem:$0x3FA1] =	sst s6  }
0xf: {  	[smem:$0x3FA2] =	sst s7  }
0x10: {  	[smem:$0x3FA3] =	sst s8  }
0x11: {  	[smem:$0x3FA4] =	sst s9;
	s0 =	simm.s32 @!p0 $0x0  }
0x12: {  	s1 =	sld [smem:$0x3F8A];
	s0 =	simm.s32 @p0 $0x1  }
0x13: {  	[smem:$0x3FA5] =	sst s0;
	s0 =	simm.s32 @!p1 $0x0  }
0x14: {  	s2 =	sld [smem:$0x3F89];
	s0 =	simm.s32 @p1 $0x1  }
0x15: {  	[smem:$0x3FA6] =	sst s0;
	s0 =	simm.s32 @!p2 $0x0  }
0x16: {  	s3 =	sld [smem:$0x3FDB];
	s0 =	simm.s32 @p2 $0x1  }
0x17: {  	s4 =	simm.s32 $0x1BF5;
	[smem:$0x3FA8] =	sst s0  }
0x18: {  	s0 =	sld [smem:$0x3F8B];
	_ =	swait.ge [sflag:s4], $0x0  }
0x19: {  	s7 =	sld [smem:$0x3F8C]  }
0x1a: {  	s8 =	sadd.s32 $0xFFFFE003, lr  }
0x1b: {  	s9 =	sadd.s32 $0xFFFFFEF7, lr;
	s5 =	simm.s32 $0xFFFFFFFF;
	p2 =	slt.u32 s8, $0xFFFFF086  }
0x1c: {  	p1 =	slt.u32 s9, $0xF7A;
	s5 =	simm.s32 @!p2 $0x0  }
0x1d: {  	s5 =	simm.s32 @p1 $0x1;
	p0 =	seq.s32 s7, s2  }
0x1e: {  	s7 =	smul.u32 @!p0 $0xF7A, s2;
	p2 =	seq.s32 @!p0 s5, $0x0  }
0x1f: {  	s9 =	smul.u32 $0xF7A, s1;
	s8 =	simm.s32 @!p0 $0x1BF5;
	p2 =	por !p2, p0  }
0x20: {  	[sflag:s8] =	ssyncset.s32 @!p0 $0xFFFFF086;
	s6 =	sadd.s32 @!p0 s3, s7;
	s7 =	simm.s32 @!p0 $0x108  }
0x21: {  	s3 =	sadd.s32 s3, s9;
	s6 =	sadd.s32 @!p0 $0x88, s6;
	s7 =	simm.s32 @p2 $0x1082  }
0x22: {  	[simem:s7], [sflag:s8] =	dma.local @!p0 [hbm:s6], $0xF7A  }
0x23: {  	s9 =	sor.u32 $0xD0000000, s2;
	s6 =	simm.s32 $0x108;
	_ =	swait.ge @!p0 [sflag:s8], $0x0  }
0x24: {  	s3 =	sadd.s32 $0x88, s3;
	s6 =	simm.s32 @!p1 $0x1082;
	[sflag:s4] =	ssyncset.s32 $0xFFFFF086  }
0x25: {  	[simem:s6], [sflag:s4] =	dma.local [hbm:s3], $0xF7A  }
0x26: {  	[smem:$0x3F8C] =	sst s1;
	(tag) =	ssettag s2;
	_ =	strace s9  }
0x27: {  	s1 =	sld [smem:$0x3F9C]  }
0x28: {  	s2 =	sld [smem:$0x3F9D]  }
0x29: {  	s4 =	sld [smem:$0x3F9F]  }
0x2a: {  	p0 =	seq.s32 s5, $0x0;
	s5 =	sld [smem:$0x3FA0]  }
0x2b: {  	s6 =	sld [smem:$0x3FA1]  }
0x2c: {  	s7 =	sld [smem:$0x3FA2]  }
0x2d: {  	s3 =	simm.s32 $0x108;
	s8 =	sld [smem:$0x3FA3]  }
0x2e: {  	s3 =	simm.s32 @!p0 $0x1082;
	s9 =	sld [smem:$0x3FA4]  }
0x2f: {  	lr =	sadd.s32 s0, s3;
	s0 =	sld [smem:$0x3F9B]  }
0x30: {  	s3 =	sld [smem:$0x3F9E]  }
0x31: {  	[smem:$0x3FA7] =	sst s10  }
0x32: {  	s10 =	sld [smem:$0x3FA5];
	_ =	sdelay $0x3  }
0x33: {  	p0 =	seq.s32 s10, $0x1;
	s10 =	sld [smem:$0x3FA7];
	_ =	sdelay $0x3  }
0x34: {  	[smem:$0x3FA7] =	sst s10  }
0x35: {  	s10 =	sld [smem:$0x3FA6];
	_ =	sdelay $0x3  }
0x36: {  	p1 =	seq.s32 s10, $0x1;
	s10 =	sld [smem:$0x3FA7];
	_ =	sdelay $0x3  }
0x37: {  	[smem:$0x3FA7] =	sst s10  }
0x38: {  	s10 =	sld [smem:$0x3FA8]  }
0x39: {  	_ = 	snop;
	(pc) =	sbr.ind lr, $3  }
0x3a: {  	_ = 	snop  }
0x3b: {  	_ = 	snop  }
0x3c: {  	p2 =	seq.s32 s10, $0x1;
	s10 =	sld [smem:$0x3FA7]  }
0x3d: {  	_ =	shalt  }
0x3e: {  	_ =	shalt  }
0x3f: {  	_ =	shalt  }
0x40: {  	_ =	shalt  }
0x41: {  	_ =	shalt  }
0x42: {  	_ =	shalt  }
0x43: {  	_ =	shalt  }
0x44: {  	_ =	shalt  }
0x45: {  	_ =	shalt  }
0x46: {  	_ =	shalt  }
0x47: {  	_ =	shalt  }
0x48: {  	_ =	shalt  }
0x49: {  	_ =	shalt  }
0x4a: {  	_ =	shalt  }
0x4b: {  	_ =	shalt  }
0x4c: {  	_ =	shalt  }
0x4d: {  	_ =	shalt  }
0x4e: {  	_ =	shalt  }
0x4f: {  	_ =	shalt  }
0x50: {  	_ =	shalt  }
0x51: {  	_ =	shalt  }
0x52: {  	_ =	shalt  }
0x53: {  	_ =	shalt  }
0x54: {  	_ =	shalt  }
0x55: {  	_ =	shalt  }
0x56: {  	_ =	shalt  }
0x57: {  	_ =	shalt  }
0x58: {  	_ =	shalt  }
0x59: {  	_ =	shalt  }
0x5a: {  	_ =	shalt  }
0x5b: {  	_ =	shalt  }
0x5c: {  	_ =	shalt  }
0x5d: {  	_ =	shalt  }
0x5e: {  	_ =	shalt  }
0x5f: {  	_ =	shalt  }
0x60: {  	_ =	shalt  }
0x61: {  	_ =	shalt  }
0x62: {  	_ =	shalt  }
0x63: {  	_ =	shalt  }
0x64: {  	_ =	shalt  }
0x65: {  	_ =	shalt  }
0x66: {  	_ =	shalt  }
0x67: {  	_ =	shalt  }
0x68: {  	_ =	shalt  }
0x69: {  	_ =	shalt  }
0x6a: {  	_ =	shalt  }
0x6b: {  	_ =	shalt  }
0x6c: {  	_ =	shalt  }
0x6d: {  	_ =	shalt  }
0x6e: {  	_ =	shalt  }
0x6f: {  	_ =	shalt  }
0x70: {  	_ =	shalt  }
0x71: {  	_ =	shalt  }
0x72: {  	_ =	shalt  }
0x73: {  	_ =	shalt  }
0x74: {  	_ =	shalt  }
0x75: {  	_ =	shalt  }
0x76: {  	_ =	shalt  }
0x77: {  	_ =	shalt  }
0x78: {  	_ =	shalt  }
0x79: {  	_ =	shalt  }
0x7a: {  	_ =	shalt  }
0x7b: {  	_ =	shalt  }
0x7c: {  	_ =	shalt  }
0x7d: {  	_ =	shalt  }
0x7e: {  	_ =	shalt  }
0x7f: {  	_ =	shalt  }
0x80: {  	_ =	shalt  }
0x81: {  	_ =	shalt  }
0x82: {  	_ =	shalt  }
0x83: {  	_ =	shalt  }
0x84: {  	_ =	shalt  }
0x85: {  	_ =	shalt  }
0x86: {  	_ =	shalt  }
0x87: {  	_ =	shalt  }
.Lfunc_end0:
.L_simem_size_0:
called_computation.2_lowered:
.L_overlay_start_0:
0x88: {  	s2 =	sld [smem:$0x3FD9]  }
0x89: {  	s3 =	sld [smem:$0x3FFE];
	_ =	sdelay $0x1  }
0x8a: {  	s1 =	srdreg.scid  }
0x8b: {  	s0 =	sand.u32 $0x1, s1  }
0x8c: {  	s17 =	sshll.u32 s0, $0xA;
	s2 =	sadd.s32 s3, s2  }
0x8d: {  	s2 =	sadd.s32 s2, s17  }
0x8e: {  	[smem:$0x3FB3] =	sst s2  }
0x8f: {  	_ = 	snop  }
0x90: {  	s2 =	sld [smem:$0x3FD0];
	(tm) =	ssettm $0x1  }
0x91: {  	s18 =	sld [smem:$0x3FFB];
	_ =	sdelay $0x3  }
0x92: {  	_ =	strace s18  }
0x93: {  	s3 =	sld [smem:$0x3FFC];
	_ =	sdelay $0x3  }
0x94: {  	_ =	strace s3  }
0x95: {  	s3 =	sld [smem:$0x3FFD];
	_ =	sdelay $0x3  }
0x96: {  	_ =	strace s3  }
0x97: {  	_ =	strace $0x8FFFFFFF  }
0x98: {  	s19 =	sld [smem:$0x3FDB];
	_ =	sdelay $0x1  }
0x99: {  	s4 =	simm.s32 $_scs_section_size  }
0x9a: {  	s5 =	simm.s32 $_size__tile_overlayer_lowered;
	s6 =	simm.s32 $_tile_overlayer_lowered  }
0x9b: {  	s22 =	simm.s32 $0x1BFF;
	s21 =	sshll.u32 s6, $0x1;
	s3 =	sadd.s32 s4, s19  }
0x9c: {  	s7 =	simm.s32 $0x0;
	s20 =	sshll.u32 s5, $0x1;
	s5 =	sadd.s32 s21, s3  }
0x9d: {  	[timem:s7], [sflag:s22] =	dma.local [hbm:s5], s20  }
0x9e: {  	_ =	swait.ge [sflag:s22], s20  }
0x9f: {  	s4 =	ssub.s32 $0x0, s20;
	[sflag:s22] =	ssyncset.done $0x0  }
0xa0: {  	[sflag:s22] =	ssyncadd.s32 s4;
	_ =	sdelay $0x1  }
0xa1: {  	s23 =	simm.s32 $0x1B8B  }
0xa2: {  	_ =	swait.ge [sflag:s23], $0x1  }
0xa3: {  	[sflag:s23] =	ssyncset.done $0x0  }
0xa4: {  	s25 =	simm.s32 $0x1B8E;
	s24 =	sld [smem:$0x3FFE];
	[sflag:s23] =	ssyncadd.s32 $0xFFFFFFFF  }
0xa5: {  	s26 =	simm.s32 $execute0_lowered;
	[smem:$0x3FD2] =	sst s25  }
0xa6: {  	s5 =	sshll.u32 s26, $0x1;
	_ =	strace $0x8000004C;
	[dreg:$0x1] =	wrdreg $0xFFFFFFFF  }
0xa7: {  	s28 =	simm.s32 $_size_execute0_lowered;
	s3 =	sadd.s32 s3, s5;
	[dreg:$0x0] =	wrdreg $0x0  }
0xa8: {  	s5 =	sshll.u32 s28, $0x1;
	[dreg:$0x2] =	wrdreg s3  }
0xa9: {  	[dreg:$0x3] =	wrdreg s5  }
0xaa: {  	[dreg:$0x4] =	wrdreg $0xC0  }
0xab: {  	_ =	task [dreg:s7], $0x5FFFF  }
0xac: {  	[dreg:$0x1] =	wrdreg $0xFFFFFFFF  }
0xad: {  	[dreg:$0x0] =	wrdreg $0x60  }
0xae: {  	[dreg:$0x2] =	wrdreg s24  }
0xaf: {  	[dreg:$0x3] =	wrdreg s2  }
0xb0: {  	[dreg:$0x4] =	wrdreg $0x0  }
0xb1: {  	[dreg:$0x5] =	wrdreg $0x9  }
0xb2: {  	_ =	task.clear_ibuf [dreg:s7], $0x6FFFF;
	_ =	strace $0x9000004C  }
0xb3: {  	s29 =	simm.s32 $0x9;
	_ =	strace $0x8000004E  }
0xb4: {  	_ =	swait.ge [sflag:s29], $0x1  }
0xb5: {  	[sflag:s29] =	ssyncadd.s32 $0xFFFFFFFF  }
0xb6: {  	_ =	strace $0x9000004E  }
0xb7: {  	_ =	sfence  }
0xb8: {  	s30 =	sld [smem:$0x0];
	_ =	sdelay $0x2  }
0xb9: {  	s31 =	sshll.u32 s1, $0xD;
	s1 =	sshrl.u32 s1, $0x2  }
0xba: {  	s3 =	sand.u32 $0x4000, s31;
	s1 =	sadd.s32 s1, s30  }
0xbb: {  	s0 =	sor.u32 s3, s0;
	s1 =	sshll.u32 s1, $0x11  }
0xbc: {  	s0 =	sor.u32 s1, s0  }
0xbd: {  	s0 =	sadd.s32 $0x8F2B, s0  }
0xbe: {  	[sflag:s0] =	ssyncadd.remote.s32 $0x1  }
0xbf: {  	_ =	sfence.sel $0xFFFF  }
0xc0: {  	[dreg:$0x0] =	wrdreg $0xFFFFFFFF;
	(pc) =	sbr.abs _section_cstart, $3  }
0xc1: {  	[dreg:$0x1] =	wrdreg $0xFFFFFFFF  }
0xc2: {  	_ =	task.clear_ibuf [dreg:s7], $0x2FFFF;
	_ =	strace $0x9FFFFFFF  }
0xc3: {  	(tm) =	ssettm $0x7FFFFFFF  }
tec
execute0_lowered:
.L_overlay_start_1:
0x0: {  	(tag) =	ssettag $0x1  }
0x1: {  	s6 =	rddreg [dreg:$0x0]  }
0x2: {  	s1 =	rddreg [dreg:$0x1]  }
0x3: {  	s2 =	rddreg [dreg:$0x2]  }
0x4: {  	s3 =	srdreg.scid;
	s0 =	rddreg [dreg:$0x3]  }
0x5: {  	s4 =	simm.s32 $0x0;
	s20 =	simm.s32 $0x14000;
	s21 =	simm.s32 $0x14080  }
0x6: {  	s22 =	simm.s32 $0x80;
	s23 =	simm.s32 $0x1;
	s8 =	sand.u32 $0x1, s3  }
0x7: {  	s24 =	simm.s32 $0x0;
	s3 =	stileid.u32;
	s7 =	smul.u32 $0xA000, s8  }
0x8: {  	[smem:$0x7FF] =	sst s4;
	s5 =	sadd.s32 $0x69C00, s6;
	s9 =	smul.u32 $0x50000, s3  }
0x9: {  	s15 =	sadd.s32 $0x90E00, s6;
	_ =	strace $0x8000004D;
	s11 =	smul.u32 $0x14000, s3  }
0xa: {  	s28 =	ssub.s32 $0x2, s8;
	s18 =	smul.u32 $0x140000, s8;
	s30 =	sshll.u32 s3, $0x5  }
0xb: {  	s29 =	sshrl.u32 s28, $0x1;
	s16 =	sadd.s32 s7, s6;
	s9 =	sshrl.u32 s9, $0x2  }
0xc: {  	s12 =	sadd.s32 $0x4000, s11;
	s17 =	ssub.s32 s28, s29;
	s13 =	sadd.s32 $0x8000, s11  }
0xd: {  	s14 =	sadd.s32 $0xC000, s11;
	s19 =	sadd.s32 $0x10000, s11;
	s11 =	sadd.s32 s11, s18  }
0xe: {  	s6 =	sadd.s32 s9, s2;
	s7 =	sadd.s32 s12, s2;
	s8 =	sadd.s32 s13, s2  }
0xf: {  	s9 =	sadd.s32 s14, s2;
	s10 =	sadd.s32 s19, s2;
	s12 =	sadd.s32 s18, s12  }
0x10: {  	s11 =	sshrl.u32 s11, $0x3;
	s13 =	sadd.s32 s18, s13;
	s14 =	sadd.s32 s18, s14  }
0x11: {  	s18 =	sadd.s32 s18, s19;
	s31 =	sadd.s32 s30, s16;
	s16 =	smax.u32 s17, $0x1  }
0x12: {  	s19 =	simm.s32 $0x2;
	s12 =	sshrl.u32 s12, $0x3;
	s11 =	sadd.s32 s15, s11  }
0x13: {  	s13 =	sshrl.u32 s13, $0x3;
	s14 =	sshrl.u32 s14, $0x3;
	s18 =	sshrl.u32 s18, $0x3  }
0x14: {  	s17 =	sadd.s32 $0x5400, s31;
	s12 =	sadd.s32 s15, s12;
	s13 =	sadd.s32 s15, s13  }
0x15: {  	s14 =	sadd.s32 s15, s14;
	s15 =	sadd.s32 s15, s18;
	s18 =	simm.s32 $0x14100  }
.LBB2_1:
0x16: {  	[tilespmem:s18], [sflag:$0x2] =	stream.linear.gather [hbm4b:s1+s4], $0x4000, $0x38;
	[tilespmem:$0x18100] =	vst v63  }
0x17: {  	_ =	swait.ge [sflag:s19], $0x4000  }
0x18: {  	[sflag:s19] =	ssyncset.done $0x0  }
0x19: {  	[sflag:s19] =	ssyncadd.s32 $0xFFFFC000  }
0x1a: {  	[spmem:s6] =	stream.linear.scatter [tilespmem:s18], [sflag:$0x2], $0x4000, $0x38;
	[tilespmem:$0x18100] =	vst v63  }
0x1b: {  	_ =	swait.ge [sflag:s19], $0x4000  }
0x1c: {  	[sflag:s19] =	ssyncset.done $0x0  }
0x1d: {  	[sflag:s19] =	ssyncadd.s32 $0xFFFFC000  }
0x1e: {  	[spmem:s7] =	stream.linear.scatter [tilespmem:s18], [sflag:$0x2], $0x4000, $0x38;
	[tilespmem:$0x18100] =	vst v63  }
0x1f: {  	_ =	swait.ge [sflag:s19], $0x4000  }
0x20: {  	[sflag:s19] =	ssyncset.done $0x0  }
0x21: {  	[sflag:s19] =	ssyncadd.s32 $0xFFFFC000  }
0x22: {  	[spmem:s8] =	stream.linear.scatter [tilespmem:s18], [sflag:$0x2], $0x4000, $0x38;
	[tilespmem:$0x18100] =	vst v63  }
0x23: {  	_ =	swait.ge [sflag:s19], $0x4000  }
0x24: {  	[sflag:s19] =	ssyncset.done $0x0  }
0x25: {  	[sflag:s19] =	ssyncadd.s32 $0xFFFFC000  }
0x26: {  	[spmem:s9] =	stream.linear.scatter [tilespmem:s18], [sflag:$0x2], $0x4000, $0x38;
	[tilespmem:$0x18100] =	vst v63  }
0x27: {  	_ =	swait.ge [sflag:s19], $0x4000  }
0x28: {  	[sflag:s19] =	ssyncset.done $0x0  }
0x29: {  	[sflag:s19] =	ssyncadd.s32 $0xFFFFC000  }
0x2a: {  	[spmem:s10] =	stream.linear.scatter [tilespmem:s18], [sflag:$0x2], $0x4000, $0x38;
	[tilespmem:$0x18100] =	vst v63  }
0x2b: {  	_ =	swait.ge [sflag:s19], $0x4000  }
0x2c: {  	[sflag:s19] =	ssyncset.done $0x0  }
0x2d: {  	[sflag:s19] =	ssyncadd.s32 $0xFFFFC000  }
0x2e: {  	s25 =	sadd.s32 $0x0, s17;
	[bflag:$0x0] =	sbarrier.arrive $0xFFFF  }
0x2f: {  	[tilespmem:s20], [sflag:$0x2] =	stream.linear.gather [hbm4b:s25+s4], $0x80, $0x38;
	[tilespmem:$0x18100] =	vst v63  }
0x30: {  	_ =	swait.ge [sflag:s19], $0x80  }
0x31: {  	[sflag:s19] =	ssyncset.done $0x0  }
0x32: {  	s25 =	sadd.s32 $0x10, s25;
	[sflag:s19] =	ssyncadd.s32 $0xFFFFFF80  }
0x33: {  	[tilespmem:s21], [sflag:$0x2] =	stream.linear.gather [hbm4b:s25+s4], $0x80, $0x38;
	[tilespmem:$0x18100] =	vst v63  }
0x34: {  	_ =	swait.ge [sflag:s19], $0x80  }
0x35: {  	[sflag:s19] =	ssyncset.done $0x0  }
0x36: {  	[sflag:s19] =	ssyncadd.s32 $0xFFFFFF80  }
0x37: {  	[tilespmem:s18], [sflag:$0x1] =	stream.indirect.gather [hbm4b:s5+s22], $0x80, s20, s22, $0xb8;
	[tilespmem:$0x18100] =	vst v63  }
0x38: {  	_ =	swait.ge [sflag:s23], $0x4000  }
0x39: {  	[sflag:s23] =	ssyncset.done $0x0  }
0x3a: {  	[sflag:s23] =	ssyncadd.s32 $0xFFFFC000  }
0x3b: {  	[spmem:s2] =	stream.indirect.scatter.add.f32 [tilespmem:s18], [sflag:$0x2], $0x80, s21, s22, $0xb8;
	[tilespmem:$0x18100] =	vst v63  }
0x3c: {  	_ =	swait.ge [sflag:s19], $0x4000  }
0x3d: {  	s26 =	simm.s32 $0x400;
	s25 =	simm.s32 $0x200;
	[sflag:s19] =	ssyncset.done $0x0  }
.LBB2_2:
0x3e: {  	s28 =	sadd.s32 s25, s17  }
0x3f: {  	[sflag:s19] =	ssyncadd.s32 $0xFFFFC000;
	s25 =	smov.u32 s26;
	s29 =	sadd.s32 $0x200, s26  }
0x40: {  	[tilespmem:s20], [sflag:$0x2] =	stream.linear.gather [hbm4b:s28+s4], $0x80, $0x38;
	[tilespmem:$0x18100] =	vst v63  }
0x41: {  	p0 =	sne.s32 s26, $0x9E00;
	_ =	swait.ge [sflag:s19], $0x80  }
0x42: {  	[sflag:s19] =	ssyncset.done $0x0  }
0x43: {  	s26 =	sadd.s32 $0x10, s28;
	[sflag:s19] =	ssyncadd.s32 $0xFFFFFF80  }
0x44: {  	[tilespmem:s21], [sflag:$0x2] =	stream.linear.gather [hbm4b:s26+s4], $0x80, $0x38;
	[tilespmem:$0x18100] =	vst v63  }
0x45: {  	_ =	swait.ge [sflag:s19], $0x80  }
0x46: {  	[sflag:s19] =	ssyncset.done $0x0  }
0x47: {  	[sflag:s19] =	ssyncadd.s32 $0xFFFFFF80  }
0x48: {  	[tilespmem:s18], [sflag:$0x1] =	stream.indirect.gather [hbm4b:s5+s22], $0x80, s20, s22, $0xb8;
	[tilespmem:$0x18100] =	vst v63  }
0x49: {  	_ =	swait.ge [sflag:s23], $0x4000  }
.Ltmp0:
0x4a: {  	[sflag:s23] =	ssyncset.done $0x0;
	(pc) =	sbr.rel @p0 .LBB2_2-.Ltmp0, $4  }
0x4b: {  	[sflag:s23] =	ssyncadd.s32 $0xFFFFC000  }
0x4c: {  	[spmem:s2] =	stream.indirect.scatter.add.f32 [tilespmem:s18], [sflag:$0x2], $0x80, s21, s22, $0xb8;
	[tilespmem:$0x18100] =	vst v63  }
0x4d: {  	_ =	swait.ge [sflag:s19], $0x4000  }
0x4e: {  	s26 =	smov.u32 s29;
	[sflag:s19] =	ssyncset.done $0x0  }
0x4f: {  	s25 =	sadd.s32 s25, s17;
	[sflag:s19] =	ssyncadd.s32 $0xFFFFC000  }
0x50: {  	[tilespmem:s20], [sflag:$0x2] =	stream.linear.gather [hbm4b:s25+s4], $0x80, $0x38;
	[tilespmem:$0x18100] =	vst v63  }
0x51: {  	_ =	swait.ge [sflag:s19], $0x80  }
0x52: {  	[sflag:s19] =	ssyncset.done $0x0  }
0x53: {  	s25 =	sadd.s32 $0x10, s25;
	[sflag:s19] =	ssyncadd.s32 $0xFFFFFF80  }
0x54: {  	[tilespmem:s21], [sflag:$0x2] =	stream.linear.gather [hbm4b:s25+s4], $0x80, $0x38;
	[tilespmem:$0x18100] =	vst v63  }
0x55: {  	_ =	swait.ge [sflag:s19], $0x80  }
0x56: {  	[sflag:s19] =	ssyncset.done $0x0  }
0x57: {  	[sflag:s19] =	ssyncadd.s32 $0xFFFFFF80  }
0x58: {  	[tilespmem:s18], [sflag:$0x1] =	stream.indirect.gather [hbm4b:s5+s22], $0x80, s20, s22, $0xb8;
	[tilespmem:$0x18100] =	vst v63  }
0x59: {  	_ =	swait.ge [sflag:s23], $0x4000  }
0x5a: {  	[sflag:s23] =	ssyncset.done $0x0  }
0x5b: {  	[sflag:s23] =	ssyncadd.s32 $0xFFFFC000  }
0x5c: {  	[spmem:s2] =	stream.indirect.scatter.add.f32 [tilespmem:s18], [sflag:$0x2], $0x80, s21, s22, $0xb8;
	[tilespmem:$0x18100] =	vst v63  }
0x5d: {  	_ =	swait.ge [sflag:s19], $0x4000  }
0x5e: {  	[sflag:s19] =	ssyncset.done $0x0  }
0x5f: {  	[sflag:s19] =	ssyncadd.s32 $0xFFFFC000  }
0x60: {  	[bflag:$0x0] =	sbarrier.arrive $0xFFFF  }
0x61: {  	[tilespmem:s18], [sflag:$0x2] =	stream.linear.gather [spmem:s6], $0x4000, $0x38;
	[tilespmem:$0x18100] =	vst v63  }
0x62: {  	_ =	swait.ge [sflag:s19], $0x4000  }
0x63: {  	[sflag:s19] =	ssyncset.done $0x0  }
0x64: {  	[sflag:s19] =	ssyncadd.s32 $0xFFFFC000  }
0x65: {  	[hbm4b:s11+s4] =	stream.linear.scatter [tilespmem:s18], [sflag:$0x2], $0x4000, $0x38;
	[tilespmem:$0x18100] =	vst v63  }
0x66: {  	_ =	swait.ge [sflag:s19], $0x4000  }
0x67: {  	[sflag:s19] =	ssyncset.done $0x0  }
0x68: {  	[sflag:s19] =	ssyncadd.s32 $0xFFFFC000  }
0x69: {  	[tilespmem:s18], [sflag:$0x2] =	stream.linear.gather [spmem:s7], $0x4000, $0x38;
	[tilespmem:$0x18100] =	vst v63  }
0x6a: {  	_ =	swait.ge [sflag:s19], $0x4000  }
0x6b: {  	[sflag:s19] =	ssyncset.done $0x0  }
0x6c: {  	[sflag:s19] =	ssyncadd.s32 $0xFFFFC000  }
0x6d: {  	[hbm4b:s12+s4] =	stream.linear.scatter [tilespmem:s18], [sflag:$0x2], $0x4000, $0x38;
	[tilespmem:$0x18100] =	vst v63  }
0x6e: {  	_ =	swait.ge [sflag:s19], $0x4000  }
0x6f: {  	[sflag:s19] =	ssyncset.done $0x0  }
0x70: {  	[sflag:s19] =	ssyncadd.s32 $0xFFFFC000  }
0x71: {  	[tilespmem:s18], [sflag:$0x2] =	stream.linear.gather [spmem:s8], $0x4000, $0x38;
	[tilespmem:$0x18100] =	vst v63  }
0x72: {  	_ =	swait.ge [sflag:s19], $0x4000  }
0x73: {  	[sflag:s19] =	ssyncset.done $0x0  }
0x74: {  	[sflag:s19] =	ssyncadd.s32 $0xFFFFC000  }
0x75: {  	[hbm4b:s13+s4] =	stream.linear.scatter [tilespmem:s18], [sflag:$0x2], $0x4000, $0x38;
	[tilespmem:$0x18100] =	vst v63  }
0x76: {  	_ =	swait.ge [sflag:s19], $0x4000  }
0x77: {  	[sflag:s19] =	ssyncset.done $0x0  }
0x78: {  	[sflag:s19] =	ssyncadd.s32 $0xFFFFC000  }
0x79: {  	[tilespmem:s18], [sflag:$0x2] =	stream.linear.gather [spmem:s9], $0x4000, $0x38;
	[tilespmem:$0x18100] =	vst v63  }
0x7a: {  	_ =	swait.ge [sflag:s19], $0x4000  }
0x7b: {  	[sflag:s19] =	ssyncset.done $0x0  }
0x7c: {  	[sflag:s19] =	ssyncadd.s32 $0xFFFFC000  }
0x7d: {  	[hbm4b:s14+s4] =	stream.linear.scatter [tilespmem:s18], [sflag:$0x2], $0x4000, $0x38;
	[tilespmem:$0x18100] =	vst v63  }
0x7e: {  	_ =	swait.ge [sflag:s19], $0x4000  }
0x7f: {  	[sflag:s19] =	ssyncset.done $0x0  }
0x80: {  	[sflag:s19] =	ssyncadd.s32 $0xFFFFC000  }
0x81: {  	[tilespmem:s18], [sflag:$0x2] =	stream.linear.gather [spmem:s10], $0x4000, $0x38;
	[tilespmem:$0x18100] =	vst v63  }
0x82: {  	s24 =	sadd.s32 $0x1, s24;
	_ =	swait.ge [sflag:s19], $0x4000  }
0x83: {  	p0 =	sne.s32 s24, s16;
	[sflag:s19] =	ssyncset.done $0x0  }
.Ltmp1:
0x84: {  	[sflag:s19] =	ssyncadd.s32 $0xFFFFC000;
	(pc) =	sbr.rel @p0 .LBB2_1-.Ltmp1, $4  }
0x85: {  	[hbm4b:s15+s4] =	stream.linear.scatter [tilespmem:s18], [sflag:$0x2], $0x4000, $0x38;
	[tilespmem:$0x18100] =	vst v63  }
0x86: {  	_ =	swait.ge [sflag:s19], $0x4000  }
0x87: {  	[sflag:s19] =	ssyncset.done $0x0  }
0x88: {  	[sflag:s19] =	ssyncadd.s32 $0xFFFFC000  }
0x89: {  	_ =	sfence.sel $0x180000  }
0x8a: {  	[bflag:$0x0] =	sbarrier.arrive $0xFFFF  }
0x8b: {  	p0 =	sne.s32 s3, $0x0;
	_ =	strace $0x9000004D  }
0x8c: {  	s0 =	sadd.s32 @!p0 $0x100000, s0;
	[bflag:$0x2] =	sbarrier.arrive $0xFFFF  }
0x8d: {  	[sflag:s0] =	ssyncadd.tile.s32 @!p0 $0x1;
	_ =	shalt  }
.Lfunc_end2:
_tile_overlayer_lowered:
.L_overlay_start_2:
0x8e: {  	(tag) =	ssettag $0x2  }
0x8f: {  	s0 =	rddreg [dreg:$0x0];
	s2 =	stileid.u32  }
0x90: {  	s1 =	rddreg [dreg:$0x1];
	p0 =	sne.s32 s2, $0x0  }
0x91: {  	s3 =	rddreg [dreg:$0x2];
	[bflag:$0x3] =	sbarrier.arrive $0xFFFF;
	s2 =	simm.s32 @!p0 $0x1C02  }
0x92: {  	[timem:s3], [sflag:s2] =	dma.local @!p0 [hbm:s0], s1  }
0x93: {  	s0 =	simm.s32 @!p0 $0x2  }
0x94: {  	_ =	swait.ge @!p0 [sflag:s0], s1  }
0x95: {  	s1 =	ssub.s32 @!p0 $0x0, s1;
	[sflag:s0] =	ssyncset.done @!p0 $0x0  }
0x96: {  	[sflag:s0] =	ssyncadd.s32 @!p0 s1  }
0x97: {  	[bflag:$0x3] =	sbarrier.arrive $0xFFFF  }
0x98: {  	_ =	shalt  }

</sc_bundles>
